<compile_context>
chip_gen: v7x
topology: tpu7x:2x2x1
jax: 0.10.2.dev20260603
libtpu: 0.0.44.dev20260713+nightly
codegen_flags: <defaults>
</compile_context>

<pallas_src>
import functools

import jax
import jax.numpy as jnp
from jax import lax
from jax.experimental import pallas as pl
from jax.experimental.pallas import tpu as pltpu
from jax.experimental.pallas import tpu_sc as plsc

_B = 16384
_D = 64
_NC = 2
_NS = 16
_NW = _NC * _NS
_BPW = _B // _NW
_CHUNK = 256
_NCHUNK = _BPW // _CHUNK

_mesh = plsc.VectorSubcoreMesh(core_axis_name="c", subcore_axis_name="s")


@functools.partial(
    pl.kernel,
    out_type=(
        jax.ShapeDtypeStruct((_B,), jnp.float32),
        jax.ShapeDtypeStruct((_B, _D), jnp.float32),
        jax.ShapeDtypeStruct((_B, _D), jnp.float32),
    ),
    mesh=_mesh,
    compiler_params=pltpu.CompilerParams(needs_layout_passes=False),
    scratch_types=[
        pltpu.VMEM((_BPW,), jnp.int32),
        pltpu.VMEM((_BPW,), jnp.int32),
        pltpu.VMEM((_CHUNK, _D), jnp.float32),
        pltpu.VMEM((_CHUNK, _D), jnp.float32),
        pltpu.VMEM((_BPW,), jnp.float32),
        pltpu.SemaphoreType.DMA,
        pltpu.SemaphoreType.DMA,
        pltpu.SemaphoreType.DMA,
        pltpu.SemaphoreType.DMA,
    ],
)
def _bprmf_sc(users_hbm, items_hbm, gu_hbm, gi_hbm,
              xui_hbm, gu_out_hbm, gi_out_hbm,
              uidx_v, iidx_v, urows_v, irows_v, xui_v,
              sem_u, sem_i, sem_ou, sem_oi):
    wid = lax.axis_index("s") * _NC + lax.axis_index("c")
    base = wid * _BPW

    pltpu.sync_copy(users_hbm.at[pl.ds(base, _BPW)], uidx_v)
    pltpu.sync_copy(items_hbm.at[pl.ds(base, _BPW)], iidx_v)

    rix0 = lax.iota(jnp.int32, 16)

    for chunk in range(_NCHUNK):
        lo = chunk * _CHUNK

        @plsc.parallel_loop(0, _CHUNK // 16)
        def fire16(g):
            uvec = uidx_v[pl.ds(lo + g * 16, 16)]
            ivec = iidx_v[pl.ds(lo + g * 16, 16)]
            for j in range(16):
                pltpu.async_copy(
                    gu_hbm.at[pl.ds(uvec[j], 1)],
                    urows_v.at[pl.ds(g * 16 + j, 1)], sem_u)
                pltpu.async_copy(
                    gi_hbm.at[pl.ds(ivec[j], 1)],
                    irows_v.at[pl.ds(g * 16 + j, 1)], sem_i)
        pltpu.make_async_copy(
            gu_hbm.at[pl.ds(0, _CHUNK)], urows_v, sem_u).wait()
        pltpu.make_async_copy(
            gi_hbm.at[pl.ds(0, _CHUNK)], irows_v, sem_i).wait()

        def group(g, carry):
            rix = rix0 + g * 16

            def col4(c4, acc):
                for dc in range(4):
                    cc = jnp.broadcast_to(c4 * 4 + dc, (16,))
                    u = plsc.load_gather(urows_v, [rix, cc])
                    i = plsc.load_gather(irows_v, [rix, cc])
                    acc = acc + u * i
                return acc

            acc = lax.fori_loop(0, _D // 4, col4,
                                jnp.zeros((16,), jnp.float32))
            xui_v[pl.ds(lo + g * 16, 16)] = acc
            return carry

        lax.fori_loop(0, _CHUNK // 16, group, 0)

        ou = pltpu.async_copy(
            urows_v, gu_out_hbm.at[pl.ds(base + lo, _CHUNK)], sem_ou)
        oi = pltpu.async_copy(
            irows_v, gi_out_hbm.at[pl.ds(base + lo, _CHUNK)], sem_oi)
        ou.wait()
        oi.wait()

    pltpu.sync_copy(xui_v, xui_hbm.at[pl.ds(base, _BPW)])


def kernel(users, items, Gu, Gi):
    users = users.astype(jnp.int32)
    items = items.astype(jnp.int32)
    xui, gamma_u, gamma_i = _bprmf_sc(users, items, Gu, Gi)
    return (xui, gamma_u, gamma_i)

# --- scband reference (transcript-rebuilt; emitter-appended) ---
"""Pipeline reference for scband-bprmfmodel-79164837200340 (READ-ONLY COPY).

The authoritative reference and input builder live on the scoring server;
editing this copy changes nothing except your own understanding.
"""

import jax, jax.numpy as jnp
import numpy as np

NUM_USERS = 1000000
NUM_ITEMS = 1000000
EMBED_K = 64
BATCH = 16384

def setup_inputs(seed: int = 0) -> dict:
    key = jax.random.key(seed)
    k1, k2, k3, k4 = jax.random.split(key, 4)
    users = jax.random.randint(k1, (BATCH,), 0, NUM_USERS)
    items = jax.random.randint(k2, (BATCH,), 0, NUM_ITEMS)
    Gu = jax.random.normal(k3, (NUM_USERS, EMBED_K), dtype=jnp.float32) * 0.01
    Gi = jax.random.normal(k4, (NUM_ITEMS, EMBED_K), dtype=jnp.float32) * 0.01
    return {"users": users, "items": items, "Gu": Gu, "Gi": Gi}

def reference(users, items, Gu, Gi):
    # gamma_u = squeeze(Gu.embed_all()[users]); gamma_i = squeeze(Gi.embed_all()[items])
    gamma_u = jnp.squeeze(jnp.take(Gu, users, axis=0))
    gamma_i = jnp.squeeze(jnp.take(Gi, items, axis=0))
    xui = jnp.sum(gamma_u * gamma_i, -1)
    return (xui, gamma_u, gamma_i)

if __name__ == "__main__":
    import jax
    _d = setup_inputs()
    print(jax.jit(kernel)(*tuple(_d.values())))

</pallas_src>

<mosaic_0001>
#map = affine_map<(d0, d1) -> (0)>
#map1 = affine_map<(d0, d1) -> (0, 0)>
module attributes {stable_mosaic.version = 14 : i64} {
  func.func @_bprmf_sc(%arg0: i32, %arg1: i32, %arg2: memref<16384xi32, #tpu.memory_space<hbm>>, %arg3: memref<16384xi32, #tpu.memory_space<hbm>>, %arg4: memref<1000000x64xf32, #tpu.memory_space<hbm>>, %arg5: memref<1000000x64xf32, #tpu.memory_space<hbm>>, %arg6: memref<16384xf32, #tpu.memory_space<hbm>>, %arg7: memref<16384x64xf32, #tpu.memory_space<hbm>>, %arg8: memref<16384x64xf32, #tpu.memory_space<hbm>>, %arg9: memref<512xi32, #tpu.memory_space<vmem>>, %arg10: memref<512xi32, #tpu.memory_space<vmem>>, %arg11: memref<256x64xf32, #tpu.memory_space<vmem>>, %arg12: memref<256x64xf32, #tpu.memory_space<vmem>>, %arg13: memref<512xf32, #tpu.memory_space<vmem>>, %arg14: memref<!tpu.dma_semaphore, #tpu.memory_space<semaphore_mem>>, %arg15: memref<!tpu.dma_semaphore, #tpu.memory_space<semaphore_mem>>, %arg16: memref<!tpu.dma_semaphore, #tpu.memory_space<semaphore_mem>>, %arg17: memref<!tpu.dma_semaphore, #tpu.memory_space<semaphore_mem>>) attributes {dimension_semantics = [#tpu.dimension_semantics<core_parallel>, #tpu.dimension_semantics<subcore_parallel>], iteration_bounds = array<i64: 2, 16>, scalar_prefetch = 0 : i64, scratch_operands = 9 : i64, tpu.core_type = #tpu.core_type<sc_vector_subcore>, window_params = [{transform_indices = #map}, {transform_indices = #map}, {transform_indices = #map1}, {transform_indices = #map1}, {transform_indices = #map}, {transform_indices = #map1}, {transform_indices = #map1}]} {
    %mul3A = arith.constant 2 : i32
    %mul3A_0 = arith.muli %arg1, %mul3A : i32
    %add3A = arith.addi %mul3A_0, %arg0 : i32
    %mul3A_1 = arith.constant 512 : i32
    %mul3A_2 = arith.muli %add3A, %mul3A_1 : i32
    "tpu.region"() ({
      %run_scoped3A = tpu.sem_alloc : memref<!tpu.dma_semaphore, #tpu.memory_space<semaphore_mem>>
      %dma_start3A_81 = tpu.memref_slice %arg2[%mul3A_2] : memref<16384xi32, #tpu.memory_space<hbm>> -> memref<512xi32, #tpu.memory_space<hbm>>
      %dma_start3A_82 = tpu.memref_slice %arg2[%mul3A_2] : memref<16384xi32, #tpu.memory_space<hbm>> -> memref<512xi32, #tpu.memory_space<hbm>>
      tpu.enqueue_dma source(%dma_start3A_82 : memref<512xi32, #tpu.memory_space<hbm>>) target(%arg9 : memref<512xi32, #tpu.memory_space<vmem>>) target_semaphore(%run_scoped3A : memref<!tpu.dma_semaphore, #tpu.memory_space<semaphore_mem>>)
      %dma_wait3A_83 = tpu.memref_slice %arg2[%mul3A_2] : memref<16384xi32, #tpu.memory_space<hbm>> -> memref<512xi32, #tpu.memory_space<hbm>>
      %dma_wait3A_84 = tpu.memref_slice %arg2[%mul3A_2] : memref<16384xi32, #tpu.memory_space<hbm>> -> memref<512xi32, #tpu.memory_space<hbm>>
      tpu.wait_dma2 semaphore(%run_scoped3A : memref<!tpu.dma_semaphore, #tpu.memory_space<semaphore_mem>>) src(%dma_wait3A_84 : memref<512xi32, #tpu.memory_space<hbm>>) dst(%arg9 : memref<512xi32, #tpu.memory_space<vmem>>)
      tpu.yield
    }) : () -> ()
    "tpu.region"() ({
      %run_scoped3A = tpu.sem_alloc : memref<!tpu.dma_semaphore, #tpu.memory_space<semaphore_mem>>
      %dma_start3A_81 = tpu.memref_slice %arg3[%mul3A_2] : memref<16384xi32, #tpu.memory_space<hbm>> -> memref<512xi32, #tpu.memory_space<hbm>>
      %dma_start3A_82 = tpu.memref_slice %arg3[%mul3A_2] : memref<16384xi32, #tpu.memory_space<hbm>> -> memref<512xi32, #tpu.memory_space<hbm>>
      tpu.enqueue_dma source(%dma_start3A_82 : memref<512xi32, #tpu.memory_space<hbm>>) target(%arg10 : memref<512xi32, #tpu.memory_space<vmem>>) target_semaphore(%run_scoped3A : memref<!tpu.dma_semaphore, #tpu.memory_space<semaphore_mem>>)
      %dma_wait3A_83 = tpu.memref_slice %arg3[%mul3A_2] : memref<16384xi32, #tpu.memory_space<hbm>> -> memref<512xi32, #tpu.memory_space<hbm>>
      %dma_wait3A_84 = tpu.memref_slice %arg3[%mul3A_2] : memref<16384xi32, #tpu.memory_space<hbm>> -> memref<512xi32, #tpu.memory_space<hbm>>
      tpu.wait_dma2 semaphore(%run_scoped3A : memref<!tpu.dma_semaphore, #tpu.memory_space<semaphore_mem>>) src(%dma_wait3A_84 : memref<512xi32, #tpu.memory_space<hbm>>) dst(%arg10 : memref<512xi32, #tpu.memory_space<vmem>>)
      tpu.yield
    }) : () -> ()
    %iota3A = tpu.iota {dimensions = array<i32: 0>} : vector<16xi32>
    %parallel_loop3A = arith.constant 0 : i32
    %parallel_loop3A_3 = arith.constant 16 : i32
    %parallel_loop3A_4 = arith.constant 1 : i32
    scf.for %parallel_loop3A_81 = %parallel_loop3A to %parallel_loop3A_3 step %parallel_loop3A_4  : i32 {
      %parallel_loop3A_82 = arith.constant 16 : i32
      %parallel_loop3A_83 = arith.muli %parallel_loop3A_81, %parallel_loop3A_82 : i32
      %parallel_loop3A_84 = arith.constant 0 : i32
      %parallel_loop3A_85 = arith.addi %parallel_loop3A_84, %parallel_loop3A_83 : i32
      %parallel_loop3A_86 = arith.index_cast %parallel_loop3A_85 : i32 to index
      %parallel_loop3A_87 = tpu.vector_load %arg9[%parallel_loop3A_86] {strides = array<i32>} : memref<512xi32, #tpu.memory_space<vmem>>, vector<16xi32>,
      %parallel_loop3A_88 = arith.constant 16 : i32
      %parallel_loop3A_89 = arith.muli %parallel_loop3A_81, %parallel_loop3A_88 : i32
      %parallel_loop3A_90 = arith.constant 0 : i32
      %parallel_loop3A_91 = arith.addi %parallel_loop3A_90, %parallel_loop3A_89 : i32
      %parallel_loop3A_92 = arith.index_cast %parallel_loop3A_91 : i32 to index
      %parallel_loop3A_93 = tpu.vector_load %arg10[%parallel_loop3A_92] {strides = array<i32>} : memref<512xi32, #tpu.memory_space<vmem>>, vector<16xi32>,
      %parallel_loop3A_94 = vector.extract_strided_slice %parallel_loop3A_87 {offsets = [0], sizes = [1], strides = [1]} : vector<16xi32> to vector<1xi32>
      %parallel_loop3A_95 = vector.extract %parallel_loop3A_94[0] : i32 from vector<1xi32>
      %parallel_loop3A_96 = arith.constant 16 : i32
      %parallel_loop3A_97 = arith.muli %parallel_loop3A_81, %parallel_loop3A_96 : i32
      %parallel_loop3A_98 = arith.constant 0 : i32
      %parallel_loop3A_99 = arith.addi %parallel_loop3A_97, %parallel_loop3A_98 : i32
      %parallel_loop3A_100 = arith.constant 0 : i32
      %parallel_loop3A_101 = tpu.memref_slice %arg11[%parallel_loop3A_99, %parallel_loop3A_100] : memref<256x64xf32, #tpu.memory_space<vmem>> -> memref<1x64xf32, #tpu.memory_space<vmem>>
      %parallel_loop3A_102 = arith.constant 0 : i32
      %parallel_loop3A_103 = tpu.memref_slice %arg4[%parallel_loop3A_95, %parallel_loop3A_102] : memref<1000000x64xf32, #tpu.memory_space<hbm>> -> memref<1x64xf32, #tpu.memory_space<hbm>>
      %parallel_loop3A_104 = arith.constant 0 : i32
      %parallel_loop3A_105 = tpu.memref_slice %arg11[%parallel_loop3A_99, %parallel_loop3A_104] : memref<256x64xf32, #tpu.memory_space<vmem>> -> memref<1x64xf32, #tpu.memory_space<vmem>>
      %parallel_loop3A_106 = arith.constant 0 : i32
      %parallel_loop3A_107 = tpu.memref_slice %arg4[%parallel_loop3A_95, %parallel_loop3A_106] : memref<1000000x64xf32, #tpu.memory_space<hbm>> -> memref<1x64xf32, #tpu.memory_space<hbm>>
      tpu.enqueue_dma source(%parallel_loop3A_107 : memref<1x64xf32, #tpu.memory_space<hbm>>) target(%parallel_loop3A_105 : memref<1x64xf32, #tpu.memory_space<vmem>>) target_semaphore(%arg14 : memref<!tpu.dma_semaphore, #tpu.memory_space<semaphore_mem>>)
      %parallel_loop3A_108 = vector.extract_strided_slice %parallel_loop3A_93 {offsets = [0], sizes = [1], strides = [1]} : vector<16xi32> to vector<1xi32>
      %parallel_loop3A_109 = vector.extract %parallel_loop3A_108[0] : i32 from vector<1xi32>
      %parallel_loop3A_110 = arith.constant 16 : i32
      %parallel_loop3A_111 = arith.muli %parallel_loop3A_81, %parallel_loop3A_110 : i32
      %parallel_loop3A_112 = arith.constant 0 : i32
      %parallel_loop3A_113 = arith.addi %parallel_loop3A_111, %parallel_loop3A_112 : i32
      %parallel_loop3A_114 = arith.constant 0 : i32
      %parallel_loop3A_115 = tpu.memref_slice %arg12[%parallel_loop3A_113, %parallel_loop3A_114] : memref<256x64xf32, #tpu.memory_space<vmem>> -> memref<1x64xf32, #tpu.memory_space<vmem>>
      %parallel_loop3A_116 = arith.constant 0 : i32
      %parallel_loop3A_117 = tpu.memref_slice %arg5[%parallel_loop3A_109, %parallel_loop3A_116] : memref<1000000x64xf32, #tpu.memory_space<hbm>> -> memref<1x64xf32, #tpu.memory_space<hbm>>
      %parallel_loop3A_118 = arith.constant 0 : i32
      %parallel_loop3A_119 = tpu.memref_slice %arg12[%parallel_loop3A_113, %parallel_loop3A_118] : memref<256x64xf32, #tpu.memory_space<vmem>> -> memref<1x64xf32, #tpu.memory_space<vmem>>
      %parallel_loop3A_120 = arith.constant 0 : i32
      %parallel_loop3A_121 = tpu.memref_slice %arg5[%parallel_loop3A_109, %parallel_loop3A_120] : memref<1000000x64xf32, #tpu.memory_space<hbm>> -> memref<1x64xf32, #tpu.memory_space<hbm>>
      tpu.enqueue_dma source(%parallel_loop3A_121 : memref<1x64xf32, #tpu.memory_space<hbm>>) target(%parallel_loop3A_119 : memref<1x64xf32, #tpu.memory_space<vmem>>) target_semaphore(%arg15 : memref<!tpu.dma_semaphore, #tpu.memory_space<semaphore_mem>>)
      %parallel_loop3A_122 = vector.extract_strided_slice %parallel_loop3A_87 {offsets = [1], sizes = [1], strides = [1]} : vector<16xi32> to vector<1xi32>
      %parallel_loop3A_123 = vector.extract %parallel_loop3A_122[0] : i32 from vector<1xi32>
      %parallel_loop3A_124 = arith.constant 16 : i32
      %parallel_loop3A_125 = arith.muli %parallel_loop3A_81, %parallel_loop3A_124 : i32
      %parallel_loop3A_126 = arith.constant 1 : i32
      %parallel_loop3A_127 = arith.addi %parallel_loop3A_125, %parallel_loop3A_126 : i32
      %parallel_loop3A_128 = arith.constant 0 : i32
      %parallel_loop3A_129 = tpu.memref_slice %arg11[%parallel_loop3A_127, %parallel_loop3A_128] : memref<256x64xf32, #tpu.memory_space<vmem>> -> memref<1x64xf32, #tpu.memory_space<vmem>>
      %parallel_loop3A_130 = arith.constant 0 : i32
      %parallel_loop3A_131 = tpu.memref_slice %arg4[%parallel_loop3A_123, %parallel_loop3A_130] : memref<1000000x64xf32, #tpu.memory_space<hbm>> -> memref<1x64xf32, #tpu.memory_space<hbm>>
      %parallel_loop3A_132 = arith.constant 0 : i32
      %parallel_loop3A_133 = tpu.memref_slice %arg11[%parallel_loop3A_127, %parallel_loop3A_132] : memref<256x64xf32, #tpu.memory_space<vmem>> -> memref<1x64xf32, #tpu.memory_space<vmem>>
      %parallel_loop3A_134 = arith.constant 0 : i32
      %parallel_loop3A_135 = tpu.memref_slice %arg4[%parallel_loop3A_123, %parallel_loop3A_134] : memref<1000000x64xf32, #tpu.memory_space<hbm>> -> memref<1x64xf32, #tpu.memory_space<hbm>>
      tpu.enqueue_dma source(%parallel_loop3A_135 : memref<1x64xf32, #tpu.memory_space<hbm>>) target(%parallel_loop3A_133 : memref<1x64xf32, #tpu.memory_space<vmem>>) target_semaphore(%arg14 : memref<!tpu.dma_semaphore, #tpu.memory_space<semaphore_mem>>)
      %parallel_loop3A_136 = vector.extract_strided_slice %parallel_loop3A_93 {offsets = [1], sizes = [1], strides = [1]} : vector<16xi32> to vector<1xi32>
      %parallel_loop3A_137 = vector.extract %parallel_loop3A_136[0] : i32 from vector<1xi32>
      %parallel_loop3A_138 = arith.constant 16 : i32
      %parallel_loop3A_139 = arith.muli %parallel_loop3A_81, %parallel_loop3A_138 : i32
      %parallel_loop3A_140 = arith.constant 1 : i32
      %parallel_loop3A_141 = arith.addi %parallel_loop3A_139, %parallel_loop3A_140 : i32
      %parallel_loop3A_142 = arith.constant 0 : i32
      %parallel_loop3A_143 = tpu.memref_slice %arg12[%parallel_loop3A_141, %parallel_loop3A_142] : memref<256x64xf32, #tpu.memory_space<vmem>> -> memref<1x64xf32, #tpu.memory_space<vmem>>
      %parallel_loop3A_144 = arith.constant 0 : i32
      %parallel_loop3A_145 = tpu.memref_slice %arg5[%parallel_loop3A_137, %parallel_loop3A_144] : memref<1000000x64xf32, #tpu.memory_space<hbm>> -> memref<1x64xf32, #tpu.memory_space<hbm>>
      %parallel_loop3A_146 = arith.constant 0 : i32
      %parallel_loop3A_147 = tpu.memref_slice %arg12[%parallel_loop3A_141, %parallel_loop3A_146] : memref<256x64xf32, #tpu.memory_space<vmem>> -> memref<1x64xf32, #tpu.memory_space<vmem>>
      %parallel_loop3A_148 = arith.constant 0 : i32
      %parallel_loop3A_149 = tpu.memref_slice %arg5[%parallel_loop3A_137, %parallel_loop3A_148] : memref<1000000x64xf32, #tpu.memory_space<hbm>> -> memref<1x64xf32, #tpu.memory_space<hbm>>
      tpu.enqueue_dma source(%parallel_loop3A_149 : memref<1x64xf32, #tpu.memory_space<hbm>>) target(%parallel_loop3A_147 : memref<1x64xf32, #tpu.memory_space<vmem>>) target_semaphore(%arg15 : memref<!tpu.dma_semaphore, #tpu.memory_space<semaphore_mem>>)
      %parallel_loop3A_150 = vector.extract_strided_slice %parallel_loop3A_87 {offsets = [2], sizes = [1], strides = [1]} : vector<16xi32> to vector<1xi32>
      %parallel_loop3A_151 = vector.extract %parallel_loop3A_150[0] : i32 from vector<1xi32>
      %parallel_loop3A_152 = arith.constant 16 : i32
      %parallel_loop3A_153 = arith.muli %parallel_loop3A_81, %parallel_loop3A_152 : i32
      %parallel_loop3A_154 = arith.constant 2 : i32
      %parallel_loop3A_155 = arith.addi %parallel_loop3A_153, %parallel_loop3A_154 : i32
      %parallel_loop3A_156 = arith.constant 0 : i32
      %parallel_loop3A_157 = tpu.memref_slice %arg11[%parallel_loop3A_155, %parallel_loop3A_156] : memref<256x64xf32, #tpu.memory_space<vmem>> -> memref<1x64xf32, #tpu.memory_space<vmem>>
      %parallel_loop3A_158 = arith.constant 0 : i32
      %parallel_loop3A_159 = tpu.memref_slice %arg4[%parallel_loop3A_151, %parallel_loop3A_158] : memref<1000000x64xf32, #tpu.memory_space<hbm>> -> memref<1x64xf32, #tpu.memory_space<hbm>>
      %parallel_loop3A_160 = arith.constant 0 : i32
      %parallel_loop3A_161 = tpu.memref_slice %arg11[%parallel_loop3A_155, %parallel_loop3A_160] : memref<256x64xf32, #tpu.memory_space<vmem>> -> memref<1x64xf32, #tpu.memory_space<vmem>>
      %parallel_loop3A_162 = arith.constant 0 : i32
      %parallel_loop3A_163 = tpu.memref_slice %arg4[%parallel_loop3A_151, %parallel_loop3A_162] : memref<1000000x64xf32, #tpu.memory_space<hbm>> -> memref<1x64xf32, #tpu.memory_space<hbm>>
      tpu.enqueue_dma source(%parallel_loop3A_163 : memref<1x64xf32, #tpu.memory_space<hbm>>) target(%parallel_loop3A_161 : memref<1x64xf32, #tpu.memory_space<vmem>>) target_semaphore(%arg14 : memref<!tpu.dma_semaphore, #tpu.memory_space<semaphore_mem>>)
      %parallel_loop3A_164 = vector.extract_strided_slice %parallel_loop3A_93 {offsets = [2], sizes = [1], strides = [1]} : vector<16xi32> to vector<1xi32>
      %parallel_loop3A_165 = vector.extract %parallel_loop3A_164[0] : i32 from vector<1xi32>
      %parallel_loop3A_166 = arith.constant 16 : i32
      %parallel_loop3A_167 = arith.muli %parallel_loop3A_81, %parallel_loop3A_166 : i32
      %parallel_loop3A_168 = arith.constant 2 : i32
      %parallel_loop3A_169 = arith.addi %parallel_loop3A_167, %parallel_loop3A_168 : i32
      %parallel_loop3A_170 = arith.constant 0 : i32
      %parallel_loop3A_171 = tpu.memref_slice %arg12[%parallel_loop3A_169, %parallel_loop3A_170] : memref<256x64xf32, #tpu.memory_space<vmem>> -> memref<1x64xf32, #tpu.memory_space<vmem>>
      %parallel_loop3A_172 = arith.constant 0 : i32
      %parallel_loop3A_173 = tpu.memref_slice %arg5[%parallel_loop3A_165, %parallel_loop3A_172] : memref<1000000x64xf32, #tpu.memory_space<hbm>> -> memref<1x64xf32, #tpu.memory_space<hbm>>
      %parallel_loop3A_174 = arith.constant 0 : i32
      %parallel_loop3A_175 = tpu.memref_slice %arg12[%parallel_loop3A_169, %parallel_loop3A_174] : memref<256x64xf32, #tpu.memory_space<vmem>> -> memref<1x64xf32, #tpu.memory_space<vmem>>
      %parallel_loop3A_176 = arith.constant 0 : i32
      %parallel_loop3A_177 = tpu.memref_slice %arg5[%parallel_loop3A_165, %parallel_loop3A_176] : memref<1000000x64xf32, #tpu.memory_space<hbm>> -> memref<1x64xf32, #tpu.memory_space<hbm>>
      tpu.enqueue_dma source(%parallel_loop3A_177 : memref<1x64xf32, #tpu.memory_space<hbm>>) target(%parallel_loop3A_175 : memref<1x64xf32, #tpu.memory_space<vmem>>) target_semaphore(%arg15 : memref<!tpu.dma_semaphore, #tpu.memory_space<semaphore_mem>>)
      %parallel_loop3A_178 = vector.extract_strided_slice %parallel_loop3A_87 {offsets = [3], sizes = [1], strides = [1]} : vector<16xi32> to vector<1xi32>
      %parallel_loop3A_179 = vector.extract %parallel_loop3A_178[0] : i32 from vector<1xi32>
      %parallel_loop3A_180 = arith.constant 16 : i32
      %parallel_loop3A_181 = arith.muli %parallel_loop3A_81, %parallel_loop3A_180 : i32
      %parallel_loop3A_182 = arith.constant 3 : i32
      %parallel_loop3A_183 = arith.addi %parallel_loop3A_181, %parallel_loop3A_182 : i32
      %parallel_loop3A_184 = arith.constant 0 : i32
      %parallel_loop3A_185 = tpu.memref_slice %arg11[%parallel_loop3A_183, %parallel_loop3A_184] : memref<256x64xf32, #tpu.memory_space<vmem>> -> memref<1x64xf32, #tpu.memory_space<vmem>>
      %parallel_loop3A_186 = arith.constant 0 : i32
      %parallel_loop3A_187 = tpu.memref_slice %arg4[%parallel_loop3A_179, %parallel_loop3A_186] : memref<1000000x64xf32, #tpu.memory_space<hbm>> -> memref<1x64xf32, #tpu.memory_space<hbm>>
      %parallel_loop3A_188 = arith.constant 0 : i32
      %parallel_loop3A_189 = tpu.memref_slice %arg11[%parallel_loop3A_183, %parallel_loop3A_188] : memref<256x64xf32, #tpu.memory_space<vmem>> -> memref<1x64xf32, #tpu.memory_space<vmem>>
      %parallel_loop3A_190 = arith.constant 0 : i32
      %parallel_loop3A_191 = tpu.memref_slice %arg4[%parallel_loop3A_179, %parallel_loop3A_190] : memref<1000000x64xf32, #tpu.memory_space<hbm>> -> memref<1x64xf32, #tpu.memory_space<hbm>>
      tpu.enqueue_dma source(%parallel_loop3A_191 : memref<1x64xf32, #tpu.memory_space<hbm>>) target(%parallel_loop3A_189 : memref<1x64xf32, #tpu.memory_space<vmem>>) target_semaphore(%arg14 : memref<!tpu.dma_semaphore, #tpu.memory_space<semaphore_mem>>)
      %parallel_loop3A_192 = vector.extract_strided_slice %parallel_loop3A_93 {offsets = [3], sizes = [1], strides = [1]} : vector<16xi32> to vector<1xi32>
      %parallel_loop3A_193 = vector.extract %parallel_loop3A_192[0] : i32 from vector<1xi32>
      %parallel_loop3A_194 = arith.constant 16 : i32
      %parallel_loop3A_195 = arith.muli %parallel_loop3A_81, %parallel_loop3A_194 : i32
      %parallel_loop3A_196 = arith.constant 3 : i32
      %parallel_loop3A_197 = arith.addi %parallel_loop3A_195, %parallel_loop3A_196 : i32
      %parallel_loop3A_198 = arith.constant 0 : i32
      %parallel_loop3A_199 = tpu.memref_slice %arg12[%parallel_loop3A_197, %parallel_loop3A_198] : memref<256x64xf32, #tpu.memory_space<vmem>> -> memref<1x64xf32, #tpu.memory_space<vmem>>
      %parallel_loop3A_200 = arith.constant 0 : i32
      %parallel_loop3A_201 = tpu.memref_slice %arg5[%parallel_loop3A_193, %parallel_loop3A_200] : memref<1000000x64xf32, #tpu.memory_space<hbm>> -> memref<1x64xf32, #tpu.memory_space<hbm>>
      %parallel_loop3A_202 = arith.constant 0 : i32
      %parallel_loop3A_203 = tpu.memref_slice %arg12[%parallel_loop3A_197, %parallel_loop3A_202] : memref<256x64xf32, #tpu.memory_space<vmem>> -> memref<1x64xf32, #tpu.memory_space<vmem>>
      %parallel_loop3A_204 = arith.constant 0 : i32
      %parallel_loop3A_205 = tpu.memref_slice %arg5[%parallel_loop3A_193, %parallel_loop3A_204] : memref<1000000x64xf32, #tpu.memory_space<hbm>> -> memref<1x64xf32, #tpu.memory_space<hbm>>
      tpu.enqueue_dma source(%parallel_loop3A_205 : memref<1x64xf32, #tpu.memory_space<hbm>>) target(%parallel_loop3A_203 : memref<1x64xf32, #tpu.memory_space<vmem>>) target_semaphore(%arg15 : memref<!tpu.dma_semaphore, #tpu.memory_space<semaphore_mem>>)
      %parallel_loop3A_206 = vector.extract_strided_slice %parallel_loop3A_87 {offsets = [4], sizes = [1], strides = [1]} : vector<16xi32> to vector<1xi32>
      %parallel_loop3A_207 = vector.extract %parallel_loop3A_206[0] : i32 from vector<1xi32>
      %parallel_loop3A_208 = arith.constant 16 : i32
      %parallel_loop3A_209 = arith.muli %parallel_loop3A_81, %parallel_loop3A_208 : i32
      %parallel_loop3A_210 = arith.constant 4 : i32
      %parallel_loop3A_211 = arith.addi %parallel_loop3A_209, %parallel_loop3A_210 : i32
      %parallel_loop3A_212 = arith.constant 0 : i32
      %parallel_loop3A_213 = tpu.memref_slice %arg11[%parallel_loop3A_211, %parallel_loop3A_212] : memref<256x64xf32, #tpu.memory_space<vmem>> -> memref<1x64xf32, #tpu.memory_space<vmem>>
      %parallel_loop3A_214 = arith.constant 0 : i32
      %parallel_loop3A_215 = tpu.memref_slice %arg4[%parallel_loop3A_207, %parallel_loop3A_214] : memref<1000000x64xf32, #tpu.memory_space<hbm>> -> memref<1x64xf32, #tpu.memory_space<hbm>>
      %parallel_loop3A_216 = arith.constant 0 : i32
      %parallel_loop3A_217 = tpu.memref_slice %arg11[%parallel_loop3A_211, %parallel_loop3A_216] : memref<256x64xf32, #tpu.memory_space<vmem>> -> memref<1x64xf32, #tpu.memory_space<vmem>>
      %parallel_loop3A_218 = arith.constant 0 : i32
      %parallel_loop3A_219 = tpu.memref_slice %arg4[%parallel_loop3A_207, %parallel_loop3A_218] : memref<1000000x64xf32, #tpu.memory_space<hbm>> -> memref<1x64xf32, #tpu.memory_space<hbm>>
      tpu.enqueue_dma source(%parallel_loop3A_219 : memref<1x64xf32, #tpu.memory_space<hbm>>) target(%parallel_loop3A_217 : memref<1x64xf32, #tpu.memory_space<vmem>>) target_semaphore(%arg14 : memref<!tpu.dma_semaphore, #tpu.memory_space<semaphore_mem>>)
      %parallel_loop3A_220 = vector.extract_strided_slice %parallel_loop3A_93 {offsets = [4], sizes = [1], strides = [1]} : vector<16xi32> to vector<1xi32>
      %parallel_loop3A_221 = vector.extract %parallel_loop3A_220[0] : i32 from vector<1xi32>
      %parallel_loop3A_222 = arith.constant 16 : i32
      %parallel_loop3A_223 = arith.muli %parallel_loop3A_81, %parallel_loop3A_222 : i32
      %parallel_loop3A_224 = arith.constant 4 : i32
      %parallel_loop3A_225 = arith.addi %parallel_loop3A_223, %parallel_loop3A_224 : i32
      %parallel_loop3A_226 = arith.constant 0 : i32
      %parallel_loop3A_227 = tpu.memref_slice %arg12[%parallel_loop3A_225, %parallel_loop3A_226] : memref<256x64xf32, #tpu.memory_space<vmem>> -> memref<1x64xf32, #tpu.memory_space<vmem>>
      %parallel_loop3A_228 = arith.constant 0 : i32
      %parallel_loop3A_229 = tpu.memref_slice %arg5[%parallel_loop3A_221, %parallel_loop3A_228] : memref<1000000x64xf32, #tpu.memory_space<hbm>> -> memref<1x64xf32, #tpu.memory_space<hbm>>
      %parallel_loop3A_230 = arith.constant 0 : i32
      %parallel_loop3A_231 = tpu.memref_slice %arg12[%parallel_loop3A_225, %parallel_loop3A_230] : memref<256x64xf32, #tpu.memory_space<vmem>> -> memref<1x64xf32, #tpu.memory_space<vmem>>
      %parallel_loop3A_232 = arith.constant 0 : i32
      %parallel_loop3A_233 = tpu.memref_slice %arg5[%parallel_loop3A_221, %parallel_loop3A_232] : memref<1000000x64xf32, #tpu.memory_space<hbm>> -> memref<1x64xf32, #tpu.memory_space<hbm>>
      tpu.enqueue_dma source(%parallel_loop3A_233 : memref<1x64xf32, #tpu.memory_space<hbm>>) target(%parallel_loop3A_231 : memref<1x64xf32, #tpu.memory_space<vmem>>) target_semaphore(%arg15 : memref<!tpu.dma_semaphore, #tpu.memory_space<semaphore_mem>>)
      %parallel_loop3A_234 = vector.extract_strided_slice %parallel_loop3A_87 {offsets = [5], sizes = [1], strides = [1]} : vector<16xi32> to vector<1xi32>
      %parallel_loop3A_235 = vector.extract %parallel_loop3A_234[0] : i32 from vector<1xi32>
      %parallel_loop3A_236 = arith.constant 16 : i32
      %parallel_loop3A_237 = arith.muli %parallel_loop3A_81, %parallel_loop3A_236 : i32
      %parallel_loop3A_238 = arith.constant 5 : i32
      %parallel_loop3A_239 = arith.addi %parallel_loop3A_237, %parallel_loop3A_238 : i32
      %parallel_loop3A_240 = arith.constant 0 : i32
      %parallel_loop3A_241 = tpu.memref_slice %arg11[%parallel_loop3A_239, %parallel_loop3A_240] : memref<256x64xf32, #tpu.memory_space<vmem>> -> memref<1x64xf32, #tpu.memory_space<vmem>>
      %parallel_loop3A_242 = arith.constant 0 : i32
      %parallel_loop3A_243 = tpu.memref_slice %arg4[%parallel_loop3A_235, %parallel_loop3A_242] : memref<1000000x64xf32, #tpu.memory_space<hbm>> -> memref<1x64xf32, #tpu.memory_space<hbm>>
      %parallel_loop3A_244 = arith.constant 0 : i32
      %parallel_loop3A_245 = tpu.memref_slice %arg11[%parallel_loop3A_239, %parallel_loop3A_244] : memref<256x64xf32, #tpu.memory_space<vmem>> -> memref<1x64xf32, #tpu.memory_space<vmem>>
      %parallel_loop3A_246 = arith.constant 0 : i32
      %parallel_loop3A_247 = tpu.memref_slice %arg4[%parallel_loop3A_235, %parallel_loop3A_246] : memref<1000000x64xf32, #tpu.memory_space<hbm>> -> memref<1x64xf32, #tpu.memory_space<hbm>>
      tpu.enqueue_dma source(%parallel_loop3A_247 : memref<1x64xf32, #tpu.memory_space<hbm>>) target(%parallel_loop3A_245 : memref<1x64xf32, #tpu.memory_space<vmem>>) target_semaphore(%arg14 : memref<!tpu.dma_semaphore, #tpu.memory_space<semaphore_mem>>)
      %parallel_loop3A_248 = vector.extract_strided_slice %parallel_loop3A_93 {offsets = [5], sizes = [1], strides = [1]} : vector<16xi32> to vector<1xi32>
      %parallel_loop3A_249 = vector.extract %parallel_loop3A_248[0] : i32 from vector<1xi32>
      %parallel_loop3A_250 = arith.constant 16 : i32
      %parallel_loop3A_251 = arith.muli %parallel_loop3A_81, %parallel_loop3A_250 : i32
      %parallel_loop3A_252 = arith.constant 5 : i32
      %parallel_loop3A_253 = arith.addi %parallel_loop3A_251, %parallel_loop3A_252 : i32
      %parallel_loop3A_254 = arith.constant 0 : i32
      %parallel_loop3A_255 = tpu.memref_slice %arg12[%parallel_loop3A_253, %parallel_loop3A_254] : memref<256x64xf32, #tpu.memory_space<vmem>> -> memref<1x64xf32, #tpu.memory_space<vmem>>
      %parallel_loop3A_256 = arith.constant 0 : i32
      %parallel_loop3A_257 = tpu.memref_slice %arg5[%parallel_loop3A_249, %parallel_loop3A_256] : memref<1000000x64xf32, #tpu.memory_space<hbm>> -> memref<1x64xf32, #tpu.memory_space<hbm>>
      %parallel_loop3A_258 = arith.constant 0 : i32
      %parallel_loop3A_259 = tpu.memref_slice %arg12[%parallel_loop3A_253, %parallel_loop3A_258] : memref<256x64xf32, #tpu.memory_space<vmem>> -> memref<1x64xf32, #tpu.memory_space<vmem>>
      %parallel_loop3A_260 = arith.constant 0 : i32
      %parallel_loop3A_261 = tpu.memref_slice %arg5[%parallel_loop3A_249, %parallel_loop3A_260] : memref<1000000x64xf32, #tpu.memory_space<hbm>> -> memref<1x64xf32, #tpu.memory_space<hbm>>
      tpu.enqueue_dma source(%parallel_loop3A_261 : memref<1x64xf32, #tpu.memory_space<hbm>>) target(%parallel_loop3A_259 : memref<1x64xf32, #tpu.memory_space<vmem>>) target_semaphore(%arg15 : memref<!tpu.dma_semaphore, #tpu.memory_space<semaphore_mem>>)
      %parallel_loop3A_262 = vector.extract_strided_slice %parallel_loop3A_87 {offsets = [6], sizes = [1], strides = [1]} : vector<16xi32> to vector<1xi32>
      %parallel_loop3A_263 = vector.extract %parallel_loop3A_262[0] : i32 from vector<1xi32>
      %parallel_loop3A_264 = arith.constant 16 : i32
      %parallel_loop3A_265 = arith.muli %parallel_loop3A_81, %parallel_loop3A_264 : i32
      %parallel_loop3A_266 = arith.constant 6 : i32
      %parallel_loop3A_267 = arith.addi %parallel_loop3A_265, %parallel_loop3A_266 : i32
      %parallel_loop3A_268 = arith.constant 0 : i32
      %parallel_loop3A_269 = tpu.memref_slice %arg11[%parallel_loop3A_267, %parallel_loop3A_268] : memref<256x64xf32, #tpu.memory_space<vmem>> -> memref<1x64xf32, #tpu.memory_space<vmem>>
      %parallel_loop3A_270 = arith.constant 0 : i32
      %parallel_loop3A_271 = tpu.memref_slice %arg4[%parallel_loop3A_263, %parallel_loop3A_270] : memref<1000000x64xf32, #tpu.memory_space<hbm>> -> memref<1x64xf32, #tpu.memory_space<hbm>>
      %parallel_loop3A_272 = arith.constant 0 : i32
      %parallel_loop3A_273 = tpu.memref_slice %arg11[%parallel_loop3A_267, %parallel_loop3A_272] : memref<256x64xf32, #tpu.memory_space<vmem>> -> memref<1x64xf32, #tpu.memory_space<vmem>>
      %parallel_loop3A_274 = arith.constant 0 : i32
      %parallel_loop3A_275 = tpu.memref_slice %arg4[%parallel_loop3A_263, %parallel_loop3A_274] : memref<1000000x64xf32, #tpu.memory_space<hbm>> -> memref<1x64xf32, #tpu.memory_space<hbm>>
      tpu.enqueue_dma source(%parallel_loop3A_275 : memref<1x64xf32, #tpu.memory_space<hbm>>) target(%parallel_loop3A_273 : memref<1x64xf32, #tpu.memory_space<vmem>>) target_semaphore(%arg14 : memref<!tpu.dma_semaphore, #tpu.memory_space<semaphore_mem>>)
      %parallel_loop3A_276 = vector.extract_strided_slice %parallel_loop3A_93 {offsets = [6], sizes = [1], strides = [1]} : vector<16xi32> to vector<1xi32>
      %parallel_loop3A_277 = vector.extract %parallel_loop3A_276[0] : i32 from vector<1xi32>
      %parallel_loop3A_278 = arith.constant 16 : i32
      %parallel_loop3A_279 = arith.muli %parallel_loop3A_81, %parallel_loop3A_278 : i32
      %parallel_loop3A_280 = arith.constant 6 : i32
      %parallel_loop3A_281 = arith.addi %parallel_loop3A_279, %parallel_loop3A_280 : i32
      %parallel_loop3A_282 = arith.constant 0 : i32
      %parallel_loop3A_283 = tpu.memref_slice %arg12[%parallel_loop3A_281, %parallel_loop3A_282] : memref<256x64xf32, #tpu.memory_space<vmem>> -> memref<1x64xf32, #tpu.memory_space<vmem>>
      %parallel_loop3A_284 = arith.constant 0 : i32
      %parallel_loop3A_285 = tpu.memref_slice %arg5[%parallel_loop3A_277, %parallel_loop3A_284] : memref<1000000x64xf32, #tpu.memory_space<hbm>> -> memref<1x64xf32, #tpu.memory_space<hbm>>
      %parallel_loop3A_286 = arith.constant 0 : i32
      %parallel_loop3A_287 = tpu.memref_slice %arg12[%parallel_loop3A_281, %parallel_loop3A_286] : memref<256x64xf32, #tpu.memory_space<vmem>> -> memref<1x64xf32, #tpu.memory_space<vmem>>
      %parallel_loop3A_288 = arith.constant 0 : i32
      %parallel_loop3A_289 = tpu.memref_slice %arg5[%parallel_loop3A_277, %parallel_loop3A_288] : memref<1000000x64xf32, #tpu.memory_space<hbm>> -> memref<1x64xf32, #tpu.memory_space<hbm>>
      tpu.enqueue_dma source(%parallel_loop3A_289 : memref<1x64xf32, #tpu.memory_space<hbm>>) target(%parallel_loop3A_287 : memref<1x64xf32, #tpu.memory_space<vmem>>) target_semaphore(%arg15 : memref<!tpu.dma_semaphore, #tpu.memory_space<semaphore_mem>>)
      %parallel_loop3A_290 = vector.extract_strided_slice %parallel_loop3A_87 {offsets = [7], sizes = [1], strides = [1]} : vector<16xi32> to vector<1xi32>
      %parallel_loop3A_291 = vector.extract %parallel_loop3A_290[0] : i32 from vector<1xi32>
      %parallel_loop3A_292 = arith.constant 16 : i32
      %parallel_loop3A_293 = arith.muli %parallel_loop3A_81, %parallel_loop3A_292 : i32
      %parallel_loop3A_294 = arith.constant 7 : i32
      %parallel_loop3A_295 = arith.addi %parallel_loop3A_293, %parallel_loop3A_294 : i32
      %parallel_loop3A_296 = arith.constant 0 : i32
      %parallel_loop3A_297 = tpu.memref_slice %arg11[%parallel_loop3A_295, %parallel_loop3A_296] : memref<256x64xf32, #tpu.memory_space<vmem>> -> memref<1x64xf32, #tpu.memory_space<vmem>>
      %parallel_loop3A_298 = arith.constant 0 : i32
      %parallel_loop3A_299 = tpu.memref_slice %arg4[%parallel_loop3A_291, %parallel_loop3A_298] : memref<1000000x64xf32, #tpu.memory_space<hbm>> -> memref<1x64xf32, #tpu.memory_space<hbm>>
      %parallel_loop3A_300 = arith.constant 0 : i32
      %parallel_loop3A_301 = tpu.memref_slice %arg11[%parallel_loop3A_295, %parallel_loop3A_300] : memref<256x64xf32, #tpu.memory_space<vmem>> -> memref<1x64xf32, #tpu.memory_space<vmem>>
      %parallel_loop3A_302 = arith.constant 0 : i32
      %parallel_loop3A_303 = tpu.memref_slice %arg4[%parallel_loop3A_291, %parallel_loop3A_302] : memref<1000000x64xf32, #tpu.memory_space<hbm>> -> memref<1x64xf32, #tpu.memory_space<hbm>>
      tpu.enqueue_dma source(%parallel_loop3A_303 : memref<1x64xf32, #tpu.memory_space<hbm>>) target(%parallel_loop3A_301 : memref<1x64xf32, #tpu.memory_space<vmem>>) target_semaphore(%arg14 : memref<!tpu.dma_semaphore, #tpu.memory_space<semaphore_mem>>)
      %parallel_loop3A_304 = vector.extract_strided_slice %parallel_loop3A_93 {offsets = [7], sizes = [1], strides = [1]} : vector<16xi32> to vector<1xi32>
      %parallel_loop3A_305 = vector.extract %parallel_loop3A_304[0] : i32 from vector<1xi32>
      %parallel_loop3A_306 = arith.constant 16 : i32
      %parallel_loop3A_307 = arith.muli %parallel_loop3A_81, %parallel_loop3A_306 : i32
      %parallel_loop3A_308 = arith.constant 7 : i32
      %parallel_loop3A_309 = arith.addi %parallel_loop3A_307, %parallel_loop3A_308 : i32
      %parallel_loop3A_310 = arith.constant 0 : i32
      %parallel_loop3A_311 = tpu.memref_slice %arg12[%parallel_loop3A_309, %parallel_loop3A_310] : memref<256x64xf32, #tpu.memory_space<vmem>> -> memref<1x64xf32, #tpu.memory_space<vmem>>
      %parallel_loop3A_312 = arith.constant 0 : i32
      %parallel_loop3A_313 = tpu.memref_slice %arg5[%parallel_loop3A_305, %parallel_loop3A_312] : memref<1000000x64xf32, #tpu.memory_space<hbm>> -> memref<1x64xf32, #tpu.memory_space<hbm>>
      %parallel_loop3A_314 = arith.constant 0 : i32
      %parallel_loop3A_315 = tpu.memref_slice %arg12[%parallel_loop3A_309, %parallel_loop3A_314] : memref<256x64xf32, #tpu.memory_space<vmem>> -> memref<1x64xf32, #tpu.memory_space<vmem>>
      %parallel_loop3A_316 = arith.constant 0 : i32
      %parallel_loop3A_317 = tpu.memref_slice %arg5[%parallel_loop3A_305, %parallel_loop3A_316] : memref<1000000x64xf32, #tpu.memory_space<hbm>> -> memref<1x64xf32, #tpu.memory_space<hbm>>
      tpu.enqueue_dma source(%parallel_loop3A_317 : memref<1x64xf32, #tpu.memory_space<hbm>>) target(%parallel_loop3A_315 : memref<1x64xf32, #tpu.memory_space<vmem>>) target_semaphore(%arg15 : memref<!tpu.dma_semaphore, #tpu.memory_space<semaphore_mem>>)
      %parallel_loop3A_318 = vector.extract_strided_slice %parallel_loop3A_87 {offsets = [8], sizes = [1], strides = [1]} : vector<16xi32> to vector<1xi32>
      %parallel_loop3A_319 = vector.extract %parallel_loop3A_318[0] : i32 from vector<1xi32>
      %parallel_loop3A_320 = arith.constant 16 : i32
      %parallel_loop3A_321 = arith.muli %parallel_loop3A_81, %parallel_loop3A_320 : i32
      %parallel_loop3A_322 = arith.constant 8 : i32
      %parallel_loop3A_323 = arith.addi %parallel_loop3A_321, %parallel_loop3A_322 : i32
      %parallel_loop3A_324 = arith.constant 0 : i32
      %parallel_loop3A_325 = tpu.memref_slice %arg11[%parallel_loop3A_323, %parallel_loop3A_324] : memref<256x64xf32, #tpu.memory_space<vmem>> -> memref<1x64xf32, #tpu.memory_space<vmem>>
      %parallel_loop3A_326 = arith.constant 0 : i32
      %parallel_loop3A_327 = tpu.memref_slice %arg4[%parallel_loop3A_319, %parallel_loop3A_326] : memref<1000000x64xf32, #tpu.memory_space<hbm>> -> memref<1x64xf32, #tpu.memory_space<hbm>>
      %parallel_loop3A_328 = arith.constant 0 : i32
      %parallel_loop3A_329 = tpu.memref_slice %arg11[%parallel_loop3A_323, %parallel_loop3A_328] : memref<256x64xf32, #tpu.memory_space<vmem>> -> memref<1x64xf32, #tpu.memory_space<vmem>>
      %parallel_loop3A_330 = arith.constant 0 : i32
      %parallel_loop3A_331 = tpu.memref_slice %arg4[%parallel_loop3A_319, %parallel_loop3A_330] : memref<1000000x64xf32, #tpu.memory_space<hbm>> -> memref<1x64xf32, #tpu.memory_space<hbm>>
      tpu.enqueue_dma source(%parallel_loop3A_331 : memref<1x64xf32, #tpu.memory_space<hbm>>) target(%parallel_loop3A_329 : memref<1x64xf32, #tpu.memory_space<vmem>>) target_semaphore(%arg14 : memref<!tpu.dma_semaphore, #tpu.memory_space<semaphore_mem>>)
      %parallel_loop3A_332 = vector.extract_strided_slice %parallel_loop3A_93 {offsets = [8], sizes = [1], strides = [1]} : vector<16xi32> to vector<1xi32>
      %parallel_loop3A_333 = vector.extract %parallel_loop3A_332[0] : i32 from vector<1xi32>
      %parallel_loop3A_334 = arith.constant 16 : i32
      %parallel_loop3A_335 = arith.muli %parallel_loop3A_81, %parallel_loop3A_334 : i32
      %parallel_loop3A_336 = arith.constant 8 : i32
      %parallel_loop3A_337 = arith.addi %parallel_loop3A_335, %parallel_loop3A_336 : i32
      %parallel_loop3A_338 = arith.constant 0 : i32
      %parallel_loop3A_339 = tpu.memref_slice %arg12[%parallel_loop3A_337, %parallel_loop3A_338] : memref<256x64xf32, #tpu.memory_space<vmem>> -> memref<1x64xf32, #tpu.memory_space<vmem>>
      %parallel_loop3A_340 = arith.constant 0 : i32
      %parallel_loop3A_341 = tpu.memref_slice %arg5[%parallel_loop3A_333, %parallel_loop3A_340] : memref<1000000x64xf32, #tpu.memory_space<hbm>> -> memref<1x64xf32, #tpu.memory_space<hbm>>
      %parallel_loop3A_342 = arith.constant 0 : i32
      %parallel_loop3A_343 = tpu.memref_slice %arg12[%parallel_loop3A_337, %parallel_loop3A_342] : memref<256x64xf32, #tpu.memory_space<vmem>> -> memref<1x64xf32, #tpu.memory_space<vmem>>
      %parallel_loop3A_344 = arith.constant 0 : i32
      %parallel_loop3A_345 = tpu.memref_slice %arg5[%parallel_loop3A_333, %parallel_loop3A_344] : memref<1000000x64xf32, #tpu.memory_space<hbm>> -> memref<1x64xf32, #tpu.memory_space<hbm>>
      tpu.enqueue_dma source(%parallel_loop3A_345 : memref<1x64xf32, #tpu.memory_space<hbm>>) target(%parallel_loop3A_343 : memref<1x64xf32, #tpu.memory_space<vmem>>) target_semaphore(%arg15 : memref<!tpu.dma_semaphore, #tpu.memory_space<semaphore_mem>>)
      %parallel_loop3A_346 = vector.extract_strided_slice %parallel_loop3A_87 {offsets = [9], sizes = [1], strides = [1]} : vector<16xi32> to vector<1xi32>
      %parallel_loop3A_347 = vector.extract %parallel_loop3A_346[0] : i32 from vector<1xi32>
      %parallel_loop3A_348 = arith.constant 16 : i32
      %parallel_loop3A_349 = arith.muli %parallel_loop3A_81, %parallel_loop3A_348 : i32
      %parallel_loop3A_350 = arith.constant 9 : i32
      %parallel_loop3A_351 = arith.addi %parallel_loop3A_349, %parallel_loop3A_350 : i32
      %parallel_loop3A_352 = arith.constant 0 : i32
      %parallel_loop3A_353 = tpu.memref_slice %arg11[%parallel_loop3A_351, %parallel_loop3A_352] : memref<256x64xf32, #tpu.memory_space<vmem>> -> memref<1x64xf32, #tpu.memory_space<vmem>>
      %parallel_loop3A_354 = arith.constant 0 : i32
      %parallel_loop3A_355 = tpu.memref_slice %arg4[%parallel_loop3A_347, %parallel_loop3A_354] : memref<1000000x64xf32, #tpu.memory_space<hbm>> -> memref<1x64xf32, #tpu.memory_space<hbm>>
      %parallel_loop3A_356 = arith.constant 0 : i32
      %parallel_loop3A_357 = tpu.memref_slice %arg11[%parallel_loop3A_351, %parallel_loop3A_356] : memref<256x64xf32, #tpu.memory_space<vmem>> -> memref<1x64xf32, #tpu.memory_space<vmem>>
      %parallel_loop3A_358 = arith.constant 0 : i32
      %parallel_loop3A_359 = tpu.memref_slice %arg4[%parallel_loop3A_347, %parallel_loop3A_358] : memref<1000000x64xf32, #tpu.memory_space<hbm>> -> memref<1x64xf32, #tpu.memory_space<hbm>>
      tpu.enqueue_dma source(%parallel_loop3A_359 : memref<1x64xf32, #tpu.memory_space<hbm>>) target(%parallel_loop3A_357 : memref<1x64xf32, #tpu.memory_space<vmem>>) target_semaphore(%arg14 : memref<!tpu.dma_semaphore, #tpu.memory_space<semaphore_mem>>)
      %parallel_loop3A_360 = vector.extract_strided_slice %parallel_loop3A_93 {offsets = [9], sizes = [1], strides = [1]} : vector<16xi32> to vector<1xi32>
      %parallel_loop3A_361 = vector.extract %parallel_loop3A_360[0] : i32 from vector<1xi32>
      %parallel_loop3A_362 = arith.constant 16 : i32
      %parallel_loop3A_363 = arith.muli %parallel_loop3A_81, %parallel_loop3A_362 : i32
      %parallel_loop3A_364 = arith.constant 9 : i32
      %parallel_loop3A_365 = arith.addi %parallel_loop3A_363, %parallel_loop3A_364 : i32
      %parallel_loop3A_366 = arith.constant 0 : i32
      %parallel_loop3A_367 = tpu.memref_slice %arg12[%parallel_loop3A_365, %parallel_loop3A_366] : memref<256x64xf32, #tpu.memory_space<vmem>> -> memref<1x64xf32, #tpu.memory_space<vmem>>
      %parallel_loop3A_368 = arith.constant 0 : i32
      %parallel_loop3A_369 = tpu.memref_slice %arg5[%parallel_loop3A_361, %parallel_loop3A_368] : memref<1000000x64xf32, #tpu.memory_space<hbm>> -> memref<1x64xf32, #tpu.memory_space<hbm>>
      %parallel_loop3A_370 = arith.constant 0 : i32
      %parallel_loop3A_371 = tpu.memref_slice %arg12[%parallel_loop3A_365, %parallel_loop3A_370] : memref<256x64xf32, #tpu.memory_space<vmem>> -> memref<1x64xf32, #tpu.memory_space<vmem>>
      %parallel_loop3A_372 = arith.constant 0 : i32
      %parallel_loop3A_373 = tpu.memref_slice %arg5[%parallel_loop3A_361, %parallel_loop3A_372] : memref<1000000x64xf32, #tpu.memory_space<hbm>> -> memref<1x64xf32, #tpu.memory_space<hbm>>
      tpu.enqueue_dma source(%parallel_loop3A_373 : memref<1x64xf32, #tpu.memory_space<hbm>>) target(%parallel_loop3A_371 : memref<1x64xf32, #tpu.memory_space<vmem>>) target_semaphore(%arg15 : memref<!tpu.dma_semaphore, #tpu.memory_space<semaphore_mem>>)
      %parallel_loop3A_374 = vector.extract_strided_slice %parallel_loop3A_87 {offsets = [10], sizes = [1], strides = [1]} : vector<16xi32> to vector<1xi32>
      %parallel_loop3A_375 = vector.extract %parallel_loop3A_374[0] : i32 from vector<1xi32>
      %parallel_loop3A_376 = arith.constant 16 : i32
      %parallel_loop3A_377 = arith.muli %parallel_loop3A_81, %parallel_loop3A_376 : i32
      %parallel_loop3A_378 = arith.constant 10 : i32
      %parallel_loop3A_379 = arith.addi %parallel_loop3A_377, %parallel_loop3A_378 : i32
      %parallel_loop3A_380 = arith.constant 0 : i32
      %parallel_loop3A_381 = tpu.memref_slice %arg11[%parallel_loop3A_379, %parallel_loop3A_380] : memref<256x64xf32, #tpu.memory_space<vmem>> -> memref<1x64xf32, #tpu.memory_space<vmem>>
      %parallel_loop3A_382 = arith.constant 0 : i32
      %parallel_loop3A_383 = tpu.memref_slice %arg4[%parallel_loop3A_375, %parallel_loop3A_382] : memref<1000000x64xf32, #tpu.memory_space<hbm>> -> memref<1x64xf32, #tpu.memory_space<hbm>>
      %parallel_loop3A_384 = arith.constant 0 : i32
      %parallel_loop3A_385 = tpu.memref_slice %arg11[%parallel_loop3A_379, %parallel_loop3A_384] : memref<256x64xf32, #tpu.memory_space<vmem>> -> memref<1x64xf32, #tpu.memory_space<vmem>>
      %parallel_loop3A_386 = arith.constant 0 : i32
      %parallel_loop3A_387 = tpu.memref_slice %arg4[%parallel_loop3A_375, %parallel_loop3A_386] : memref<1000000x64xf32, #tpu.memory_space<hbm>> -> memref<1x64xf32, #tpu.memory_space<hbm>>
      tpu.enqueue_dma source(%parallel_loop3A_387 : memref<1x64xf32, #tpu.memory_space<hbm>>) target(%parallel_loop3A_385 : memref<1x64xf32, #tpu.memory_space<vmem>>) target_semaphore(%arg14 : memref<!tpu.dma_semaphore, #tpu.memory_space<semaphore_mem>>)
      %parallel_loop3A_388 = vector.extract_strided_slice %parallel_loop3A_93 {offsets = [10], sizes = [1], strides = [1]} : vector<16xi32> to vector<1xi32>
      %parallel_loop3A_389 = vector.extract %parallel_loop3A_388[0] : i32 from vector<1xi32>
      %parallel_loop3A_390 = arith.constant 16 : i32
      %parallel_loop3A_391 = arith.muli %parallel_loop3A_81, %parallel_loop3A_390 : i32
      %parallel_loop3A_392 = arith.constant 10 : i32
      %parallel_loop3A_393 = arith.addi %parallel_loop3A_391, %parallel_loop3A_392 : i32
      %parallel_loop3A_394 = arith.constant 0 : i32
      %parallel_loop3A_395 = tpu.memref_slice %arg12[%parallel_loop3A_393, %parallel_loop3A_394] : memref<256x64xf32, #tpu.memory_space<vmem>> -> memref<1x64xf32, #tpu.memory_space<vmem>>
      %parallel_loop3A_396 = arith.constant 0 : i32
      %parallel_loop3A_397 = tpu.memref_slice %arg5[%parallel_loop3A_389, %parallel_loop3A_396] : memref<1000000x64xf32, #tpu.memory_space<hbm>> -> memref<1x64xf32, #tpu.memory_space<hbm>>
      %parallel_loop3A_398 = arith.constant 0 : i32
      %parallel_loop3A_399 = tpu.memref_slice %arg12[%parallel_loop3A_393, %parallel_loop3A_398] : memref<256x64xf32, #tpu.memory_space<vmem>> -> memref<1x64xf32, #tpu.memory_space<vmem>>
      %parallel_loop3A_400 = arith.constant 0 : i32
      %parallel_loop3A_401 = tpu.memref_slice %arg5[%parallel_loop3A_389, %parallel_loop3A_400] : memref<1000000x64xf32, #tpu.memory_space<hbm>> -> memref<1x64xf32, #tpu.memory_space<hbm>>
      tpu.enqueue_dma source(%parallel_loop3A_401 : memref<1x64xf32, #tpu.memory_space<hbm>>) target(%parallel_loop3A_399 : memref<1x64xf32, #tpu.memory_space<vmem>>) target_semaphore(%arg15 : memref<!tpu.dma_semaphore, #tpu.memory_space<semaphore_mem>>)
      %parallel_loop3A_402 = vector.extract_strided_slice %parallel_loop3A_87 {offsets = [11], sizes = [1], strides = [1]} : vector<16xi32> to vector<1xi32>
      %parallel_loop3A_403 = vector.extract %parallel_loop3A_402[0] : i32 from vector<1xi32>
      %parallel_loop3A_404 = arith.constant 16 : i32
      %parallel_loop3A_405 = arith.muli %parallel_loop3A_81, %parallel_loop3A_404 : i32
      %parallel_loop3A_406 = arith.constant 11 : i32
      %parallel_loop3A_407 = arith.addi %parallel_loop3A_405, %parallel_loop3A_406 : i32
      %parallel_loop3A_408 = arith.constant 0 : i32
      %parallel_loop3A_409 = tpu.memref_slice %arg11[%parallel_loop3A_407, %parallel_loop3A_408] : memref<256x64xf32, #tpu.memory_space<vmem>> -> memref<1x64xf32, #tpu.memory_space<vmem>>
      %parallel_loop3A_410 = arith.constant 0 : i32
      %parallel_loop3A_411 = tpu.memref_slice %arg4[%parallel_loop3A_403, %parallel_loop3A_410] : memref<1000000x64xf32, #tpu.memory_space<hbm>> -> memref<1x64xf32, #tpu.memory_space<hbm>>
      %parallel_loop3A_412 = arith.constant 0 : i32
      %parallel_loop3A_413 = tpu.memref_slice %arg11[%parallel_loop3A_407, %parallel_loop3A_412] : memref<256x64xf32, #tpu.memory_space<vmem>> -> memref<1x64xf32, #tpu.memory_space<vmem>>
      %parallel_loop3A_414 = arith.constant 0 : i32
      %parallel_loop3A_415 = tpu.memref_slice %arg4[%parallel_loop3A_403, %parallel_loop3A_414] : memref<1000000x64xf32, #tpu.memory_space<hbm>> -> memref<1x64xf32, #tpu.memory_space<hbm>>
      tpu.enqueue_dma source(%parallel_loop3A_415 : memref<1x64xf32, #tpu.memory_space<hbm>>) target(%parallel_loop3A_413 : memref<1x64xf32, #tpu.memory_space<vmem>>) target_semaphore(%arg14 : memref<!tpu.dma_semaphore, #tpu.memory_space<semaphore_mem>>)
      %parallel_loop3A_416 = vector.extract_strided_slice %parallel_loop3A_93 {offsets = [11], sizes = [1], strides = [1]} : vector<16xi32> to vector<1xi32>
      %parallel_loop3A_417 = vector.extract %parallel_loop3A_416[0] : i32 from vector<1xi32>
      %parallel_loop3A_418 = arith.constant 16 : i32
      %parallel_loop3A_419 = arith.muli %parallel_loop3A_81, %parallel_loop3A_418 : i32
      %parallel_loop3A_420 = arith.constant 11 : i32
      %parallel_loop3A_421 = arith.addi %parallel_loop3A_419, %parallel_loop3A_420 : i32
      %parallel_loop3A_422 = arith.constant 0 : i32
      %parallel_loop3A_423 = tpu.memref_slice %arg12[%parallel_loop3A_421, %parallel_loop3A_422] : memref<256x64xf32, #tpu.memory_space<vmem>> -> memref<1x64xf32, #tpu.memory_space<vmem>>
      %parallel_loop3A_424 = arith.constant 0 : i32
      %parallel_loop3A_425 = tpu.memref_slice %arg5[%parallel_loop3A_417, %parallel_loop3A_424] : memref<1000000x64xf32, #tpu.memory_space<hbm>> -> memref<1x64xf32, #tpu.memory_space<hbm>>
      %parallel_loop3A_426 = arith.constant 0 : i32
      %parallel_loop3A_427 = tpu.memref_slice %arg12[%parallel_loop3A_421, %parallel_loop3A_426] : memref<256x64xf32, #tpu.memory_space<vmem>> -> memref<1x64xf32, #tpu.memory_space<vmem>>
      %parallel_loop3A_428 = arith.constant 0 : i32
      %parallel_loop3A_429 = tpu.memref_slice %arg5[%parallel_loop3A_417, %parallel_loop3A_428] : memref<1000000x64xf32, #tpu.memory_space<hbm>> -> memref<1x64xf32, #tpu.memory_space<hbm>>
      tpu.enqueue_dma source(%parallel_loop3A_429 : memref<1x64xf32, #tpu.memory_space<hbm>>) target(%parallel_loop3A_427 : memref<1x64xf32, #tpu.memory_space<vmem>>) target_semaphore(%arg15 : memref<!tpu.dma_semaphore, #tpu.memory_space<semaphore_mem>>)
      %parallel_loop3A_430 = vector.extract_strided_slice %parallel_loop3A_87 {offsets = [12], sizes = [1], strides = [1]} : vector<16xi32> to vector<1xi32>
      %parallel_loop3A_431 = vector.extract %parallel_loop3A_430[0] : i32 from vector<1xi32>
      %parallel_loop3A_432 = arith.constant 16 : i32
      %parallel_loop3A_433 = arith.muli %parallel_loop3A_81, %parallel_loop3A_432 : i32
      %parallel_loop3A_434 = arith.constant 12 : i32
      %parallel_loop3A_435 = arith.addi %parallel_loop3A_433, %parallel_loop3A_434 : i32
      %parallel_loop3A_436 = arith.constant 0 : i32
      %parallel_loop3A_437 = tpu.memref_slice %arg11[%parallel_loop3A_435, %parallel_loop3A_436] : memref<256x64xf32, #tpu.memory_space<vmem>> -> memref<1x64xf32, #tpu.memory_space<vmem>>
      %parallel_loop3A_438 = arith.constant 0 : i32
      %parallel_loop3A_439 = tpu.memref_slice %arg4[%parallel_loop3A_431, %parallel_loop3A_438] : memref<1000000x64xf32, #tpu.memory_space<hbm>> -> memref<1x64xf32, #tpu.memory_space<hbm>>
      %parallel_loop3A_440 = arith.constant 0 : i32
      %parallel_loop3A_441 = tpu.memref_slice %arg11[%parallel_loop3A_435, %parallel_loop3A_440] : memref<256x64xf32, #tpu.memory_space<vmem>> -> memref<1x64xf32, #tpu.memory_space<vmem>>
      %parallel_loop3A_442 = arith.constant 0 : i32
      %parallel_loop3A_443 = tpu.memref_slice %arg4[%parallel_loop3A_431, %parallel_loop3A_442] : memref<1000000x64xf32, #tpu.memory_space<hbm>> -> memref<1x64xf32, #tpu.memory_space<hbm>>
      tpu.enqueue_dma source(%parallel_loop3A_443 : memref<1x64xf32, #tpu.memory_space<hbm>>) target(%parallel_loop3A_441 : memref<1x64xf32, #tpu.memory_space<vmem>>) target_semaphore(%arg14 : memref<!tpu.dma_semaphore, #tpu.memory_space<semaphore_mem>>)
      %parallel_loop3A_444 = vector.extract_strided_slice %parallel_loop3A_93 {offsets = [12], sizes = [1], strides = [1]} : vector<16xi32> to vector<1xi32>
      %parallel_loop3A_445 = vector.extract %parallel_loop3A_444[0] : i32 from vector<1xi32>
      %parallel_loop3A_446 = arith.constant 16 : i32
      %parallel_loop3A_447 = arith.muli %parallel_loop3A_81, %parallel_loop3A_446 : i32
      %parallel_loop3A_448 = arith.constant 12 : i32
      %parallel_loop3A_449 = arith.addi %parallel_loop3A_447, %parallel_loop3A_448 : i32
      %parallel_loop3A_450 = arith.constant 0 : i32
      %parallel_loop3A_451 = tpu.memref_slice %arg12[%parallel_loop3A_449, %parallel_loop3A_450] : memref<256x64xf32, #tpu.memory_space<vmem>> -> memref<1x64xf32, #tpu.memory_space<vmem>>
      %parallel_loop3A_452 = arith.constant 0 : i32
      %parallel_loop3A_453 = tpu.memref_slice %arg5[%parallel_loop3A_445, %parallel_loop3A_452] : memref<1000000x64xf32, #tpu.memory_space<hbm>> -> memref<1x64xf32, #tpu.memory_space<hbm>>
      %parallel_loop3A_454 = arith.constant 0 : i32
      %parallel_loop3A_455 = tpu.memref_slice %arg12[%parallel_loop3A_449, %parallel_loop3A_454] : memref<256x64xf32, #tpu.memory_space<vmem>> -> memref<1x64xf32, #tpu.memory_space<vmem>>
      %parallel_loop3A_456 = arith.constant 0 : i32
      %parallel_loop3A_457 = tpu.memref_slice %arg5[%parallel_loop3A_445, %parallel_loop3A_456] : memref<1000000x64xf32, #tpu.memory_space<hbm>> -> memref<1x64xf32, #tpu.memory_space<hbm>>
      tpu.enqueue_dma source(%parallel_loop3A_457 : memref<1x64xf32, #tpu.memory_space<hbm>>) target(%parallel_loop3A_455 : memref<1x64xf32, #tpu.memory_space<vmem>>) target_semaphore(%arg15 : memref<!tpu.dma_semaphore, #tpu.memory_space<semaphore_mem>>)
      %parallel_loop3A_458 = vector.extract_strided_slice %parallel_loop3A_87 {offsets = [13], sizes = [1], strides = [1]} : vector<16xi32> to vector<1xi32>
      %parallel_loop3A_459 = vector.extract %parallel_loop3A_458[0] : i32 from vector<1xi32>
      %parallel_loop3A_460 = arith.constant 16 : i32
      %parallel_loop3A_461 = arith.muli %parallel_loop3A_81, %parallel_loop3A_460 : i32
      %parallel_loop3A_462 = arith.constant 13 : i32
      %parallel_loop3A_463 = arith.addi %parallel_loop3A_461, %parallel_loop3A_462 : i32
      %parallel_loop3A_464 = arith.constant 0 : i32
      %parallel_loop3A_465 = tpu.memref_slice %arg11[%parallel_loop3A_463, %parallel_loop3A_464] : memref<256x64xf32, #tpu.memory_space<vmem>> -> memref<1x64xf32, #tpu.memory_space<vmem>>
      %parallel_loop3A_466 = arith.constant 0 : i32
      %parallel_loop3A_467 = tpu.memref_slice %arg4[%parallel_loop3A_459, %parallel_loop3A_466] : memref<1000000x64xf32, #tpu.memory_space<hbm>> -> memref<1x64xf32, #tpu.memory_space<hbm>>
      %parallel_loop3A_468 = arith.constant 0 : i32
      %parallel_loop3A_469 = tpu.memref_slice %arg11[%parallel_loop3A_463, %parallel_loop3A_468] : memref<256x64xf32, #tpu.memory_space<vmem>> -> memref<1x64xf32, #tpu.memory_space<vmem>>
      %parallel_loop3A_470 = arith.constant 0 : i32
      %parallel_loop3A_471 = tpu.memref_slice %arg4[%parallel_loop3A_459, %parallel_loop3A_470] : memref<1000000x64xf32, #tpu.memory_space<hbm>> -> memref<1x64xf32, #tpu.memory_space<hbm>>
      tpu.enqueue_dma source(%parallel_loop3A_471 : memref<1x64xf32, #tpu.memory_space<hbm>>) target(%parallel_loop3A_469 : memref<1x64xf32, #tpu.memory_space<vmem>>) target_semaphore(%arg14 : memref<!tpu.dma_semaphore, #tpu.memory_space<semaphore_mem>>)
      %parallel_loop3A_472 = vector.extract_strided_slice %parallel_loop3A_93 {offsets = [13], sizes = [1], strides = [1]} : vector<16xi32> to vector<1xi32>
      %parallel_loop3A_473 = vector.extract %parallel_loop3A_472[0] : i32 from vector<1xi32>
      %parallel_loop3A_474 = arith.constant 16 : i32
      %parallel_loop3A_475 = arith.muli %parallel_loop3A_81, %parallel_loop3A_474 : i32
      %parallel_loop3A_476 = arith.constant 13 : i32
      %parallel_loop3A_477 = arith.addi %parallel_loop3A_475, %parallel_loop3A_476 : i32
      %parallel_loop3A_478 = arith.constant 0 : i32
      %parallel_loop3A_479 = tpu.memref_slice %arg12[%parallel_loop3A_477, %parallel_loop3A_478] : memref<256x64xf32, #tpu.memory_space<vmem>> -> memref<1x64xf32, #tpu.memory_space<vmem>>
      %parallel_loop3A_480 = arith.constant 0 : i32
      %parallel_loop3A_481 = tpu.memref_slice %arg5[%parallel_loop3A_473, %parallel_loop3A_480] : memref<1000000x64xf32, #tpu.memory_space<hbm>> -> memref<1x64xf32, #tpu.memory_space<hbm>>
      %parallel_loop3A_482 = arith.constant 0 : i32
      %parallel_loop3A_483 = tpu.memref_slice %arg12[%parallel_loop3A_477, %parallel_loop3A_482] : memref<256x64xf32, #tpu.memory_space<vmem>> -> memref<1x64xf32, #tpu.memory_space<vmem>>
      %parallel_loop3A_484 = arith.constant 0 : i32
      %parallel_loop3A_485 = tpu.memref_slice %arg5[%parallel_loop3A_473, %parallel_loop3A_484] : memref<1000000x64xf32, #tpu.memory_space<hbm>> -> memref<1x64xf32, #tpu.memory_space<hbm>>
      tpu.enqueue_dma source(%parallel_loop3A_485 : memref<1x64xf32, #tpu.memory_space<hbm>>) target(%parallel_loop3A_483 : memref<1x64xf32, #tpu.memory_space<vmem>>) target_semaphore(%arg15 : memref<!tpu.dma_semaphore, #tpu.memory_space<semaphore_mem>>)
      %parallel_loop3A_486 = vector.extract_strided_slice %parallel_loop3A_87 {offsets = [14], sizes = [1], strides = [1]} : vector<16xi32> to vector<1xi32>
      %parallel_loop3A_487 = vector.extract %parallel_loop3A_486[0] : i32 from vector<1xi32>
      %parallel_loop3A_488 = arith.constant 16 : i32
      %parallel_loop3A_489 = arith.muli %parallel_loop3A_81, %parallel_loop3A_488 : i32
      %parallel_loop3A_490 = arith.constant 14 : i32
      %parallel_loop3A_491 = arith.addi %parallel_loop3A_489, %parallel_loop3A_490 : i32
      %parallel_loop3A_492 = arith.constant 0 : i32
      %parallel_loop3A_493 = tpu.memref_slice %arg11[%parallel_loop3A_491, %parallel_loop3A_492] : memref<256x64xf32, #tpu.memory_space<vmem>> -> memref<1x64xf32, #tpu.memory_space<vmem>>
      %parallel_loop3A_494 = arith.constant 0 : i32
      %parallel_loop3A_495 = tpu.memref_slice %arg4[%parallel_loop3A_487, %parallel_loop3A_494] : memref<1000000x64xf32, #tpu.memory_space<hbm>> -> memref<1x64xf32, #tpu.memory_space<hbm>>
      %parallel_loop3A_496 = arith.constant 0 : i32
      %parallel_loop3A_497 = tpu.memref_slice %arg11[%parallel_loop3A_491, %parallel_loop3A_496] : memref<256x64xf32, #tpu.memory_space<vmem>> -> memref<1x64xf32, #tpu.memory_space<vmem>>
      %parallel_loop3A_498 = arith.constant 0 : i32
      %parallel_loop3A_499 = tpu.memref_slice %arg4[%parallel_loop3A_487, %parallel_loop3A_498] : memref<1000000x64xf32, #tpu.memory_space<hbm>> -> memref<1x64xf32, #tpu.memory_space<hbm>>
      tpu.enqueue_dma source(%parallel_loop3A_499 : memref<1x64xf32, #tpu.memory_space<hbm>>) target(%parallel_loop3A_497 : memref<1x64xf32, #tpu.memory_space<vmem>>) target_semaphore(%arg14 : memref<!tpu.dma_semaphore, #tpu.memory_space<semaphore_mem>>)
      %parallel_loop3A_500 = vector.extract_strided_slice %parallel_loop3A_93 {offsets = [14], sizes = [1], strides = [1]} : vector<16xi32> to vector<1xi32>
      %parallel_loop3A_501 = vector.extract %parallel_loop3A_500[0] : i32 from vector<1xi32>
      %parallel_loop3A_502 = arith.constant 16 : i32
      %parallel_loop3A_503 = arith.muli %parallel_loop3A_81, %parallel_loop3A_502 : i32
      %parallel_loop3A_504 = arith.constant 14 : i32
      %parallel_loop3A_505 = arith.addi %parallel_loop3A_503, %parallel_loop3A_504 : i32
      %parallel_loop3A_506 = arith.constant 0 : i32
      %parallel_loop3A_507 = tpu.memref_slice %arg12[%parallel_loop3A_505, %parallel_loop3A_506] : memref<256x64xf32, #tpu.memory_space<vmem>> -> memref<1x64xf32, #tpu.memory_space<vmem>>
      %parallel_loop3A_508 = arith.constant 0 : i32
      %parallel_loop3A_509 = tpu.memref_slice %arg5[%parallel_loop3A_501, %parallel_loop3A_508] : memref<1000000x64xf32, #tpu.memory_space<hbm>> -> memref<1x64xf32, #tpu.memory_space<hbm>>
      %parallel_loop3A_510 = arith.constant 0 : i32
      %parallel_loop3A_511 = tpu.memref_slice %arg12[%parallel_loop3A_505, %parallel_loop3A_510] : memref<256x64xf32, #tpu.memory_space<vmem>> -> memref<1x64xf32, #tpu.memory_space<vmem>>
      %parallel_loop3A_512 = arith.constant 0 : i32
      %parallel_loop3A_513 = tpu.memref_slice %arg5[%parallel_loop3A_501, %parallel_loop3A_512] : memref<1000000x64xf32, #tpu.memory_space<hbm>> -> memref<1x64xf32, #tpu.memory_space<hbm>>
      tpu.enqueue_dma source(%parallel_loop3A_513 : memref<1x64xf32, #tpu.memory_space<hbm>>) target(%parallel_loop3A_511 : memref<1x64xf32, #tpu.memory_space<vmem>>) target_semaphore(%arg15 : memref<!tpu.dma_semaphore, #tpu.memory_space<semaphore_mem>>)
      %parallel_loop3A_514 = vector.extract_strided_slice %parallel_loop3A_87 {offsets = [15], sizes = [1], strides = [1]} : vector<16xi32> to vector<1xi32>
      %parallel_loop3A_515 = vector.extract %parallel_loop3A_514[0] : i32 from vector<1xi32>
      %parallel_loop3A_516 = arith.constant 16 : i32
      %parallel_loop3A_517 = arith.muli %parallel_loop3A_81, %parallel_loop3A_516 : i32
      %parallel_loop3A_518 = arith.constant 15 : i32
      %parallel_loop3A_519 = arith.addi %parallel_loop3A_517, %parallel_loop3A_518 : i32
      %parallel_loop3A_520 = arith.constant 0 : i32
      %parallel_loop3A_521 = tpu.memref_slice %arg11[%parallel_loop3A_519, %parallel_loop3A_520] : memref<256x64xf32, #tpu.memory_space<vmem>> -> memref<1x64xf32, #tpu.memory_space<vmem>>
      %parallel_loop3A_522 = arith.constant 0 : i32
      %parallel_loop3A_523 = tpu.memref_slice %arg4[%parallel_loop3A_515, %parallel_loop3A_522] : memref<1000000x64xf32, #tpu.memory_space<hbm>> -> memref<1x64xf32, #tpu.memory_space<hbm>>
      %parallel_loop3A_524 = arith.constant 0 : i32
      %parallel_loop3A_525 = tpu.memref_slice %arg11[%parallel_loop3A_519, %parallel_loop3A_524] : memref<256x64xf32, #tpu.memory_space<vmem>> -> memref<1x64xf32, #tpu.memory_space<vmem>>
      %parallel_loop3A_526 = arith.constant 0 : i32
      %parallel_loop3A_527 = tpu.memref_slice %arg4[%parallel_loop3A_515, %parallel_loop3A_526] : memref<1000000x64xf32, #tpu.memory_space<hbm>> -> memref<1x64xf32, #tpu.memory_space<hbm>>
      tpu.enqueue_dma source(%parallel_loop3A_527 : memref<1x64xf32, #tpu.memory_space<hbm>>) target(%parallel_loop3A_525 : memref<1x64xf32, #tpu.memory_space<vmem>>) target_semaphore(%arg14 : memref<!tpu.dma_semaphore, #tpu.memory_space<semaphore_mem>>)
      %parallel_loop3A_528 = vector.extract_strided_slice %parallel_loop3A_93 {offsets = [15], sizes = [1], strides = [1]} : vector<16xi32> to vector<1xi32>
      %parallel_loop3A_529 = vector.extract %parallel_loop3A_528[0] : i32 from vector<1xi32>
      %parallel_loop3A_530 = arith.constant 16 : i32
      %parallel_loop3A_531 = arith.muli %parallel_loop3A_81, %parallel_loop3A_530 : i32
      %parallel_loop3A_532 = arith.constant 15 : i32
      %parallel_loop3A_533 = arith.addi %parallel_loop3A_531, %parallel_loop3A_532 : i32
      %parallel_loop3A_534 = arith.constant 0 : i32
      %parallel_loop3A_535 = tpu.memref_slice %arg12[%parallel_loop3A_533, %parallel_loop3A_534] : memref<256x64xf32, #tpu.memory_space<vmem>> -> memref<1x64xf32, #tpu.memory_space<vmem>>
      %parallel_loop3A_536 = arith.constant 0 : i32
      %parallel_loop3A_537 = tpu.memref_slice %arg5[%parallel_loop3A_529, %parallel_loop3A_536] : memref<1000000x64xf32, #tpu.memory_space<hbm>> -> memref<1x64xf32, #tpu.memory_space<hbm>>
      %parallel_loop3A_538 = arith.constant 0 : i32
      %parallel_loop3A_539 = tpu.memref_slice %arg12[%parallel_loop3A_533, %parallel_loop3A_538] : memref<256x64xf32, #tpu.memory_space<vmem>> -> memref<1x64xf32, #tpu.memory_space<vmem>>
      %parallel_loop3A_540 = arith.constant 0 : i32
      %parallel_loop3A_541 = tpu.memref_slice %arg5[%parallel_loop3A_529, %parallel_loop3A_540] : memref<1000000x64xf32, #tpu.memory_space<hbm>> -> memref<1x64xf32, #tpu.memory_space<hbm>>
      tpu.enqueue_dma source(%parallel_loop3A_541 : memref<1x64xf32, #tpu.memory_space<hbm>>) target(%parallel_loop3A_539 : memref<1x64xf32, #tpu.memory_space<vmem>>) target_semaphore(%arg15 : memref<!tpu.dma_semaphore, #tpu.memory_space<semaphore_mem>>)
    } {sc.loop_unroll_factor = 1 : i64, sc.parallel_access}
    %dma_wait3A = arith.constant 0 : i32
    %dma_wait3A_5 = arith.constant 0 : i32
    %dma_wait3A_6 = tpu.memref_slice %arg4[%dma_wait3A, %dma_wait3A_5] : memref<1000000x64xf32, #tpu.memory_space<hbm>> -> memref<256x64xf32, #tpu.memory_space<hbm>>
    %dma_wait3A_7 = arith.constant 0 : i32
    %dma_wait3A_8 = arith.constant 0 : i32
    %dma_wait3A_9 = tpu.memref_slice %arg4[%dma_wait3A_7, %dma_wait3A_8] : memref<1000000x64xf32, #tpu.memory_space<hbm>> -> memref<256x64xf32, #tpu.memory_space<hbm>>
    tpu.wait_dma2 semaphore(%arg14 : memref<!tpu.dma_semaphore, #tpu.memory_space<semaphore_mem>>) src(%dma_wait3A_9 : memref<256x64xf32, #tpu.memory_space<hbm>>) dst(%arg11 : memref<256x64xf32, #tpu.memory_space<vmem>>)
    %dma_wait3A_10 = arith.constant 0 : i32
    %dma_wait3A_11 = arith.constant 0 : i32
    %dma_wait3A_12 = tpu.memref_slice %arg5[%dma_wait3A_10, %dma_wait3A_11] : memref<1000000x64xf32, #tpu.memory_space<hbm>> -> memref<256x64xf32, #tpu.memory_space<hbm>>
    %dma_wait3A_13 = arith.constant 0 : i32
    %dma_wait3A_14 = arith.constant 0 : i32
    %dma_wait3A_15 = tpu.memref_slice %arg5[%dma_wait3A_13, %dma_wait3A_14] : memref<1000000x64xf32, #tpu.memory_space<hbm>> -> memref<256x64xf32, #tpu.memory_space<hbm>>
    tpu.wait_dma2 semaphore(%arg15 : memref<!tpu.dma_semaphore, #tpu.memory_space<semaphore_mem>>) src(%dma_wait3A_15 : memref<256x64xf32, #tpu.memory_space<hbm>>) dst(%arg12 : memref<256x64xf32, #tpu.memory_space<vmem>>)
    %scan3A = arith.constant 0 : i32
    %scan3A_16 = arith.constant 0 : i32
    %scan3A_17 = arith.constant 16 : i32
    %scan3A_18 = arith.addi %scan3A_16, %scan3A_17 : i32
    %scan3A_19 = arith.constant 1 : i32
    scf.for %scan3A_81 = %scan3A_16 to %scan3A_18 step %scan3A_19  : i32 {
      %mul3A_82 = arith.constant 16 : i32
      %mul3A_83 = arith.muli %scan3A_81, %mul3A_82 : i32
      %add3A_84 = vector.broadcast %mul3A_83 : i32 to vector<16xi32>
      %add3A_85 = arith.addi %iota3A, %add3A_84 : vector<16xi32>
      %broadcast_in_dim3A = arith.constant 0.000000e+00 : f32
      %broadcast_in_dim3A_86 = vector.broadcast %broadcast_in_dim3A : f32 to vector<16xf32>
      %scan3A_87 = arith.constant 0 : i32
      %scan3A_88 = arith.constant 16 : i32
      %scan3A_89 = arith.addi %scan3A_87, %scan3A_88 : i32
      %scan3A_90 = arith.constant 1 : i32
      %scan3A_91 = scf.for %scan3A_98 = %scan3A_87 to %scan3A_89 step %scan3A_90 iter_args(%scan3A_99 = %broadcast_in_dim3A_86) -> (vector<16xf32>)  : i32 {
        %mul3A_100 = arith.constant 4 : i32
        %mul3A_101 = arith.muli %scan3A_98, %mul3A_100 : i32
        %add3A_102 = arith.constant 0 : i32
        %add3A_103 = arith.addi %mul3A_101, %add3A_102 : i32
        %broadcast_in_dim3A_104 = vector.broadcast %add3A_103 : i32 to vector<16xi32>
        %gather3A = tpu.vector_load_idx %arg11[%add3A_85, %broadcast_in_dim3A_104] : memref<256x64xf32, #tpu.memory_space<vmem>>[vector<16xi32>, vector<16xi32>], vector<16xf32>,
        %gather3A_105 = tpu.vector_load_idx %arg12[%add3A_85, %broadcast_in_dim3A_104] : memref<256x64xf32, #tpu.memory_space<vmem>>[vector<16xi32>, vector<16xi32>], vector<16xf32>,
        %mul3A_106 = arith.mulf %gather3A, %gather3A_105 : vector<16xf32>
        %add3A_107 = arith.addf %scan3A_99, %mul3A_106 : vector<16xf32>
        %mul3A_108 = arith.constant 4 : i32
        %mul3A_109 = arith.muli %scan3A_98, %mul3A_108 : i32
        %add3A_110 = arith.constant 1 : i32
        %add3A_111 = arith.addi %mul3A_109, %add3A_110 : i32
        %broadcast_in_dim3A_112 = vector.broadcast %add3A_111 : i32 to vector<16xi32>
        %gather3A_113 = tpu.vector_load_idx %arg11[%add3A_85, %broadcast_in_dim3A_112] : memref<256x64xf32, #tpu.memory_space<vmem>>[vector<16xi32>, vector<16xi32>], vector<16xf32>,
        %gather3A_114 = tpu.vector_load_idx %arg12[%add3A_85, %broadcast_in_dim3A_112] : memref<256x64xf32, #tpu.memory_space<vmem>>[vector<16xi32>, vector<16xi32>], vector<16xf32>,
        %mul3A_115 = arith.mulf %gather3A_113, %gather3A_114 : vector<16xf32>
        %add3A_116 = arith.addf %add3A_107, %mul3A_115 : vector<16xf32>
        %mul3A_117 = arith.constant 4 : i32
        %mul3A_118 = arith.muli %scan3A_98, %mul3A_117 : i32
        %add3A_119 = arith.constant 2 : i32
        %add3A_120 = arith.addi %mul3A_118, %add3A_119 : i32
        %broadcast_in_dim3A_121 = vector.broadcast %add3A_120 : i32 to vector<16xi32>
        %gather3A_122 = tpu.vector_load_idx %arg11[%add3A_85, %broadcast_in_dim3A_121] : memref<256x64xf32, #tpu.memory_space<vmem>>[vector<16xi32>, vector<16xi32>], vector<16xf32>,
        %gather3A_123 = tpu.vector_load_idx %arg12[%add3A_85, %broadcast_in_dim3A_121] : memref<256x64xf32, #tpu.memory_space<vmem>>[vector<16xi32>, vector<16xi32>], vector<16xf32>,
        %mul3A_124 = arith.mulf %gather3A_122, %gather3A_123 : vector<16xf32>
        %add3A_125 = arith.addf %add3A_116, %mul3A_124 : vector<16xf32>
        %mul3A_126 = arith.constant 4 : i32
        %mul3A_127 = arith.muli %scan3A_98, %mul3A_126 : i32
        %add3A_128 = arith.constant 3 : i32
        %add3A_129 = arith.addi %mul3A_127, %add3A_128 : i32
        %broadcast_in_dim3A_130 = vector.broadcast %add3A_129 : i32 to vector<16xi32>
        %gather3A_131 = tpu.vector_load_idx %arg11[%add3A_85, %broadcast_in_dim3A_130] : memref<256x64xf32, #tpu.memory_space<vmem>>[vector<16xi32>, vector<16xi32>], vector<16xf32>,
        %gather3A_132 = tpu.vector_load_idx %arg12[%add3A_85, %broadcast_in_dim3A_130] : memref<256x64xf32, #tpu.memory_space<vmem>>[vector<16xi32>, vector<16xi32>], vector<16xf32>,
        %mul3A_133 = arith.mulf %gather3A_131, %gather3A_132 : vector<16xf32>
        %add3A_134 = arith.addf %add3A_125, %mul3A_133 : vector<16xf32>
        scf.yield %add3A_134 : vector<16xf32>
      }
      %scan3A_92 = arith.constant 16 : i32
      %mul3A_93 = arith.constant 16 : i32
      %mul3A_94 = arith.muli %scan3A_81, %mul3A_93 : i32
      %add3A_95 = arith.constant 0 : i32
      %add3A_96 = arith.addi %add3A_95, %mul3A_94 : i32
      %swap3A = arith.index_cast %add3A_96 : i32 to index
      %swap3A_97 = tpu.vector_load %arg13[%swap3A] {strides = array<i32>} : memref<512xf32, #tpu.memory_space<vmem>>, vector<16xf32>,
      tpu.vector_store %arg13[%swap3A], %scan3A_91 {strides = array<i32>} : memref<512xf32, #tpu.memory_space<vmem>>, vector<16xf32>,
    }
    %scan3A_20 = arith.constant 16 : i32
    %add3A_21 = arith.constant 0 : i32
    %add3A_22 = arith.addi %mul3A_2, %add3A_21 : i32
    %dma_start3A = arith.constant 0 : i32
    %dma_start3A_23 = tpu.memref_slice %arg7[%add3A_22, %dma_start3A] : memref<16384x64xf32, #tpu.memory_space<hbm>> -> memref<256x64xf32, #tpu.memory_space<hbm>>
    %dma_start3A_24 = arith.constant 0 : i32
    %dma_start3A_25 = tpu.memref_slice %arg7[%add3A_22, %dma_start3A_24] : memref<16384x64xf32, #tpu.memory_space<hbm>> -> memref<256x64xf32, #tpu.memory_space<hbm>>
    tpu.enqueue_dma source(%arg11 : memref<256x64xf32, #tpu.memory_space<vmem>>) target(%dma_start3A_25 : memref<256x64xf32, #tpu.memory_space<hbm>>) target_semaphore(%arg16 : memref<!tpu.dma_semaphore, #tpu.memory_space<semaphore_mem>>)
    %add3A_26 = arith.constant 0 : i32
    %add3A_27 = arith.addi %mul3A_2, %add3A_26 : i32
    %dma_start3A_28 = arith.constant 0 : i32
    %dma_start3A_29 = tpu.memref_slice %arg8[%add3A_27, %dma_start3A_28] : memref<16384x64xf32, #tpu.memory_space<hbm>> -> memref<256x64xf32, #tpu.memory_space<hbm>>
    %dma_start3A_30 = arith.constant 0 : i32
    %dma_start3A_31 = tpu.memref_slice %arg8[%add3A_27, %dma_start3A_30] : memref<16384x64xf32, #tpu.memory_space<hbm>> -> memref<256x64xf32, #tpu.memory_space<hbm>>
    tpu.enqueue_dma source(%arg12 : memref<256x64xf32, #tpu.memory_space<vmem>>) target(%dma_start3A_31 : memref<256x64xf32, #tpu.memory_space<hbm>>) target_semaphore(%arg17 : memref<!tpu.dma_semaphore, #tpu.memory_space<semaphore_mem>>)
    %dma_wait3A_32 = arith.constant 0 : i32
    %dma_wait3A_33 = tpu.memref_slice %arg7[%add3A_22, %dma_wait3A_32] : memref<16384x64xf32, #tpu.memory_space<hbm>> -> memref<256x64xf32, #tpu.memory_space<hbm>>
    %dma_wait3A_34 = arith.constant 0 : i32
    %dma_wait3A_35 = tpu.memref_slice %arg7[%add3A_22, %dma_wait3A_34] : memref<16384x64xf32, #tpu.memory_space<hbm>> -> memref<256x64xf32, #tpu.memory_space<hbm>>
    tpu.wait_dma2 semaphore(%arg16 : memref<!tpu.dma_semaphore, #tpu.memory_space<semaphore_mem>>) src(%arg11 : memref<256x64xf32, #tpu.memory_space<vmem>>) dst(%dma_wait3A_35 : memref<256x64xf32, #tpu.memory_space<hbm>>)
    %dma_wait3A_36 = arith.constant 0 : i32
    %dma_wait3A_37 = tpu.memref_slice %arg8[%add3A_27, %dma_wait3A_36] : memref<16384x64xf32, #tpu.memory_space<hbm>> -> memref<256x64xf32, #tpu.memory_space<hbm>>
    %dma_wait3A_38 = arith.constant 0 : i32
    %dma_wait3A_39 = tpu.memref_slice %arg8[%add3A_27, %dma_wait3A_38] : memref<16384x64xf32, #tpu.memory_space<hbm>> -> memref<256x64xf32, #tpu.memory_space<hbm>>
    tpu.wait_dma2 semaphore(%arg17 : memref<!tpu.dma_semaphore, #tpu.memory_space<semaphore_mem>>) src(%arg12 : memref<256x64xf32, #tpu.memory_space<vmem>>) dst(%dma_wait3A_39 : memref<256x64xf32, #tpu.memory_space<hbm>>)
    %parallel_loop3A_40 = arith.constant 0 : i32
    %parallel_loop3A_41 = arith.constant 16 : i32
    %parallel_loop3A_42 = arith.constant 1 : i32
    scf.for %parallel_loop3A_81 = %parallel_loop3A_40 to %parallel_loop3A_41 step %parallel_loop3A_42  : i32 {
      %parallel_loop3A_82 = arith.constant 16 : i32
      %parallel_loop3A_83 = arith.muli %parallel_loop3A_81, %parallel_loop3A_82 : i32
      %parallel_loop3A_84 = arith.constant 256 : i32
      %parallel_loop3A_85 = arith.addi %parallel_loop3A_84, %parallel_loop3A_83 : i32
      %parallel_loop3A_86 = arith.index_cast %parallel_loop3A_85 : i32 to index
      %parallel_loop3A_87 = tpu.vector_load %arg9[%parallel_loop3A_86] {strides = array<i32>} : memref<512xi32, #tpu.memory_space<vmem>>, vector<16xi32>,
      %parallel_loop3A_88 = arith.constant 16 : i32
      %parallel_loop3A_89 = arith.muli %parallel_loop3A_81, %parallel_loop3A_88 : i32
      %parallel_loop3A_90 = arith.constant 256 : i32
      %parallel_loop3A_91 = arith.addi %parallel_loop3A_90, %parallel_loop3A_89 : i32
      %parallel_loop3A_92 = arith.index_cast %parallel_loop3A_91 : i32 to index
      %parallel_loop3A_93 = tpu.vector_load %arg10[%parallel_loop3A_92] {strides = array<i32>} : memref<512xi32, #tpu.memory_space<vmem>>, vector<16xi32>,
      %parallel_loop3A_94 = vector.extract_strided_slice %parallel_loop3A_87 {offsets = [0], sizes = [1], strides = [1]} : vector<16xi32> to vector<1xi32>
      %parallel_loop3A_95 = vector.extract %parallel_loop3A_94[0] : i32 from vector<1xi32>
      %parallel_loop3A_96 = arith.constant 16 : i32
      %parallel_loop3A_97 = arith.muli %parallel_loop3A_81, %parallel_loop3A_96 : i32
      %parallel_loop3A_98 = arith.constant 0 : i32
      %parallel_loop3A_99 = arith.addi %parallel_loop3A_97, %parallel_loop3A_98 : i32
      %parallel_loop3A_100 = arith.constant 0 : i32
      %parallel_loop3A_101 = tpu.memref_slice %arg11[%parallel_loop3A_99, %parallel_loop3A_100] : memref<256x64xf32, #tpu.memory_space<vmem>> -> memref<1x64xf32, #tpu.memory_space<vmem>>
      %parallel_loop3A_102 = arith.constant 0 : i32
      %parallel_loop3A_103 = tpu.memref_slice %arg4[%parallel_loop3A_95, %parallel_loop3A_102] : memref<1000000x64xf32, #tpu.memory_space<hbm>> -> memref<1x64xf32, #tpu.memory_space<hbm>>
      %parallel_loop3A_104 = arith.constant 0 : i32
      %parallel_loop3A_105 = tpu.memref_slice %arg11[%parallel_loop3A_99, %parallel_loop3A_104] : memref<256x64xf32, #tpu.memory_space<vmem>> -> memref<1x64xf32, #tpu.memory_space<vmem>>
      %parallel_loop3A_106 = arith.constant 0 : i32
      %parallel_loop3A_107 = tpu.memref_slice %arg4[%parallel_loop3A_95, %parallel_loop3A_106] : memref<1000000x64xf32, #tpu.memory_space<hbm>> -> memref<1x64xf32, #tpu.memory_space<hbm>>
      tpu.enqueue_dma source(%parallel_loop3A_107 : memref<1x64xf32, #tpu.memory_space<hbm>>) target(%parallel_loop3A_105 : memref<1x64xf32, #tpu.memory_space<vmem>>) target_semaphore(%arg14 : memref<!tpu.dma_semaphore, #tpu.memory_space<semaphore_mem>>)
      %parallel_loop3A_108 = vector.extract_strided_slice %parallel_loop3A_93 {offsets = [0], sizes = [1], strides = [1]} : vector<16xi32> to vector<1xi32>
      %parallel_loop3A_109 = vector.extract %parallel_loop3A_108[0] : i32 from vector<1xi32>
      %parallel_loop3A_110 = arith.constant 16 : i32
      %parallel_loop3A_111 = arith.muli %parallel_loop3A_81, %parallel_loop3A_110 : i32
      %parallel_loop3A_112 = arith.constant 0 : i32
      %parallel_loop3A_113 = arith.addi %parallel_loop3A_111, %parallel_loop3A_112 : i32
      %parallel_loop3A_114 = arith.constant 0 : i32
      %parallel_loop3A_115 = tpu.memref_slice %arg12[%parallel_loop3A_113, %parallel_loop3A_114] : memref<256x64xf32, #tpu.memory_space<vmem>> -> memref<1x64xf32, #tpu.memory_space<vmem>>
      %parallel_loop3A_116 = arith.constant 0 : i32
      %parallel_loop3A_117 = tpu.memref_slice %arg5[%parallel_loop3A_109, %parallel_loop3A_116] : memref<1000000x64xf32, #tpu.memory_space<hbm>> -> memref<1x64xf32, #tpu.memory_space<hbm>>
      %parallel_loop3A_118 = arith.constant 0 : i32
      %parallel_loop3A_119 = tpu.memref_slice %arg12[%parallel_loop3A_113, %parallel_loop3A_118] : memref<256x64xf32, #tpu.memory_space<vmem>> -> memref<1x64xf32, #tpu.memory_space<vmem>>
      %parallel_loop3A_120 = arith.constant 0 : i32
      %parallel_loop3A_121 = tpu.memref_slice %arg5[%parallel_loop3A_109, %parallel_loop3A_120] : memref<1000000x64xf32, #tpu.memory_space<hbm>> -> memref<1x64xf32, #tpu.memory_space<hbm>>
      tpu.enqueue_dma source(%parallel_loop3A_121 : memref<1x64xf32, #tpu.memory_space<hbm>>) target(%parallel_loop3A_119 : memref<1x64xf32, #tpu.memory_space<vmem>>) target_semaphore(%arg15 : memref<!tpu.dma_semaphore, #tpu.memory_space<semaphore_mem>>)
      %parallel_loop3A_122 = vector.extract_strided_slice %parallel_loop3A_87 {offsets = [1], sizes = [1], strides = [1]} : vector<16xi32> to vector<1xi32>
      %parallel_loop3A_123 = vector.extract %parallel_loop3A_122[0] : i32 from vector<1xi32>
      %parallel_loop3A_124 = arith.constant 16 : i32
      %parallel_loop3A_125 = arith.muli %parallel_loop3A_81, %parallel_loop3A_124 : i32
      %parallel_loop3A_126 = arith.constant 1 : i32
      %parallel_loop3A_127 = arith.addi %parallel_loop3A_125, %parallel_loop3A_126 : i32
      %parallel_loop3A_128 = arith.constant 0 : i32
      %parallel_loop3A_129 = tpu.memref_slice %arg11[%parallel_loop3A_127, %parallel_loop3A_128] : memref<256x64xf32, #tpu.memory_space<vmem>> -> memref<1x64xf32, #tpu.memory_space<vmem>>
      %parallel_loop3A_130 = arith.constant 0 : i32
      %parallel_loop3A_131 = tpu.memref_slice %arg4[%parallel_loop3A_123, %parallel_loop3A_130] : memref<1000000x64xf32, #tpu.memory_space<hbm>> -> memref<1x64xf32, #tpu.memory_space<hbm>>
      %parallel_loop3A_132 = arith.constant 0 : i32
      %parallel_loop3A_133 = tpu.memref_slice %arg11[%parallel_loop3A_127, %parallel_loop3A_132] : memref<256x64xf32, #tpu.memory_space<vmem>> -> memref<1x64xf32, #tpu.memory_space<vmem>>
      %parallel_loop3A_134 = arith.constant 0 : i32
      %parallel_loop3A_135 = tpu.memref_slice %arg4[%parallel_loop3A_123, %parallel_loop3A_134] : memref<1000000x64xf32, #tpu.memory_space<hbm>> -> memref<1x64xf32, #tpu.memory_space<hbm>>
      tpu.enqueue_dma source(%parallel_loop3A_135 : memref<1x64xf32, #tpu.memory_space<hbm>>) target(%parallel_loop3A_133 : memref<1x64xf32, #tpu.memory_space<vmem>>) target_semaphore(%arg14 : memref<!tpu.dma_semaphore, #tpu.memory_space<semaphore_mem>>)
      %parallel_loop3A_136 = vector.extract_strided_slice %parallel_loop3A_93 {offsets = [1], sizes = [1], strides = [1]} : vector<16xi32> to vector<1xi32>
      %parallel_loop3A_137 = vector.extract %parallel_loop3A_136[0] : i32 from vector<1xi32>
      %parallel_loop3A_138 = arith.constant 16 : i32
      %parallel_loop3A_139 = arith.muli %parallel_loop3A_81, %parallel_loop3A_138 : i32
      %parallel_loop3A_140 = arith.constant 1 : i32
      %parallel_loop3A_141 = arith.addi %parallel_loop3A_139, %parallel_loop3A_140 : i32
      %parallel_loop3A_142 = arith.constant 0 : i32
      %parallel_loop3A_143 = tpu.memref_slice %arg12[%parallel_loop3A_141, %parallel_loop3A_142] : memref<256x64xf32, #tpu.memory_space<vmem>> -> memref<1x64xf32, #tpu.memory_space<vmem>>
      %parallel_loop3A_144 = arith.constant 0 : i32
      %parallel_loop3A_145 = tpu.memref_slice %arg5[%parallel_loop3A_137, %parallel_loop3A_144] : memref<1000000x64xf32, #tpu.memory_space<hbm>> -> memref<1x64xf32, #tpu.memory_space<hbm>>
      %parallel_loop3A_146 = arith.constant 0 : i32
      %parallel_loop3A_147 = tpu.memref_slice %arg12[%parallel_loop3A_141, %parallel_loop3A_146] : memref<256x64xf32, #tpu.memory_space<vmem>> -> memref<1x64xf32, #tpu.memory_space<vmem>>
      %parallel_loop3A_148 = arith.constant 0 : i32
      %parallel_loop3A_149 = tpu.memref_slice %arg5[%parallel_loop3A_137, %parallel_loop3A_148] : memref<1000000x64xf32, #tpu.memory_space<hbm>> -> memref<1x64xf32, #tpu.memory_space<hbm>>
      tpu.enqueue_dma source(%parallel_loop3A_149 : memref<1x64xf32, #tpu.memory_space<hbm>>) target(%parallel_loop3A_147 : memref<1x64xf32, #tpu.memory_space<vmem>>) target_semaphore(%arg15 : memref<!tpu.dma_semaphore, #tpu.memory_space<semaphore_mem>>)
      %parallel_loop3A_150 = vector.extract_strided_slice %parallel_loop3A_87 {offsets = [2], sizes = [1], strides = [1]} : vector<16xi32> to vector<1xi32>
      %parallel_loop3A_151 = vector.extract %parallel_loop3A_150[0] : i32 from vector<1xi32>
      %parallel_loop3A_152 = arith.constant 16 : i32
      %parallel_loop3A_153 = arith.muli %parallel_loop3A_81, %parallel_loop3A_152 : i32
      %parallel_loop3A_154 = arith.constant 2 : i32
      %parallel_loop3A_155 = arith.addi %parallel_loop3A_153, %parallel_loop3A_154 : i32
      %parallel_loop3A_156 = arith.constant 0 : i32
      %parallel_loop3A_157 = tpu.memref_slice %arg11[%parallel_loop3A_155, %parallel_loop3A_156] : memref<256x64xf32, #tpu.memory_space<vmem>> -> memref<1x64xf32, #tpu.memory_space<vmem>>
      %parallel_loop3A_158 = arith.constant 0 : i32
      %parallel_loop3A_159 = tpu.memref_slice %arg4[%parallel_loop3A_151, %parallel_loop3A_158] : memref<1000000x64xf32, #tpu.memory_space<hbm>> -> memref<1x64xf32, #tpu.memory_space<hbm>>
      %parallel_loop3A_160 = arith.constant 0 : i32
      %parallel_loop3A_161 = tpu.memref_slice %arg11[%parallel_loop3A_155, %parallel_loop3A_160] : memref<256x64xf32, #tpu.memory_space<vmem>> -> memref<1x64xf32, #tpu.memory_space<vmem>>
      %parallel_loop3A_162 = arith.constant 0 : i32
      %parallel_loop3A_163 = tpu.memref_slice %arg4[%parallel_loop3A_151, %parallel_loop3A_162] : memref<1000000x64xf32, #tpu.memory_space<hbm>> -> memref<1x64xf32, #tpu.memory_space<hbm>>
      tpu.enqueue_dma source(%parallel_loop3A_163 : memref<1x64xf32, #tpu.memory_space<hbm>>) target(%parallel_loop3A_161 : memref<1x64xf32, #tpu.memory_space<vmem>>) target_semaphore(%arg14 : memref<!tpu.dma_semaphore, #tpu.memory_space<semaphore_mem>>)
      %parallel_loop3A_164 = vector.extract_strided_slice %parallel_loop3A_93 {offsets = [2], sizes = [1], strides = [1]} : vector<16xi32> to vector<1xi32>
      %parallel_loop3A_165 = vector.extract %parallel_loop3A_164[0] : i32 from vector<1xi32>
      %parallel_loop3A_166 = arith.constant 16 : i32
      %parallel_loop3A_167 = arith.muli %parallel_loop3A_81, %parallel_loop3A_166 : i32
      %parallel_loop3A_168 = arith.constant 2 : i32
      %parallel_loop3A_169 = arith.addi %parallel_loop3A_167, %parallel_loop3A_168 : i32
      %parallel_loop3A_170 = arith.constant 0 : i32
      %parallel_loop3A_171 = tpu.memref_slice %arg12[%parallel_loop3A_169, %parallel_loop3A_170] : memref<256x64xf32, #tpu.memory_space<vmem>> -> memref<1x64xf32, #tpu.memory_space<vmem>>
      %parallel_loop3A_172 = arith.constant 0 : i32
      %parallel_loop3A_173 = tpu.memref_slice %arg5[%parallel_loop3A_165, %parallel_loop3A_172] : memref<1000000x64xf32, #tpu.memory_space<hbm>> -> memref<1x64xf32, #tpu.memory_space<hbm>>
      %parallel_loop3A_174 = arith.constant 0 : i32
      %parallel_loop3A_175 = tpu.memref_slice %arg12[%parallel_loop3A_169, %parallel_loop3A_174] : memref<256x64xf32, #tpu.memory_space<vmem>> -> memref<1x64xf32, #tpu.memory_space<vmem>>
      %parallel_loop3A_176 = arith.constant 0 : i32
      %parallel_loop3A_177 = tpu.memref_slice %arg5[%parallel_loop3A_165, %parallel_loop3A_176] : memref<1000000x64xf32, #tpu.memory_space<hbm>> -> memref<1x64xf32, #tpu.memory_space<hbm>>
      tpu.enqueue_dma source(%parallel_loop3A_177 : memref<1x64xf32, #tpu.memory_space<hbm>>) target(%parallel_loop3A_175 : memref<1x64xf32, #tpu.memory_space<vmem>>) target_semaphore(%arg15 : memref<!tpu.dma_semaphore, #tpu.memory_space<semaphore_mem>>)
      %parallel_loop3A_178 = vector.extract_strided_slice %parallel_loop3A_87 {offsets = [3], sizes = [1], strides = [1]} : vector<16xi32> to vector<1xi32>
      %parallel_loop3A_179 = vector.extract %parallel_loop3A_178[0] : i32 from vector<1xi32>
      %parallel_loop3A_180 = arith.constant 16 : i32
      %parallel_loop3A_181 = arith.muli %parallel_loop3A_81, %parallel_loop3A_180 : i32
      %parallel_loop3A_182 = arith.constant 3 : i32
      %parallel_loop3A_183 = arith.addi %parallel_loop3A_181, %parallel_loop3A_182 : i32
      %parallel_loop3A_184 = arith.constant 0 : i32
      %parallel_loop3A_185 = tpu.memref_slice %arg11[%parallel_loop3A_183, %parallel_loop3A_184] : memref<256x64xf32, #tpu.memory_space<vmem>> -> memref<1x64xf32, #tpu.memory_space<vmem>>
      %parallel_loop3A_186 = arith.constant 0 : i32
      %parallel_loop3A_187 = tpu.memref_slice %arg4[%parallel_loop3A_179, %parallel_loop3A_186] : memref<1000000x64xf32, #tpu.memory_space<hbm>> -> memref<1x64xf32, #tpu.memory_space<hbm>>
      %parallel_loop3A_188 = arith.constant 0 : i32
      %parallel_loop3A_189 = tpu.memref_slice %arg11[%parallel_loop3A_183, %parallel_loop3A_188] : memref<256x64xf32, #tpu.memory_space<vmem>> -> memref<1x64xf32, #tpu.memory_space<vmem>>
      %parallel_loop3A_190 = arith.constant 0 : i32
      %parallel_loop3A_191 = tpu.memref_slice %arg4[%parallel_loop3A_179, %parallel_loop3A_190] : memref<1000000x64xf32, #tpu.memory_space<hbm>> -> memref<1x64xf32, #tpu.memory_space<hbm>>
      tpu.enqueue_dma source(%parallel_loop3A_191 : memref<1x64xf32, #tpu.memory_space<hbm>>) target(%parallel_loop3A_189 : memref<1x64xf32, #tpu.memory_space<vmem>>) target_semaphore(%arg14 : memref<!tpu.dma_semaphore, #tpu.memory_space<semaphore_mem>>)
      %parallel_loop3A_192 = vector.extract_strided_slice %parallel_loop3A_93 {offsets = [3], sizes = [1], strides = [1]} : vector<16xi32> to vector<1xi32>
      %parallel_loop3A_193 = vector.extract %parallel_loop3A_192[0] : i32 from vector<1xi32>
      %parallel_loop3A_194 = arith.constant 16 : i32
      %parallel_loop3A_195 = arith.muli %parallel_loop3A_81, %parallel_loop3A_194 : i32
      %parallel_loop3A_196 = arith.constant 3 : i32
      %parallel_loop3A_197 = arith.addi %parallel_loop3A_195, %parallel_loop3A_196 : i32
      %parallel_loop3A_198 = arith.constant 0 : i32
      %parallel_loop3A_199 = tpu.memref_slice %arg12[%parallel_loop3A_197, %parallel_loop3A_198] : memref<256x64xf32, #tpu.memory_space<vmem>> -> memref<1x64xf32, #tpu.memory_space<vmem>>
      %parallel_loop3A_200 = arith.constant 0 : i32
      %parallel_loop3A_201 = tpu.memref_slice %arg5[%parallel_loop3A_193, %parallel_loop3A_200] : memref<1000000x64xf32, #tpu.memory_space<hbm>> -> memref<1x64xf32, #tpu.memory_space<hbm>>
      %parallel_loop3A_202 = arith.constant 0 : i32
      %parallel_loop3A_203 = tpu.memref_slice %arg12[%parallel_loop3A_197, %parallel_loop3A_202] : memref<256x64xf32, #tpu.memory_space<vmem>> -> memref<1x64xf32, #tpu.memory_space<vmem>>
      %parallel_loop3A_204 = arith.constant 0 : i32
      %parallel_loop3A_205 = tpu.memref_slice %arg5[%parallel_loop3A_193, %parallel_loop3A_204] : memref<1000000x64xf32, #tpu.memory_space<hbm>> -> memref<1x64xf32, #tpu.memory_space<hbm>>
      tpu.enqueue_dma source(%parallel_loop3A_205 : memref<1x64xf32, #tpu.memory_space<hbm>>) target(%parallel_loop3A_203 : memref<1x64xf32, #tpu.memory_space<vmem>>) target_semaphore(%arg15 : memref<!tpu.dma_semaphore, #tpu.memory_space<semaphore_mem>>)
      %parallel_loop3A_206 = vector.extract_strided_slice %parallel_loop3A_87 {offsets = [4], sizes = [1], strides = [1]} : vector<16xi32> to vector<1xi32>
      %parallel_loop3A_207 = vector.extract %parallel_loop3A_206[0] : i32 from vector<1xi32>
      %parallel_loop3A_208 = arith.constant 16 : i32
      %parallel_loop3A_209 = arith.muli %parallel_loop3A_81, %parallel_loop3A_208 : i32
      %parallel_loop3A_210 = arith.constant 4 : i32
      %parallel_loop3A_211 = arith.addi %parallel_loop3A_209, %parallel_loop3A_210 : i32
      %parallel_loop3A_212 = arith.constant 0 : i32
      %parallel_loop3A_213 = tpu.memref_slice %arg11[%parallel_loop3A_211, %parallel_loop3A_212] : memref<256x64xf32, #tpu.memory_space<vmem>> -> memref<1x64xf32, #tpu.memory_space<vmem>>
      %parallel_loop3A_214 = arith.constant 0 : i32
      %parallel_loop3A_215 = tpu.memref_slice %arg4[%parallel_loop3A_207, %parallel_loop3A_214] : memref<1000000x64xf32, #tpu.memory_space<hbm>> -> memref<1x64xf32, #tpu.memory_space<hbm>>
      %parallel_loop3A_216 = arith.constant 0 : i32
      %parallel_loop3A_217 = tpu.memref_slice %arg11[%parallel_loop3A_211, %parallel_loop3A_216] : memref<256x64xf32, #tpu.memory_space<vmem>> -> memref<1x64xf32, #tpu.memory_space<vmem>>
      %parallel_loop3A_218 = arith.constant 0 : i32
      %parallel_loop3A_219 = tpu.memref_slice %arg4[%parallel_loop3A_207, %parallel_loop3A_218] : memref<1000000x64xf32, #tpu.memory_space<hbm>> -> memref<1x64xf32, #tpu.memory_space<hbm>>
      tpu.enqueue_dma source(%parallel_loop3A_219 : memref<1x64xf32, #tpu.memory_space<hbm>>) target(%parallel_loop3A_217 : memref<1x64xf32, #tpu.memory_space<vmem>>) target_semaphore(%arg14 : memref<!tpu.dma_semaphore, #tpu.memory_space<semaphore_mem>>)
      %parallel_loop3A_220 = vector.extract_strided_slice %parallel_loop3A_93 {offsets = [4], sizes = [1], strides = [1]} : vector<16xi32> to vector<1xi32>
      %parallel_loop3A_221 = vector.extract %parallel_loop3A_220[0] : i32 from vector<1xi32>
      %parallel_loop3A_222 = arith.constant 16 : i32
      %parallel_loop3A_223 = arith.muli %parallel_loop3A_81, %parallel_loop3A_222 : i32
      %parallel_loop3A_224 = arith.constant 4 : i32
      %parallel_loop3A_225 = arith.addi %parallel_loop3A_223, %parallel_loop3A_224 : i32
      %parallel_loop3A_226 = arith.constant 0 : i32
      %parallel_loop3A_227 = tpu.memref_slice %arg12[%parallel_loop3A_225, %parallel_loop3A_226] : memref<256x64xf32, #tpu.memory_space<vmem>> -> memref<1x64xf32, #tpu.memory_space<vmem>>
      %parallel_loop3A_228 = arith.constant 0 : i32
      %parallel_loop3A_229 = tpu.memref_slice %arg5[%parallel_loop3A_221, %parallel_loop3A_228] : memref<1000000x64xf32, #tpu.memory_space<hbm>> -> memref<1x64xf32, #tpu.memory_space<hbm>>
      %parallel_loop3A_230 = arith.constant 0 : i32
      %parallel_loop3A_231 = tpu.memref_slice %arg12[%parallel_loop3A_225, %parallel_loop3A_230] : memref<256x64xf32, #tpu.memory_space<vmem>> -> memref<1x64xf32, #tpu.memory_space<vmem>>
      %parallel_loop3A_232 = arith.constant 0 : i32
      %parallel_loop3A_233 = tpu.memref_slice %arg5[%parallel_loop3A_221, %parallel_loop3A_232] : memref<1000000x64xf32, #tpu.memory_space<hbm>> -> memref<1x64xf32, #tpu.memory_space<hbm>>
      tpu.enqueue_dma source(%parallel_loop3A_233 : memref<1x64xf32, #tpu.memory_space<hbm>>) target(%parallel_loop3A_231 : memref<1x64xf32, #tpu.memory_space<vmem>>) target_semaphore(%arg15 : memref<!tpu.dma_semaphore, #tpu.memory_space<semaphore_mem>>)
      %parallel_loop3A_234 = vector.extract_strided_slice %parallel_loop3A_87 {offsets = [5], sizes = [1], strides = [1]} : vector<16xi32> to vector<1xi32>
      %parallel_loop3A_235 = vector.extract %parallel_loop3A_234[0] : i32 from vector<1xi32>
      %parallel_loop3A_236 = arith.constant 16 : i32
      %parallel_loop3A_237 = arith.muli %parallel_loop3A_81, %parallel_loop3A_236 : i32
      %parallel_loop3A_238 = arith.constant 5 : i32
      %parallel_loop3A_239 = arith.addi %parallel_loop3A_237, %parallel_loop3A_238 : i32
      %parallel_loop3A_240 = arith.constant 0 : i32
      %parallel_loop3A_241 = tpu.memref_slice %arg11[%parallel_loop3A_239, %parallel_loop3A_240] : memref<256x64xf32, #tpu.memory_space<vmem>> -> memref<1x64xf32, #tpu.memory_space<vmem>>
      %parallel_loop3A_242 = arith.constant 0 : i32
      %parallel_loop3A_243 = tpu.memref_slice %arg4[%parallel_loop3A_235, %parallel_loop3A_242] : memref<1000000x64xf32, #tpu.memory_space<hbm>> -> memref<1x64xf32, #tpu.memory_space<hbm>>
      %parallel_loop3A_244 = arith.constant 0 : i32
      %parallel_loop3A_245 = tpu.memref_slice %arg11[%parallel_loop3A_239, %parallel_loop3A_244] : memref<256x64xf32, #tpu.memory_space<vmem>> -> memref<1x64xf32, #tpu.memory_space<vmem>>
      %parallel_loop3A_246 = arith.constant 0 : i32
      %parallel_loop3A_247 = tpu.memref_slice %arg4[%parallel_loop3A_235, %parallel_loop3A_246] : memref<1000000x64xf32, #tpu.memory_space<hbm>> -> memref<1x64xf32, #tpu.memory_space<hbm>>
      tpu.enqueue_dma source(%parallel_loop3A_247 : memref<1x64xf32, #tpu.memory_space<hbm>>) target(%parallel_loop3A_245 : memref<1x64xf32, #tpu.memory_space<vmem>>) target_semaphore(%arg14 : memref<!tpu.dma_semaphore, #tpu.memory_space<semaphore_mem>>)
      %parallel_loop3A_248 = vector.extract_strided_slice %parallel_loop3A_93 {offsets = [5], sizes = [1], strides = [1]} : vector<16xi32> to vector<1xi32>
      %parallel_loop3A_249 = vector.extract %parallel_loop3A_248[0] : i32 from vector<1xi32>
      %parallel_loop3A_250 = arith.constant 16 : i32
      %parallel_loop3A_251 = arith.muli %parallel_loop3A_81, %parallel_loop3A_250 : i32
      %parallel_loop3A_252 = arith.constant 5 : i32
      %parallel_loop3A_253 = arith.addi %parallel_loop3A_251, %parallel_loop3A_252 : i32
      %parallel_loop3A_254 = arith.constant 0 : i32
      %parallel_loop3A_255 = tpu.memref_slice %arg12[%parallel_loop3A_253, %parallel_loop3A_254] : memref<256x64xf32, #tpu.memory_space<vmem>> -> memref<1x64xf32, #tpu.memory_space<vmem>>
      %parallel_loop3A_256 = arith.constant 0 : i32
      %parallel_loop3A_257 = tpu.memref_slice %arg5[%parallel_loop3A_249, %parallel_loop3A_256] : memref<1000000x64xf32, #tpu.memory_space<hbm>> -> memref<1x64xf32, #tpu.memory_space<hbm>>
      %parallel_loop3A_258 = arith.constant 0 : i32
      %parallel_loop3A_259 = tpu.memref_slice %arg12[%parallel_loop3A_253, %parallel_loop3A_258] : memref<256x64xf32, #tpu.memory_space<vmem>> -> memref<1x64xf32, #tpu.memory_space<vmem>>
      %parallel_loop3A_260 = arith.constant 0 : i32
      %parallel_loop3A_261 = tpu.memref_slice %arg5[%parallel_loop3A_249, %parallel_loop3A_260] : memref<1000000x64xf32, #tpu.memory_space<hbm>> -> memref<1x64xf32, #tpu.memory_space<hbm>>
      tpu.enqueue_dma source(%parallel_loop3A_261 : memref<1x64xf32, #tpu.memory_space<hbm>>) target(%parallel_loop3A_259 : memref<1x64xf32, #tpu.memory_space<vmem>>) target_semaphore(%arg15 : memref<!tpu.dma_semaphore, #tpu.memory_space<semaphore_mem>>)
      %parallel_loop3A_262 = vector.extract_strided_slice %parallel_loop3A_87 {offsets = [6], sizes = [1], strides = [1]} : vector<16xi32> to vector<1xi32>
      %parallel_loop3A_263 = vector.extract %parallel_loop3A_262[0] : i32 from vector<1xi32>
      %parallel_loop3A_264 = arith.constant 16 : i32
      %parallel_loop3A_265 = arith.muli %parallel_loop3A_81, %parallel_loop3A_264 : i32
      %parallel_loop3A_266 = arith.constant 6 : i32
      %parallel_loop3A_267 = arith.addi %parallel_loop3A_265, %parallel_loop3A_266 : i32
      %parallel_loop3A_268 = arith.constant 0 : i32
      %parallel_loop3A_269 = tpu.memref_slice %arg11[%parallel_loop3A_267, %parallel_loop3A_268] : memref<256x64xf32, #tpu.memory_space<vmem>> -> memref<1x64xf32, #tpu.memory_space<vmem>>
      %parallel_loop3A_270 = arith.constant 0 : i32
      %parallel_loop3A_271 = tpu.memref_slice %arg4[%parallel_loop3A_263, %parallel_loop3A_270] : memref<1000000x64xf32, #tpu.memory_space<hbm>> -> memref<1x64xf32, #tpu.memory_space<hbm>>
      %parallel_loop3A_272 = arith.constant 0 : i32
      %parallel_loop3A_273 = tpu.memref_slice %arg11[%parallel_loop3A_267, %parallel_loop3A_272] : memref<256x64xf32, #tpu.memory_space<vmem>> -> memref<1x64xf32, #tpu.memory_space<vmem>>
      %parallel_loop3A_274 = arith.constant 0 : i32
      %parallel_loop3A_275 = tpu.memref_slice %arg4[%parallel_loop3A_263, %parallel_loop3A_274] : memref<1000000x64xf32, #tpu.memory_space<hbm>> -> memref<1x64xf32, #tpu.memory_space<hbm>>
      tpu.enqueue_dma source(%parallel_loop3A_275 : memref<1x64xf32, #tpu.memory_space<hbm>>) target(%parallel_loop3A_273 : memref<1x64xf32, #tpu.memory_space<vmem>>) target_semaphore(%arg14 : memref<!tpu.dma_semaphore, #tpu.memory_space<semaphore_mem>>)
      %parallel_loop3A_276 = vector.extract_strided_slice %parallel_loop3A_93 {offsets = [6], sizes = [1], strides = [1]} : vector<16xi32> to vector<1xi32>
      %parallel_loop3A_277 = vector.extract %parallel_loop3A_276[0] : i32 from vector<1xi32>
      %parallel_loop3A_278 = arith.constant 16 : i32
      %parallel_loop3A_279 = arith.muli %parallel_loop3A_81, %parallel_loop3A_278 : i32
      %parallel_loop3A_280 = arith.constant 6 : i32
      %parallel_loop3A_281 = arith.addi %parallel_loop3A_279, %parallel_loop3A_280 : i32
      %parallel_loop3A_282 = arith.constant 0 : i32
      %parallel_loop3A_283 = tpu.memref_slice %arg12[%parallel_loop3A_281, %parallel_loop3A_282] : memref<256x64xf32, #tpu.memory_space<vmem>> -> memref<1x64xf32, #tpu.memory_space<vmem>>
      %parallel_loop3A_284 = arith.constant 0 : i32
      %parallel_loop3A_285 = tpu.memref_slice %arg5[%parallel_loop3A_277, %parallel_loop3A_284] : memref<1000000x64xf32, #tpu.memory_space<hbm>> -> memref<1x64xf32, #tpu.memory_space<hbm>>
      %parallel_loop3A_286 = arith.constant 0 : i32
      %parallel_loop3A_287 = tpu.memref_slice %arg12[%parallel_loop3A_281, %parallel_loop3A_286] : memref<256x64xf32, #tpu.memory_space<vmem>> -> memref<1x64xf32, #tpu.memory_space<vmem>>
      %parallel_loop3A_288 = arith.constant 0 : i32
      %parallel_loop3A_289 = tpu.memref_slice %arg5[%parallel_loop3A_277, %parallel_loop3A_288] : memref<1000000x64xf32, #tpu.memory_space<hbm>> -> memref<1x64xf32, #tpu.memory_space<hbm>>
      tpu.enqueue_dma source(%parallel_loop3A_289 : memref<1x64xf32, #tpu.memory_space<hbm>>) target(%parallel_loop3A_287 : memref<1x64xf32, #tpu.memory_space<vmem>>) target_semaphore(%arg15 : memref<!tpu.dma_semaphore, #tpu.memory_space<semaphore_mem>>)
      %parallel_loop3A_290 = vector.extract_strided_slice %parallel_loop3A_87 {offsets = [7], sizes = [1], strides = [1]} : vector<16xi32> to vector<1xi32>
      %parallel_loop3A_291 = vector.extract %parallel_loop3A_290[0] : i32 from vector<1xi32>
      %parallel_loop3A_292 = arith.constant 16 : i32
      %parallel_loop3A_293 = arith.muli %parallel_loop3A_81, %parallel_loop3A_292 : i32
      %parallel_loop3A_294 = arith.constant 7 : i32
      %parallel_loop3A_295 = arith.addi %parallel_loop3A_293, %parallel_loop3A_294 : i32
      %parallel_loop3A_296 = arith.constant 0 : i32
      %parallel_loop3A_297 = tpu.memref_slice %arg11[%parallel_loop3A_295, %parallel_loop3A_296] : memref<256x64xf32, #tpu.memory_space<vmem>> -> memref<1x64xf32, #tpu.memory_space<vmem>>
      %parallel_loop3A_298 = arith.constant 0 : i32
      %parallel_loop3A_299 = tpu.memref_slice %arg4[%parallel_loop3A_291, %parallel_loop3A_298] : memref<1000000x64xf32, #tpu.memory_space<hbm>> -> memref<1x64xf32, #tpu.memory_space<hbm>>
      %parallel_loop3A_300 = arith.constant 0 : i32
      %parallel_loop3A_301 = tpu.memref_slice %arg11[%parallel_loop3A_295, %parallel_loop3A_300] : memref<256x64xf32, #tpu.memory_space<vmem>> -> memref<1x64xf32, #tpu.memory_space<vmem>>
      %parallel_loop3A_302 = arith.constant 0 : i32
      %parallel_loop3A_303 = tpu.memref_slice %arg4[%parallel_loop3A_291, %parallel_loop3A_302] : memref<1000000x64xf32, #tpu.memory_space<hbm>> -> memref<1x64xf32, #tpu.memory_space<hbm>>
      tpu.enqueue_dma source(%parallel_loop3A_303 : memref<1x64xf32, #tpu.memory_space<hbm>>) target(%parallel_loop3A_301 : memref<1x64xf32, #tpu.memory_space<vmem>>) target_semaphore(%arg14 : memref<!tpu.dma_semaphore, #tpu.memory_space<semaphore_mem>>)
      %parallel_loop3A_304 = vector.extract_strided_slice %parallel_loop3A_93 {offsets = [7], sizes = [1], strides = [1]} : vector<16xi32> to vector<1xi32>
      %parallel_loop3A_305 = vector.extract %parallel_loop3A_304[0] : i32 from vector<1xi32>
      %parallel_loop3A_306 = arith.constant 16 : i32
      %parallel_loop3A_307 = arith.muli %parallel_loop3A_81, %parallel_loop3A_306 : i32
      %parallel_loop3A_308 = arith.constant 7 : i32
      %parallel_loop3A_309 = arith.addi %parallel_loop3A_307, %parallel_loop3A_308 : i32
      %parallel_loop3A_310 = arith.constant 0 : i32
      %parallel_loop3A_311 = tpu.memref_slice %arg12[%parallel_loop3A_309, %parallel_loop3A_310] : memref<256x64xf32, #tpu.memory_space<vmem>> -> memref<1x64xf32, #tpu.memory_space<vmem>>
      %parallel_loop3A_312 = arith.constant 0 : i32
      %parallel_loop3A_313 = tpu.memref_slice %arg5[%parallel_loop3A_305, %parallel_loop3A_312] : memref<1000000x64xf32, #tpu.memory_space<hbm>> -> memref<1x64xf32, #tpu.memory_space<hbm>>
      %parallel_loop3A_314 = arith.constant 0 : i32
      %parallel_loop3A_315 = tpu.memref_slice %arg12[%parallel_loop3A_309, %parallel_loop3A_314] : memref<256x64xf32, #tpu.memory_space<vmem>> -> memref<1x64xf32, #tpu.memory_space<vmem>>
      %parallel_loop3A_316 = arith.constant 0 : i32
      %parallel_loop3A_317 = tpu.memref_slice %arg5[%parallel_loop3A_305, %parallel_loop3A_316] : memref<1000000x64xf32, #tpu.memory_space<hbm>> -> memref<1x64xf32, #tpu.memory_space<hbm>>
      tpu.enqueue_dma source(%parallel_loop3A_317 : memref<1x64xf32, #tpu.memory_space<hbm>>) target(%parallel_loop3A_315 : memref<1x64xf32, #tpu.memory_space<vmem>>) target_semaphore(%arg15 : memref<!tpu.dma_semaphore, #tpu.memory_space<semaphore_mem>>)
      %parallel_loop3A_318 = vector.extract_strided_slice %parallel_loop3A_87 {offsets = [8], sizes = [1], strides = [1]} : vector<16xi32> to vector<1xi32>
      %parallel_loop3A_319 = vector.extract %parallel_loop3A_318[0] : i32 from vector<1xi32>
      %parallel_loop3A_320 = arith.constant 16 : i32
      %parallel_loop3A_321 = arith.muli %parallel_loop3A_81, %parallel_loop3A_320 : i32
      %parallel_loop3A_322 = arith.constant 8 : i32
      %parallel_loop3A_323 = arith.addi %parallel_loop3A_321, %parallel_loop3A_322 : i32
      %parallel_loop3A_324 = arith.constant 0 : i32
      %parallel_loop3A_325 = tpu.memref_slice %arg11[%parallel_loop3A_323, %parallel_loop3A_324] : memref<256x64xf32, #tpu.memory_space<vmem>> -> memref<1x64xf32, #tpu.memory_space<vmem>>
      %parallel_loop3A_326 = arith.constant 0 : i32
      %parallel_loop3A_327 = tpu.memref_slice %arg4[%parallel_loop3A_319, %parallel_loop3A_326] : memref<1000000x64xf32, #tpu.memory_space<hbm>> -> memref<1x64xf32, #tpu.memory_space<hbm>>
      %parallel_loop3A_328 = arith.constant 0 : i32
      %parallel_loop3A_329 = tpu.memref_slice %arg11[%parallel_loop3A_323, %parallel_loop3A_328] : memref<256x64xf32, #tpu.memory_space<vmem>> -> memref<1x64xf32, #tpu.memory_space<vmem>>
      %parallel_loop3A_330 = arith.constant 0 : i32
      %parallel_loop3A_331 = tpu.memref_slice %arg4[%parallel_loop3A_319, %parallel_loop3A_330] : memref<1000000x64xf32, #tpu.memory_space<hbm>> -> memref<1x64xf32, #tpu.memory_space<hbm>>
      tpu.enqueue_dma source(%parallel_loop3A_331 : memref<1x64xf32, #tpu.memory_space<hbm>>) target(%parallel_loop3A_329 : memref<1x64xf32, #tpu.memory_space<vmem>>) target_semaphore(%arg14 : memref<!tpu.dma_semaphore, #tpu.memory_space<semaphore_mem>>)
      %parallel_loop3A_332 = vector.extract_strided_slice %parallel_loop3A_93 {offsets = [8], sizes = [1], strides = [1]} : vector<16xi32> to vector<1xi32>
      %parallel_loop3A_333 = vector.extract %parallel_loop3A_332[0] : i32 from vector<1xi32>
      %parallel_loop3A_334 = arith.constant 16 : i32
      %parallel_loop3A_335 = arith.muli %parallel_loop3A_81, %parallel_loop3A_334 : i32
      %parallel_loop3A_336 = arith.constant 8 : i32
      %parallel_loop3A_337 = arith.addi %parallel_loop3A_335, %parallel_loop3A_336 : i32
      %parallel_loop3A_338 = arith.constant 0 : i32
      %parallel_loop3A_339 = tpu.memref_slice %arg12[%parallel_loop3A_337, %parallel_loop3A_338] : memref<256x64xf32, #tpu.memory_space<vmem>> -> memref<1x64xf32, #tpu.memory_space<vmem>>
      %parallel_loop3A_340 = arith.constant 0 : i32
      %parallel_loop3A_341 = tpu.memref_slice %arg5[%parallel_loop3A_333, %parallel_loop3A_340] : memref<1000000x64xf32, #tpu.memory_space<hbm>> -> memref<1x64xf32, #tpu.memory_space<hbm>>
      %parallel_loop3A_342 = arith.constant 0 : i32
      %parallel_loop3A_343 = tpu.memref_slice %arg12[%parallel_loop3A_337, %parallel_loop3A_342] : memref<256x64xf32, #tpu.memory_space<vmem>> -> memref<1x64xf32, #tpu.memory_space<vmem>>
      %parallel_loop3A_344 = arith.constant 0 : i32
      %parallel_loop3A_345 = tpu.memref_slice %arg5[%parallel_loop3A_333, %parallel_loop3A_344] : memref<1000000x64xf32, #tpu.memory_space<hbm>> -> memref<1x64xf32, #tpu.memory_space<hbm>>
      tpu.enqueue_dma source(%parallel_loop3A_345 : memref<1x64xf32, #tpu.memory_space<hbm>>) target(%parallel_loop3A_343 : memref<1x64xf32, #tpu.memory_space<vmem>>) target_semaphore(%arg15 : memref<!tpu.dma_semaphore, #tpu.memory_space<semaphore_mem>>)
      %parallel_loop3A_346 = vector.extract_strided_slice %parallel_loop3A_87 {offsets = [9], sizes = [1], strides = [1]} : vector<16xi32> to vector<1xi32>
      %parallel_loop3A_347 = vector.extract %parallel_loop3A_346[0] : i32 from vector<1xi32>
      %parallel_loop3A_348 = arith.constant 16 : i32
      %parallel_loop3A_349 = arith.muli %parallel_loop3A_81, %parallel_loop3A_348 : i32
      %parallel_loop3A_350 = arith.constant 9 : i32
      %parallel_loop3A_351 = arith.addi %parallel_loop3A_349, %parallel_loop3A_350 : i32
      %parallel_loop3A_352 = arith.constant 0 : i32
      %parallel_loop3A_353 = tpu.memref_slice %arg11[%parallel_loop3A_351, %parallel_loop3A_352] : memref<256x64xf32, #tpu.memory_space<vmem>> -> memref<1x64xf32, #tpu.memory_space<vmem>>
      %parallel_loop3A_354 = arith.constant 0 : i32
      %parallel_loop3A_355 = tpu.memref_slice %arg4[%parallel_loop3A_347, %parallel_loop3A_354] : memref<1000000x64xf32, #tpu.memory_space<hbm>> -> memref<1x64xf32, #tpu.memory_space<hbm>>
      %parallel_loop3A_356 = arith.constant 0 : i32
      %parallel_loop3A_357 = tpu.memref_slice %arg11[%parallel_loop3A_351, %parallel_loop3A_356] : memref<256x64xf32, #tpu.memory_space<vmem>> -> memref<1x64xf32, #tpu.memory_space<vmem>>
      %parallel_loop3A_358 = arith.constant 0 : i32
      %parallel_loop3A_359 = tpu.memref_slice %arg4[%parallel_loop3A_347, %parallel_loop3A_358] : memref<1000000x64xf32, #tpu.memory_space<hbm>> -> memref<1x64xf32, #tpu.memory_space<hbm>>
      tpu.enqueue_dma source(%parallel_loop3A_359 : memref<1x64xf32, #tpu.memory_space<hbm>>) target(%parallel_loop3A_357 : memref<1x64xf32, #tpu.memory_space<vmem>>) target_semaphore(%arg14 : memref<!tpu.dma_semaphore, #tpu.memory_space<semaphore_mem>>)
      %parallel_loop3A_360 = vector.extract_strided_slice %parallel_loop3A_93 {offsets = [9], sizes = [1], strides = [1]} : vector<16xi32> to vector<1xi32>
      %parallel_loop3A_361 = vector.extract %parallel_loop3A_360[0] : i32 from vector<1xi32>
      %parallel_loop3A_362 = arith.constant 16 : i32
      %parallel_loop3A_363 = arith.muli %parallel_loop3A_81, %parallel_loop3A_362 : i32
      %parallel_loop3A_364 = arith.constant 9 : i32
      %parallel_loop3A_365 = arith.addi %parallel_loop3A_363, %parallel_loop3A_364 : i32
      %parallel_loop3A_366 = arith.constant 0 : i32
      %parallel_loop3A_367 = tpu.memref_slice %arg12[%parallel_loop3A_365, %parallel_loop3A_366] : memref<256x64xf32, #tpu.memory_space<vmem>> -> memref<1x64xf32, #tpu.memory_space<vmem>>
      %parallel_loop3A_368 = arith.constant 0 : i32
      %parallel_loop3A_369 = tpu.memref_slice %arg5[%parallel_loop3A_361, %parallel_loop3A_368] : memref<1000000x64xf32, #tpu.memory_space<hbm>> -> memref<1x64xf32, #tpu.memory_space<hbm>>
      %parallel_loop3A_370 = arith.constant 0 : i32
      %parallel_loop3A_371 = tpu.memref_slice %arg12[%parallel_loop3A_365, %parallel_loop3A_370] : memref<256x64xf32, #tpu.memory_space<vmem>> -> memref<1x64xf32, #tpu.memory_space<vmem>>
      %parallel_loop3A_372 = arith.constant 0 : i32
      %parallel_loop3A_373 = tpu.memref_slice %arg5[%parallel_loop3A_361, %parallel_loop3A_372] : memref<1000000x64xf32, #tpu.memory_space<hbm>> -> memref<1x64xf32, #tpu.memory_space<hbm>>
      tpu.enqueue_dma source(%parallel_loop3A_373 : memref<1x64xf32, #tpu.memory_space<hbm>>) target(%parallel_loop3A_371 : memref<1x64xf32, #tpu.memory_space<vmem>>) target_semaphore(%arg15 : memref<!tpu.dma_semaphore, #tpu.memory_space<semaphore_mem>>)
      %parallel_loop3A_374 = vector.extract_strided_slice %parallel_loop3A_87 {offsets = [10], sizes = [1], strides = [1]} : vector<16xi32> to vector<1xi32>
      %parallel_loop3A_375 = vector.extract %parallel_loop3A_374[0] : i32 from vector<1xi32>
      %parallel_loop3A_376 = arith.constant 16 : i32
      %parallel_loop3A_377 = arith.muli %parallel_loop3A_81, %parallel_loop3A_376 : i32
      %parallel_loop3A_378 = arith.constant 10 : i32
      %parallel_loop3A_379 = arith.addi %parallel_loop3A_377, %parallel_loop3A_378 : i32
      %parallel_loop3A_380 = arith.constant 0 : i32
      %parallel_loop3A_381 = tpu.memref_slice %arg11[%parallel_loop3A_379, %parallel_loop3A_380] : memref<256x64xf32, #tpu.memory_space<vmem>> -> memref<1x64xf32, #tpu.memory_space<vmem>>
      %parallel_loop3A_382 = arith.constant 0 : i32
      %parallel_loop3A_383 = tpu.memref_slice %arg4[%parallel_loop3A_375, %parallel_loop3A_382] : memref<1000000x64xf32, #tpu.memory_space<hbm>> -> memref<1x64xf32, #tpu.memory_space<hbm>>
      %parallel_loop3A_384 = arith.constant 0 : i32
      %parallel_loop3A_385 = tpu.memref_slice %arg11[%parallel_loop3A_379, %parallel_loop3A_384] : memref<256x64xf32, #tpu.memory_space<vmem>> -> memref<1x64xf32, #tpu.memory_space<vmem>>
      %parallel_loop3A_386 = arith.constant 0 : i32
      %parallel_loop3A_387 = tpu.memref_slice %arg4[%parallel_loop3A_375, %parallel_loop3A_386] : memref<1000000x64xf32, #tpu.memory_space<hbm>> -> memref<1x64xf32, #tpu.memory_space<hbm>>
      tpu.enqueue_dma source(%parallel_loop3A_387 : memref<1x64xf32, #tpu.memory_space<hbm>>) target(%parallel_loop3A_385 : memref<1x64xf32, #tpu.memory_space<vmem>>) target_semaphore(%arg14 : memref<!tpu.dma_semaphore, #tpu.memory_space<semaphore_mem>>)
      %parallel_loop3A_388 = vector.extract_strided_slice %parallel_loop3A_93 {offsets = [10], sizes = [1], strides = [1]} : vector<16xi32> to vector<1xi32>
      %parallel_loop3A_389 = vector.extract %parallel_loop3A_388[0] : i32 from vector<1xi32>
      %parallel_loop3A_390 = arith.constant 16 : i32
      %parallel_loop3A_391 = arith.muli %parallel_loop3A_81, %parallel_loop3A_390 : i32
      %parallel_loop3A_392 = arith.constant 10 : i32
      %parallel_loop3A_393 = arith.addi %parallel_loop3A_391, %parallel_loop3A_392 : i32
      %parallel_loop3A_394 = arith.constant 0 : i32
      %parallel_loop3A_395 = tpu.memref_slice %arg12[%parallel_loop3A_393, %parallel_loop3A_394] : memref<256x64xf32, #tpu.memory_space<vmem>> -> memref<1x64xf32, #tpu.memory_space<vmem>>
      %parallel_loop3A_396 = arith.constant 0 : i32
      %parallel_loop3A_397 = tpu.memref_slice %arg5[%parallel_loop3A_389, %parallel_loop3A_396] : memref<1000000x64xf32, #tpu.memory_space<hbm>> -> memref<1x64xf32, #tpu.memory_space<hbm>>
      %parallel_loop3A_398 = arith.constant 0 : i32
      %parallel_loop3A_399 = tpu.memref_slice %arg12[%parallel_loop3A_393, %parallel_loop3A_398] : memref<256x64xf32, #tpu.memory_space<vmem>> -> memref<1x64xf32, #tpu.memory_space<vmem>>
      %parallel_loop3A_400 = arith.constant 0 : i32
      %parallel_loop3A_401 = tpu.memref_slice %arg5[%parallel_loop3A_389, %parallel_loop3A_400] : memref<1000000x64xf32, #tpu.memory_space<hbm>> -> memref<1x64xf32, #tpu.memory_space<hbm>>
      tpu.enqueue_dma source(%parallel_loop3A_401 : memref<1x64xf32, #tpu.memory_space<hbm>>) target(%parallel_loop3A_399 : memref<1x64xf32, #tpu.memory_space<vmem>>) target_semaphore(%arg15 : memref<!tpu.dma_semaphore, #tpu.memory_space<semaphore_mem>>)
      %parallel_loop3A_402 = vector.extract_strided_slice %parallel_loop3A_87 {offsets = [11], sizes = [1], strides = [1]} : vector<16xi32> to vector<1xi32>
      %parallel_loop3A_403 = vector.extract %parallel_loop3A_402[0] : i32 from vector<1xi32>
      %parallel_loop3A_404 = arith.constant 16 : i32
      %parallel_loop3A_405 = arith.muli %parallel_loop3A_81, %parallel_loop3A_404 : i32
      %parallel_loop3A_406 = arith.constant 11 : i32
      %parallel_loop3A_407 = arith.addi %parallel_loop3A_405, %parallel_loop3A_406 : i32
      %parallel_loop3A_408 = arith.constant 0 : i32
      %parallel_loop3A_409 = tpu.memref_slice %arg11[%parallel_loop3A_407, %parallel_loop3A_408] : memref<256x64xf32, #tpu.memory_space<vmem>> -> memref<1x64xf32, #tpu.memory_space<vmem>>
      %parallel_loop3A_410 = arith.constant 0 : i32
      %parallel_loop3A_411 = tpu.memref_slice %arg4[%parallel_loop3A_403, %parallel_loop3A_410] : memref<1000000x64xf32, #tpu.memory_space<hbm>> -> memref<1x64xf32, #tpu.memory_space<hbm>>
      %parallel_loop3A_412 = arith.constant 0 : i32
      %parallel_loop3A_413 = tpu.memref_slice %arg11[%parallel_loop3A_407, %parallel_loop3A_412] : memref<256x64xf32, #tpu.memory_space<vmem>> -> memref<1x64xf32, #tpu.memory_space<vmem>>
      %parallel_loop3A_414 = arith.constant 0 : i32
      %parallel_loop3A_415 = tpu.memref_slice %arg4[%parallel_loop3A_403, %parallel_loop3A_414] : memref<1000000x64xf32, #tpu.memory_space<hbm>> -> memref<1x64xf32, #tpu.memory_space<hbm>>
      tpu.enqueue_dma source(%parallel_loop3A_415 : memref<1x64xf32, #tpu.memory_space<hbm>>) target(%parallel_loop3A_413 : memref<1x64xf32, #tpu.memory_space<vmem>>) target_semaphore(%arg14 : memref<!tpu.dma_semaphore, #tpu.memory_space<semaphore_mem>>)
      %parallel_loop3A_416 = vector.extract_strided_slice %parallel_loop3A_93 {offsets = [11], sizes = [1], strides = [1]} : vector<16xi32> to vector<1xi32>
      %parallel_loop3A_417 = vector.extract %parallel_loop3A_416[0] : i32 from vector<1xi32>
      %parallel_loop3A_418 = arith.constant 16 : i32
      %parallel_loop3A_419 = arith.muli %parallel_loop3A_81, %parallel_loop3A_418 : i32
      %parallel_loop3A_420 = arith.constant 11 : i32
      %parallel_loop3A_421 = arith.addi %parallel_loop3A_419, %parallel_loop3A_420 : i32
      %parallel_loop3A_422 = arith.constant 0 : i32
      %parallel_loop3A_423 = tpu.memref_slice %arg12[%parallel_loop3A_421, %parallel_loop3A_422] : memref<256x64xf32, #tpu.memory_space<vmem>> -> memref<1x64xf32, #tpu.memory_space<vmem>>
      %parallel_loop3A_424 = arith.constant 0 : i32
      %parallel_loop3A_425 = tpu.memref_slice %arg5[%parallel_loop3A_417, %parallel_loop3A_424] : memref<1000000x64xf32, #tpu.memory_space<hbm>> -> memref<1x64xf32, #tpu.memory_space<hbm>>
      %parallel_loop3A_426 = arith.constant 0 : i32
      %parallel_loop3A_427 = tpu.memref_slice %arg12[%parallel_loop3A_421, %parallel_loop3A_426] : memref<256x64xf32, #tpu.memory_space<vmem>> -> memref<1x64xf32, #tpu.memory_space<vmem>>
      %parallel_loop3A_428 = arith.constant 0 : i32
      %parallel_loop3A_429 = tpu.memref_slice %arg5[%parallel_loop3A_417, %parallel_loop3A_428] : memref<1000000x64xf32, #tpu.memory_space<hbm>> -> memref<1x64xf32, #tpu.memory_space<hbm>>
      tpu.enqueue_dma source(%parallel_loop3A_429 : memref<1x64xf32, #tpu.memory_space<hbm>>) target(%parallel_loop3A_427 : memref<1x64xf32, #tpu.memory_space<vmem>>) target_semaphore(%arg15 : memref<!tpu.dma_semaphore, #tpu.memory_space<semaphore_mem>>)
      %parallel_loop3A_430 = vector.extract_strided_slice %parallel_loop3A_87 {offsets = [12], sizes = [1], strides = [1]} : vector<16xi32> to vector<1xi32>
      %parallel_loop3A_431 = vector.extract %parallel_loop3A_430[0] : i32 from vector<1xi32>
      %parallel_loop3A_432 = arith.constant 16 : i32
      %parallel_loop3A_433 = arith.muli %parallel_loop3A_81, %parallel_loop3A_432 : i32
      %parallel_loop3A_434 = arith.constant 12 : i32
      %parallel_loop3A_435 = arith.addi %parallel_loop3A_433, %parallel_loop3A_434 : i32
      %parallel_loop3A_436 = arith.constant 0 : i32
      %parallel_loop3A_437 = tpu.memref_slice %arg11[%parallel_loop3A_435, %parallel_loop3A_436] : memref<256x64xf32, #tpu.memory_space<vmem>> -> memref<1x64xf32, #tpu.memory_space<vmem>>
      %parallel_loop3A_438 = arith.constant 0 : i32
      %parallel_loop3A_439 = tpu.memref_slice %arg4[%parallel_loop3A_431, %parallel_loop3A_438] : memref<1000000x64xf32, #tpu.memory_space<hbm>> -> memref<1x64xf32, #tpu.memory_space<hbm>>
      %parallel_loop3A_440 = arith.constant 0 : i32
      %parallel_loop3A_441 = tpu.memref_slice %arg11[%parallel_loop3A_435, %parallel_loop3A_440] : memref<256x64xf32, #tpu.memory_space<vmem>> -> memref<1x64xf32, #tpu.memory_space<vmem>>
      %parallel_loop3A_442 = arith.constant 0 : i32
      %parallel_loop3A_443 = tpu.memref_slice %arg4[%parallel_loop3A_431, %parallel_loop3A_442] : memref<1000000x64xf32, #tpu.memory_space<hbm>> -> memref<1x64xf32, #tpu.memory_space<hbm>>
      tpu.enqueue_dma source(%parallel_loop3A_443 : memref<1x64xf32, #tpu.memory_space<hbm>>) target(%parallel_loop3A_441 : memref<1x64xf32, #tpu.memory_space<vmem>>) target_semaphore(%arg14 : memref<!tpu.dma_semaphore, #tpu.memory_space<semaphore_mem>>)
      %parallel_loop3A_444 = vector.extract_strided_slice %parallel_loop3A_93 {offsets = [12], sizes = [1], strides = [1]} : vector<16xi32> to vector<1xi32>
      %parallel_loop3A_445 = vector.extract %parallel_loop3A_444[0] : i32 from vector<1xi32>
      %parallel_loop3A_446 = arith.constant 16 : i32
      %parallel_loop3A_447 = arith.muli %parallel_loop3A_81, %parallel_loop3A_446 : i32
      %parallel_loop3A_448 = arith.constant 12 : i32
      %parallel_loop3A_449 = arith.addi %parallel_loop3A_447, %parallel_loop3A_448 : i32
      %parallel_loop3A_450 = arith.constant 0 : i32
      %parallel_loop3A_451 = tpu.memref_slice %arg12[%parallel_loop3A_449, %parallel_loop3A_450] : memref<256x64xf32, #tpu.memory_space<vmem>> -> memref<1x64xf32, #tpu.memory_space<vmem>>
      %parallel_loop3A_452 = arith.constant 0 : i32
      %parallel_loop3A_453 = tpu.memref_slice %arg5[%parallel_loop3A_445, %parallel_loop3A_452] : memref<1000000x64xf32, #tpu.memory_space<hbm>> -> memref<1x64xf32, #tpu.memory_space<hbm>>
      %parallel_loop3A_454 = arith.constant 0 : i32
      %parallel_loop3A_455 = tpu.memref_slice %arg12[%parallel_loop3A_449, %parallel_loop3A_454] : memref<256x64xf32, #tpu.memory_space<vmem>> -> memref<1x64xf32, #tpu.memory_space<vmem>>
      %parallel_loop3A_456 = arith.constant 0 : i32
      %parallel_loop3A_457 = tpu.memref_slice %arg5[%parallel_loop3A_445, %parallel_loop3A_456] : memref<1000000x64xf32, #tpu.memory_space<hbm>> -> memref<1x64xf32, #tpu.memory_space<hbm>>
      tpu.enqueue_dma source(%parallel_loop3A_457 : memref<1x64xf32, #tpu.memory_space<hbm>>) target(%parallel_loop3A_455 : memref<1x64xf32, #tpu.memory_space<vmem>>) target_semaphore(%arg15 : memref<!tpu.dma_semaphore, #tpu.memory_space<semaphore_mem>>)
      %parallel_loop3A_458 = vector.extract_strided_slice %parallel_loop3A_87 {offsets = [13], sizes = [1], strides = [1]} : vector<16xi32> to vector<1xi32>
      %parallel_loop3A_459 = vector.extract %parallel_loop3A_458[0] : i32 from vector<1xi32>
      %parallel_loop3A_460 = arith.constant 16 : i32
      %parallel_loop3A_461 = arith.muli %parallel_loop3A_81, %parallel_loop3A_460 : i32
      %parallel_loop3A_462 = arith.constant 13 : i32
      %parallel_loop3A_463 = arith.addi %parallel_loop3A_461, %parallel_loop3A_462 : i32
      %parallel_loop3A_464 = arith.constant 0 : i32
      %parallel_loop3A_465 = tpu.memref_slice %arg11[%parallel_loop3A_463, %parallel_loop3A_464] : memref<256x64xf32, #tpu.memory_space<vmem>> -> memref<1x64xf32, #tpu.memory_space<vmem>>
      %parallel_loop3A_466 = arith.constant 0 : i32
      %parallel_loop3A_467 = tpu.memref_slice %arg4[%parallel_loop3A_459, %parallel_loop3A_466] : memref<1000000x64xf32, #tpu.memory_space<hbm>> -> memref<1x64xf32, #tpu.memory_space<hbm>>
      %parallel_loop3A_468 = arith.constant 0 : i32
      %parallel_loop3A_469 = tpu.memref_slice %arg11[%parallel_loop3A_463, %parallel_loop3A_468] : memref<256x64xf32, #tpu.memory_space<vmem>> -> memref<1x64xf32, #tpu.memory_space<vmem>>
      %parallel_loop3A_470 = arith.constant 0 : i32
      %parallel_loop3A_471 = tpu.memref_slice %arg4[%parallel_loop3A_459, %parallel_loop3A_470] : memref<1000000x64xf32, #tpu.memory_space<hbm>> -> memref<1x64xf32, #tpu.memory_space<hbm>>
      tpu.enqueue_dma source(%parallel_loop3A_471 : memref<1x64xf32, #tpu.memory_space<hbm>>) target(%parallel_loop3A_469 : memref<1x64xf32, #tpu.memory_space<vmem>>) target_semaphore(%arg14 : memref<!tpu.dma_semaphore, #tpu.memory_space<semaphore_mem>>)
      %parallel_loop3A_472 = vector.extract_strided_slice %parallel_loop3A_93 {offsets = [13], sizes = [1], strides = [1]} : vector<16xi32> to vector<1xi32>
      %parallel_loop3A_473 = vector.extract %parallel_loop3A_472[0] : i32 from vector<1xi32>
      %parallel_loop3A_474 = arith.constant 16 : i32
      %parallel_loop3A_475 = arith.muli %parallel_loop3A_81, %parallel_loop3A_474 : i32
      %parallel_loop3A_476 = arith.constant 13 : i32
      %parallel_loop3A_477 = arith.addi %parallel_loop3A_475, %parallel_loop3A_476 : i32
      %parallel_loop3A_478 = arith.constant 0 : i32
      %parallel_loop3A_479 = tpu.memref_slice %arg12[%parallel_loop3A_477, %parallel_loop3A_478] : memref<256x64xf32, #tpu.memory_space<vmem>> -> memref<1x64xf32, #tpu.memory_space<vmem>>
      %parallel_loop3A_480 = arith.constant 0 : i32
      %parallel_loop3A_481 = tpu.memref_slice %arg5[%parallel_loop3A_473, %parallel_loop3A_480] : memref<1000000x64xf32, #tpu.memory_space<hbm>> -> memref<1x64xf32, #tpu.memory_space<hbm>>
      %parallel_loop3A_482 = arith.constant 0 : i32
      %parallel_loop3A_483 = tpu.memref_slice %arg12[%parallel_loop3A_477, %parallel_loop3A_482] : memref<256x64xf32, #tpu.memory_space<vmem>> -> memref<1x64xf32, #tpu.memory_space<vmem>>
      %parallel_loop3A_484 = arith.constant 0 : i32
      %parallel_loop3A_485 = tpu.memref_slice %arg5[%parallel_loop3A_473, %parallel_loop3A_484] : memref<1000000x64xf32, #tpu.memory_space<hbm>> -> memref<1x64xf32, #tpu.memory_space<hbm>>
      tpu.enqueue_dma source(%parallel_loop3A_485 : memref<1x64xf32, #tpu.memory_space<hbm>>) target(%parallel_loop3A_483 : memref<1x64xf32, #tpu.memory_space<vmem>>) target_semaphore(%arg15 : memref<!tpu.dma_semaphore, #tpu.memory_space<semaphore_mem>>)
      %parallel_loop3A_486 = vector.extract_strided_slice %parallel_loop3A_87 {offsets = [14], sizes = [1], strides = [1]} : vector<16xi32> to vector<1xi32>
      %parallel_loop3A_487 = vector.extract %parallel_loop3A_486[0] : i32 from vector<1xi32>
      %parallel_loop3A_488 = arith.constant 16 : i32
      %parallel_loop3A_489 = arith.muli %parallel_loop3A_81, %parallel_loop3A_488 : i32
      %parallel_loop3A_490 = arith.constant 14 : i32
      %parallel_loop3A_491 = arith.addi %parallel_loop3A_489, %parallel_loop3A_490 : i32
      %parallel_loop3A_492 = arith.constant 0 : i32
      %parallel_loop3A_493 = tpu.memref_slice %arg11[%parallel_loop3A_491, %parallel_loop3A_492] : memref<256x64xf32, #tpu.memory_space<vmem>> -> memref<1x64xf32, #tpu.memory_space<vmem>>
      %parallel_loop3A_494 = arith.constant 0 : i32
      %parallel_loop3A_495 = tpu.memref_slice %arg4[%parallel_loop3A_487, %parallel_loop3A_494] : memref<1000000x64xf32, #tpu.memory_space<hbm>> -> memref<1x64xf32, #tpu.memory_space<hbm>>
      %parallel_loop3A_496 = arith.constant 0 : i32
      %parallel_loop3A_497 = tpu.memref_slice %arg11[%parallel_loop3A_491, %parallel_loop3A_496] : memref<256x64xf32, #tpu.memory_space<vmem>> -> memref<1x64xf32, #tpu.memory_space<vmem>>
      %parallel_loop3A_498 = arith.constant 0 : i32
      %parallel_loop3A_499 = tpu.memref_slice %arg4[%parallel_loop3A_487, %parallel_loop3A_498] : memref<1000000x64xf32, #tpu.memory_space<hbm>> -> memref<1x64xf32, #tpu.memory_space<hbm>>
      tpu.enqueue_dma source(%parallel_loop3A_499 : memref<1x64xf32, #tpu.memory_space<hbm>>) target(%parallel_loop3A_497 : memref<1x64xf32, #tpu.memory_space<vmem>>) target_semaphore(%arg14 : memref<!tpu.dma_semaphore, #tpu.memory_space<semaphore_mem>>)
      %parallel_loop3A_500 = vector.extract_strided_slice %parallel_loop3A_93 {offsets = [14], sizes = [1], strides = [1]} : vector<16xi32> to vector<1xi32>
      %parallel_loop3A_501 = vector.extract %parallel_loop3A_500[0] : i32 from vector<1xi32>
      %parallel_loop3A_502 = arith.constant 16 : i32
      %parallel_loop3A_503 = arith.muli %parallel_loop3A_81, %parallel_loop3A_502 : i32
      %parallel_loop3A_504 = arith.constant 14 : i32
      %parallel_loop3A_505 = arith.addi %parallel_loop3A_503, %parallel_loop3A_504 : i32
      %parallel_loop3A_506 = arith.constant 0 : i32
      %parallel_loop3A_507 = tpu.memref_slice %arg12[%parallel_loop3A_505, %parallel_loop3A_506] : memref<256x64xf32, #tpu.memory_space<vmem>> -> memref<1x64xf32, #tpu.memory_space<vmem>>
      %parallel_loop3A_508 = arith.constant 0 : i32
      %parallel_loop3A_509 = tpu.memref_slice %arg5[%parallel_loop3A_501, %parallel_loop3A_508] : memref<1000000x64xf32, #tpu.memory_space<hbm>> -> memref<1x64xf32, #tpu.memory_space<hbm>>
      %parallel_loop3A_510 = arith.constant 0 : i32
      %parallel_loop3A_511 = tpu.memref_slice %arg12[%parallel_loop3A_505, %parallel_loop3A_510] : memref<256x64xf32, #tpu.memory_space<vmem>> -> memref<1x64xf32, #tpu.memory_space<vmem>>
      %parallel_loop3A_512 = arith.constant 0 : i32
      %parallel_loop3A_513 = tpu.memref_slice %arg5[%parallel_loop3A_501, %parallel_loop3A_512] : memref<1000000x64xf32, #tpu.memory_space<hbm>> -> memref<1x64xf32, #tpu.memory_space<hbm>>
      tpu.enqueue_dma source(%parallel_loop3A_513 : memref<1x64xf32, #tpu.memory_space<hbm>>) target(%parallel_loop3A_511 : memref<1x64xf32, #tpu.memory_space<vmem>>) target_semaphore(%arg15 : memref<!tpu.dma_semaphore, #tpu.memory_space<semaphore_mem>>)
      %parallel_loop3A_514 = vector.extract_strided_slice %parallel_loop3A_87 {offsets = [15], sizes = [1], strides = [1]} : vector<16xi32> to vector<1xi32>
      %parallel_loop3A_515 = vector.extract %parallel_loop3A_514[0] : i32 from vector<1xi32>
      %parallel_loop3A_516 = arith.constant 16 : i32
      %parallel_loop3A_517 = arith.muli %parallel_loop3A_81, %parallel_loop3A_516 : i32
      %parallel_loop3A_518 = arith.constant 15 : i32
      %parallel_loop3A_519 = arith.addi %parallel_loop3A_517, %parallel_loop3A_518 : i32
      %parallel_loop3A_520 = arith.constant 0 : i32
      %parallel_loop3A_521 = tpu.memref_slice %arg11[%parallel_loop3A_519, %parallel_loop3A_520] : memref<256x64xf32, #tpu.memory_space<vmem>> -> memref<1x64xf32, #tpu.memory_space<vmem>>
      %parallel_loop3A_522 = arith.constant 0 : i32
      %parallel_loop3A_523 = tpu.memref_slice %arg4[%parallel_loop3A_515, %parallel_loop3A_522] : memref<1000000x64xf32, #tpu.memory_space<hbm>> -> memref<1x64xf32, #tpu.memory_space<hbm>>
      %parallel_loop3A_524 = arith.constant 0 : i32
      %parallel_loop3A_525 = tpu.memref_slice %arg11[%parallel_loop3A_519, %parallel_loop3A_524] : memref<256x64xf32, #tpu.memory_space<vmem>> -> memref<1x64xf32, #tpu.memory_space<vmem>>
      %parallel_loop3A_526 = arith.constant 0 : i32
      %parallel_loop3A_527 = tpu.memref_slice %arg4[%parallel_loop3A_515, %parallel_loop3A_526] : memref<1000000x64xf32, #tpu.memory_space<hbm>> -> memref<1x64xf32, #tpu.memory_space<hbm>>
      tpu.enqueue_dma source(%parallel_loop3A_527 : memref<1x64xf32, #tpu.memory_space<hbm>>) target(%parallel_loop3A_525 : memref<1x64xf32, #tpu.memory_space<vmem>>) target_semaphore(%arg14 : memref<!tpu.dma_semaphore, #tpu.memory_space<semaphore_mem>>)
      %parallel_loop3A_528 = vector.extract_strided_slice %parallel_loop3A_93 {offsets = [15], sizes = [1], strides = [1]} : vector<16xi32> to vector<1xi32>
      %parallel_loop3A_529 = vector.extract %parallel_loop3A_528[0] : i32 from vector<1xi32>
      %parallel_loop3A_530 = arith.constant 16 : i32
      %parallel_loop3A_531 = arith.muli %parallel_loop3A_81, %parallel_loop3A_530 : i32
      %parallel_loop3A_532 = arith.constant 15 : i32
      %parallel_loop3A_533 = arith.addi %parallel_loop3A_531, %parallel_loop3A_532 : i32
      %parallel_loop3A_534 = arith.constant 0 : i32
      %parallel_loop3A_535 = tpu.memref_slice %arg12[%parallel_loop3A_533, %parallel_loop3A_534] : memref<256x64xf32, #tpu.memory_space<vmem>> -> memref<1x64xf32, #tpu.memory_space<vmem>>
      %parallel_loop3A_536 = arith.constant 0 : i32
      %parallel_loop3A_537 = tpu.memref_slice %arg5[%parallel_loop3A_529, %parallel_loop3A_536] : memref<1000000x64xf32, #tpu.memory_space<hbm>> -> memref<1x64xf32, #tpu.memory_space<hbm>>
      %parallel_loop3A_538 = arith.constant 0 : i32
      %parallel_loop3A_539 = tpu.memref_slice %arg12[%parallel_loop3A_533, %parallel_loop3A_538] : memref<256x64xf32, #tpu.memory_space<vmem>> -> memref<1x64xf32, #tpu.memory_space<vmem>>
      %parallel_loop3A_540 = arith.constant 0 : i32
      %parallel_loop3A_541 = tpu.memref_slice %arg5[%parallel_loop3A_529, %parallel_loop3A_540] : memref<1000000x64xf32, #tpu.memory_space<hbm>> -> memref<1x64xf32, #tpu.memory_space<hbm>>
      tpu.enqueue_dma source(%parallel_loop3A_541 : memref<1x64xf32, #tpu.memory_space<hbm>>) target(%parallel_loop3A_539 : memref<1x64xf32, #tpu.memory_space<vmem>>) target_semaphore(%arg15 : memref<!tpu.dma_semaphore, #tpu.memory_space<semaphore_mem>>)
    } {sc.loop_unroll_factor = 1 : i64, sc.parallel_access}
    %dma_wait3A_43 = arith.constant 0 : i32
    %dma_wait3A_44 = arith.constant 0 : i32
    %dma_wait3A_45 = tpu.memref_slice %arg4[%dma_wait3A_43, %dma_wait3A_44] : memref<1000000x64xf32, #tpu.memory_space<hbm>> -> memref<256x64xf32, #tpu.memory_space<hbm>>
    %dma_wait3A_46 = arith.constant 0 : i32
    %dma_wait3A_47 = arith.constant 0 : i32
    %dma_wait3A_48 = tpu.memref_slice %arg4[%dma_wait3A_46, %dma_wait3A_47] : memref<1000000x64xf32, #tpu.memory_space<hbm>> -> memref<256x64xf32, #tpu.memory_space<hbm>>
    tpu.wait_dma2 semaphore(%arg14 : memref<!tpu.dma_semaphore, #tpu.memory_space<semaphore_mem>>) src(%dma_wait3A_48 : memref<256x64xf32, #tpu.memory_space<hbm>>) dst(%arg11 : memref<256x64xf32, #tpu.memory_space<vmem>>)
    %dma_wait3A_49 = arith.constant 0 : i32
    %dma_wait3A_50 = arith.constant 0 : i32
    %dma_wait3A_51 = tpu.memref_slice %arg5[%dma_wait3A_49, %dma_wait3A_50] : memref<1000000x64xf32, #tpu.memory_space<hbm>> -> memref<256x64xf32, #tpu.memory_space<hbm>>
    %dma_wait3A_52 = arith.constant 0 : i32
    %dma_wait3A_53 = arith.constant 0 : i32
    %dma_wait3A_54 = tpu.memref_slice %arg5[%dma_wait3A_52, %dma_wait3A_53] : memref<1000000x64xf32, #tpu.memory_space<hbm>> -> memref<256x64xf32, #tpu.memory_space<hbm>>
    tpu.wait_dma2 semaphore(%arg15 : memref<!tpu.dma_semaphore, #tpu.memory_space<semaphore_mem>>) src(%dma_wait3A_54 : memref<256x64xf32, #tpu.memory_space<hbm>>) dst(%arg12 : memref<256x64xf32, #tpu.memory_space<vmem>>)
    %scan3A_55 = arith.constant 0 : i32
    %scan3A_56 = arith.constant 0 : i32
    %scan3A_57 = arith.constant 16 : i32
    %scan3A_58 = arith.addi %scan3A_56, %scan3A_57 : i32
    %scan3A_59 = arith.constant 1 : i32
    scf.for %scan3A_81 = %scan3A_56 to %scan3A_58 step %scan3A_59  : i32 {
      %mul3A_82 = arith.constant 16 : i32
      %mul3A_83 = arith.muli %scan3A_81, %mul3A_82 : i32
      %add3A_84 = vector.broadcast %mul3A_83 : i32 to vector<16xi32>
      %add3A_85 = arith.addi %iota3A, %add3A_84 : vector<16xi32>
      %broadcast_in_dim3A = arith.constant 0.000000e+00 : f32
      %broadcast_in_dim3A_86 = vector.broadcast %broadcast_in_dim3A : f32 to vector<16xf32>
      %scan3A_87 = arith.constant 0 : i32
      %scan3A_88 = arith.constant 16 : i32
      %scan3A_89 = arith.addi %scan3A_87, %scan3A_88 : i32
      %scan3A_90 = arith.constant 1 : i32
      %scan3A_91 = scf.for %scan3A_98 = %scan3A_87 to %scan3A_89 step %scan3A_90 iter_args(%scan3A_99 = %broadcast_in_dim3A_86) -> (vector<16xf32>)  : i32 {
        %mul3A_100 = arith.constant 4 : i32
        %mul3A_101 = arith.muli %scan3A_98, %mul3A_100 : i32
        %add3A_102 = arith.constant 0 : i32
        %add3A_103 = arith.addi %mul3A_101, %add3A_102 : i32
        %broadcast_in_dim3A_104 = vector.broadcast %add3A_103 : i32 to vector<16xi32>
        %gather3A = tpu.vector_load_idx %arg11[%add3A_85, %broadcast_in_dim3A_104] : memref<256x64xf32, #tpu.memory_space<vmem>>[vector<16xi32>, vector<16xi32>], vector<16xf32>,
        %gather3A_105 = tpu.vector_load_idx %arg12[%add3A_85, %broadcast_in_dim3A_104] : memref<256x64xf32, #tpu.memory_space<vmem>>[vector<16xi32>, vector<16xi32>], vector<16xf32>,
        %mul3A_106 = arith.mulf %gather3A, %gather3A_105 : vector<16xf32>
        %add3A_107 = arith.addf %scan3A_99, %mul3A_106 : vector<16xf32>
        %mul3A_108 = arith.constant 4 : i32
        %mul3A_109 = arith.muli %scan3A_98, %mul3A_108 : i32
        %add3A_110 = arith.constant 1 : i32
        %add3A_111 = arith.addi %mul3A_109, %add3A_110 : i32
        %broadcast_in_dim3A_112 = vector.broadcast %add3A_111 : i32 to vector<16xi32>
        %gather3A_113 = tpu.vector_load_idx %arg11[%add3A_85, %broadcast_in_dim3A_112] : memref<256x64xf32, #tpu.memory_space<vmem>>[vector<16xi32>, vector<16xi32>], vector<16xf32>,
        %gather3A_114 = tpu.vector_load_idx %arg12[%add3A_85, %broadcast_in_dim3A_112] : memref<256x64xf32, #tpu.memory_space<vmem>>[vector<16xi32>, vector<16xi32>], vector<16xf32>,
        %mul3A_115 = arith.mulf %gather3A_113, %gather3A_114 : vector<16xf32>
        %add3A_116 = arith.addf %add3A_107, %mul3A_115 : vector<16xf32>
        %mul3A_117 = arith.constant 4 : i32
        %mul3A_118 = arith.muli %scan3A_98, %mul3A_117 : i32
        %add3A_119 = arith.constant 2 : i32
        %add3A_120 = arith.addi %mul3A_118, %add3A_119 : i32
        %broadcast_in_dim3A_121 = vector.broadcast %add3A_120 : i32 to vector<16xi32>
        %gather3A_122 = tpu.vector_load_idx %arg11[%add3A_85, %broadcast_in_dim3A_121] : memref<256x64xf32, #tpu.memory_space<vmem>>[vector<16xi32>, vector<16xi32>], vector<16xf32>,
        %gather3A_123 = tpu.vector_load_idx %arg12[%add3A_85, %broadcast_in_dim3A_121] : memref<256x64xf32, #tpu.memory_space<vmem>>[vector<16xi32>, vector<16xi32>], vector<16xf32>,
        %mul3A_124 = arith.mulf %gather3A_122, %gather3A_123 : vector<16xf32>
        %add3A_125 = arith.addf %add3A_116, %mul3A_124 : vector<16xf32>
        %mul3A_126 = arith.constant 4 : i32
        %mul3A_127 = arith.muli %scan3A_98, %mul3A_126 : i32
        %add3A_128 = arith.constant 3 : i32
        %add3A_129 = arith.addi %mul3A_127, %add3A_128 : i32
        %broadcast_in_dim3A_130 = vector.broadcast %add3A_129 : i32 to vector<16xi32>
        %gather3A_131 = tpu.vector_load_idx %arg11[%add3A_85, %broadcast_in_dim3A_130] : memref<256x64xf32, #tpu.memory_space<vmem>>[vector<16xi32>, vector<16xi32>], vector<16xf32>,
        %gather3A_132 = tpu.vector_load_idx %arg12[%add3A_85, %broadcast_in_dim3A_130] : memref<256x64xf32, #tpu.memory_space<vmem>>[vector<16xi32>, vector<16xi32>], vector<16xf32>,
        %mul3A_133 = arith.mulf %gather3A_131, %gather3A_132 : vector<16xf32>
        %add3A_134 = arith.addf %add3A_125, %mul3A_133 : vector<16xf32>
        scf.yield %add3A_134 : vector<16xf32>
      }
      %scan3A_92 = arith.constant 16 : i32
      %mul3A_93 = arith.constant 16 : i32
      %mul3A_94 = arith.muli %scan3A_81, %mul3A_93 : i32
      %add3A_95 = arith.constant 256 : i32
      %add3A_96 = arith.addi %add3A_95, %mul3A_94 : i32
      %swap3A = arith.index_cast %add3A_96 : i32 to index
      %swap3A_97 = tpu.vector_load %arg13[%swap3A] {strides = array<i32>} : memref<512xf32, #tpu.memory_space<vmem>>, vector<16xf32>,
      tpu.vector_store %arg13[%swap3A], %scan3A_91 {strides = array<i32>} : memref<512xf32, #tpu.memory_space<vmem>>, vector<16xf32>,
    }
    %scan3A_60 = arith.constant 16 : i32
    %add3A_61 = arith.constant 256 : i32
    %add3A_62 = arith.addi %mul3A_2, %add3A_61 : i32
    %dma_start3A_63 = arith.constant 0 : i32
    %dma_start3A_64 = tpu.memref_slice %arg7[%add3A_62, %dma_start3A_63] : memref<16384x64xf32, #tpu.memory_space<hbm>> -> memref<256x64xf32, #tpu.memory_space<hbm>>
    %dma_start3A_65 = arith.constant 0 : i32
    %dma_start3A_66 = tpu.memref_slice %arg7[%add3A_62, %dma_start3A_65] : memref<16384x64xf32, #tpu.memory_space<hbm>> -> memref<256x64xf32, #tpu.memory_space<hbm>>
    tpu.enqueue_dma source(%arg11 : memref<256x64xf32, #tpu.memory_space<vmem>>) target(%dma_start3A_66 : memref<256x64xf32, #tpu.memory_space<hbm>>) target_semaphore(%arg16 : memref<!tpu.dma_semaphore, #tpu.memory_space<semaphore_mem>>)
    %add3A_67 = arith.constant 256 : i32
    %add3A_68 = arith.addi %mul3A_2, %add3A_67 : i32
    %dma_start3A_69 = arith.constant 0 : i32
    %dma_start3A_70 = tpu.memref_slice %arg8[%add3A_68, %dma_start3A_69] : memref<16384x64xf32, #tpu.memory_space<hbm>> -> memref<256x64xf32, #tpu.memory_space<hbm>>
    %dma_start3A_71 = arith.constant 0 : i32
    %dma_start3A_72 = tpu.memref_slice %arg8[%add3A_68, %dma_start3A_71] : memref<16384x64xf32, #tpu.memory_space<hbm>> -> memref<256x64xf32, #tpu.memory_space<hbm>>
    tpu.enqueue_dma source(%arg12 : memref<256x64xf32, #tpu.memory_space<vmem>>) target(%dma_start3A_72 : memref<256x64xf32, #tpu.memory_space<hbm>>) target_semaphore(%arg17 : memref<!tpu.dma_semaphore, #tpu.memory_space<semaphore_mem>>)
    %dma_wait3A_73 = arith.constant 0 : i32
    %dma_wait3A_74 = tpu.memref_slice %arg7[%add3A_62, %dma_wait3A_73] : memref<16384x64xf32, #tpu.memory_space<hbm>> -> memref<256x64xf32, #tpu.memory_space<hbm>>
    %dma_wait3A_75 = arith.constant 0 : i32
    %dma_wait3A_76 = tpu.memref_slice %arg7[%add3A_62, %dma_wait3A_75] : memref<16384x64xf32, #tpu.memory_space<hbm>> -> memref<256x64xf32, #tpu.memory_space<hbm>>
    tpu.wait_dma2 semaphore(%arg16 : memref<!tpu.dma_semaphore, #tpu.memory_space<semaphore_mem>>) src(%arg11 : memref<256x64xf32, #tpu.memory_space<vmem>>) dst(%dma_wait3A_76 : memref<256x64xf32, #tpu.memory_space<hbm>>)
    %dma_wait3A_77 = arith.constant 0 : i32
    %dma_wait3A_78 = tpu.memref_slice %arg8[%add3A_68, %dma_wait3A_77] : memref<16384x64xf32, #tpu.memory_space<hbm>> -> memref<256x64xf32, #tpu.memory_space<hbm>>
    %dma_wait3A_79 = arith.constant 0 : i32
    %dma_wait3A_80 = tpu.memref_slice %arg8[%add3A_68, %dma_wait3A_79] : memref<16384x64xf32, #tpu.memory_space<hbm>> -> memref<256x64xf32, #tpu.memory_space<hbm>>
    tpu.wait_dma2 semaphore(%arg17 : memref<!tpu.dma_semaphore, #tpu.memory_space<semaphore_mem>>) src(%arg12 : memref<256x64xf32, #tpu.memory_space<vmem>>) dst(%dma_wait3A_80 : memref<256x64xf32, #tpu.memory_space<hbm>>)
    "tpu.region"() ({
      %run_scoped3A = tpu.sem_alloc : memref<!tpu.dma_semaphore, #tpu.memory_space<semaphore_mem>>
      %dma_start3A_81 = tpu.memref_slice %arg6[%mul3A_2] : memref<16384xf32, #tpu.memory_space<hbm>> -> memref<512xf32, #tpu.memory_space<hbm>>
      %dma_start3A_82 = tpu.memref_slice %arg6[%mul3A_2] : memref<16384xf32, #tpu.memory_space<hbm>> -> memref<512xf32, #tpu.memory_space<hbm>>
      tpu.enqueue_dma source(%arg13 : memref<512xf32, #tpu.memory_space<vmem>>) target(%dma_start3A_82 : memref<512xf32, #tpu.memory_space<hbm>>) target_semaphore(%run_scoped3A : memref<!tpu.dma_semaphore, #tpu.memory_space<semaphore_mem>>)
      %dma_wait3A_83 = tpu.memref_slice %arg6[%mul3A_2] : memref<16384xf32, #tpu.memory_space<hbm>> -> memref<512xf32, #tpu.memory_space<hbm>>
      %dma_wait3A_84 = tpu.memref_slice %arg6[%mul3A_2] : memref<16384xf32, #tpu.memory_space<hbm>> -> memref<512xf32, #tpu.memory_space<hbm>>
      tpu.wait_dma2 semaphore(%run_scoped3A : memref<!tpu.dma_semaphore, #tpu.memory_space<semaphore_mem>>) src(%arg13 : memref<512xf32, #tpu.memory_space<vmem>>) dst(%dma_wait3A_84 : memref<512xf32, #tpu.memory_space<hbm>>)
      tpu.yield
    }) : () -> ()
    return
  }
}

</mosaic_0001>

<sc_bundles>
// kernel: kernel.3.cloned.1.call-start
scs
__scs_entry_jumppad:
0x0: {  	(pc) =	sbr.rel $0x88, $3  }
0x1: {  	(tag) =	ssettag $0x0;
	lr =	simm.s32 $0x1  }
0x2: {  	[smem:$0x3F9D] =	sst lr;
	_ =	strace $0xD0000000  }
0x3: {  	_ = 	snop  }
0x4: {  	_ = 	snop  }
0x5: {  	_ = 	snop  }
0x6: {  	_ = 	snop  }
0x7: {  	_ = 	snop  }
__scs_overlays_trampoline_lowered:
0x8: {  	[smem:$0x3FAC] =	sst s0  }
0x9: {  	[smem:$0x3FAD] =	sst s1  }
0xa: {  	[smem:$0x3FAE] =	sst s2  }
0xb: {  	[smem:$0x3FAF] =	sst s3  }
0xc: {  	[smem:$0x3FB0] =	sst s4  }
0xd: {  	[smem:$0x3FB1] =	sst s5  }
0xe: {  	[smem:$0x3FB2] =	sst s6  }
0xf: {  	[smem:$0x3FB3] =	sst s7  }
0x10: {  	[smem:$0x3FB4] =	sst s8  }
0x11: {  	[smem:$0x3FB5] =	sst s9;
	s0 =	simm.s32 @!p0 $0x0  }
0x12: {  	s1 =	sld [smem:$0x3F9B];
	s0 =	simm.s32 @p0 $0x1  }
0x13: {  	[smem:$0x3FB6] =	sst s0;
	s0 =	simm.s32 @!p1 $0x0  }
0x14: {  	s2 =	sld [smem:$0x3F9A];
	s0 =	simm.s32 @p1 $0x1  }
0x15: {  	[smem:$0x3FB7] =	sst s0;
	s0 =	simm.s32 @!p2 $0x0  }
0x16: {  	s3 =	sld [smem:$0x3FDB];
	s0 =	simm.s32 @p2 $0x1  }
0x17: {  	s4 =	simm.s32 $0x1BF5;
	[smem:$0x3FB9] =	sst s0  }
0x18: {  	s0 =	sld [smem:$0x3F9C];
	_ =	swait.ge [sflag:s4], $0x0  }
0x19: {  	s7 =	sld [smem:$0x3F9D]  }
0x1a: {  	s8 =	sadd.s32 $0xFFFFE003, lr  }
0x1b: {  	s9 =	sadd.s32 $0xFFFFFEF7, lr;
	s5 =	simm.s32 $0xFFFFFFFF;
	p2 =	slt.u32 s8, $0xFFFFF086  }
0x1c: {  	p1 =	slt.u32 s9, $0xF7A;
	s5 =	simm.s32 @!p2 $0x0  }
0x1d: {  	s5 =	simm.s32 @p1 $0x1;
	p0 =	seq.s32 s7, s2  }
0x1e: {  	s7 =	smul.u32 @!p0 $0xF7A, s2;
	p2 =	seq.s32 @!p0 s5, $0x0  }
0x1f: {  	s9 =	smul.u32 $0xF7A, s1;
	s8 =	simm.s32 @!p0 $0x1BF5;
	p2 =	por !p2, p0  }
0x20: {  	[sflag:s8] =	ssyncset.s32 @!p0 $0xFFFFF086;
	s6 =	sadd.s32 @!p0 s3, s7;
	s7 =	simm.s32 @!p0 $0x108  }
0x21: {  	s3 =	sadd.s32 s3, s9;
	s6 =	sadd.s32 @!p0 $0x88, s6;
	s7 =	simm.s32 @p2 $0x1082  }
0x22: {  	[simem:s7], [sflag:s8] =	dma.local @!p0 [hbm:s6], $0xF7A  }
0x23: {  	s9 =	sor.u32 $0xD0000000, s2;
	s6 =	simm.s32 $0x108;
	_ =	swait.ge @!p0 [sflag:s8], $0x0  }
0x24: {  	s3 =	sadd.s32 $0x88, s3;
	s6 =	simm.s32 @!p1 $0x1082;
	[sflag:s4] =	ssyncset.s32 $0xFFFFF086  }
0x25: {  	[simem:s6], [sflag:s4] =	dma.local [hbm:s3], $0xF7A  }
0x26: {  	[smem:$0x3F9D] =	sst s1;
	(tag) =	ssettag s2;
	_ =	strace s9  }
0x27: {  	s1 =	sld [smem:$0x3FAD]  }
0x28: {  	s2 =	sld [smem:$0x3FAE]  }
0x29: {  	s4 =	sld [smem:$0x3FB0]  }
0x2a: {  	p0 =	seq.s32 s5, $0x0;
	s5 =	sld [smem:$0x3FB1]  }
0x2b: {  	s6 =	sld [smem:$0x3FB2]  }
0x2c: {  	s7 =	sld [smem:$0x3FB3]  }
0x2d: {  	s3 =	simm.s32 $0x108;
	s8 =	sld [smem:$0x3FB4]  }
0x2e: {  	s3 =	simm.s32 @!p0 $0x1082;
	s9 =	sld [smem:$0x3FB5]  }
0x2f: {  	lr =	sadd.s32 s0, s3;
	s0 =	sld [smem:$0x3FAC]  }
0x30: {  	s3 =	sld [smem:$0x3FAF]  }
0x31: {  	[smem:$0x3FB8] =	sst s10  }
0x32: {  	s10 =	sld [smem:$0x3FB6];
	_ =	sdelay $0x3  }
0x33: {  	p0 =	seq.s32 s10, $0x1;
	s10 =	sld [smem:$0x3FB8];
	_ =	sdelay $0x3  }
0x34: {  	[smem:$0x3FB8] =	sst s10  }
0x35: {  	s10 =	sld [smem:$0x3FB7];
	_ =	sdelay $0x3  }
0x36: {  	p1 =	seq.s32 s10, $0x1;
	s10 =	sld [smem:$0x3FB8];
	_ =	sdelay $0x3  }
0x37: {  	[smem:$0x3FB8] =	sst s10  }
0x38: {  	s10 =	sld [smem:$0x3FB9]  }
0x39: {  	_ = 	snop;
	(pc) =	sbr.ind lr, $3  }
0x3a: {  	_ = 	snop  }
0x3b: {  	_ = 	snop  }
0x3c: {  	p2 =	seq.s32 s10, $0x1;
	s10 =	sld [smem:$0x3FB8]  }
0x3d: {  	_ =	shalt  }
0x3e: {  	_ =	shalt  }
0x3f: {  	_ =	shalt  }
0x40: {  	_ =	shalt  }
0x41: {  	_ =	shalt  }
0x42: {  	_ =	shalt  }
0x43: {  	_ =	shalt  }
0x44: {  	_ =	shalt  }
0x45: {  	_ =	shalt  }
0x46: {  	_ =	shalt  }
0x47: {  	_ =	shalt  }
0x48: {  	_ =	shalt  }
0x49: {  	_ =	shalt  }
0x4a: {  	_ =	shalt  }
0x4b: {  	_ =	shalt  }
0x4c: {  	_ =	shalt  }
0x4d: {  	_ =	shalt  }
0x4e: {  	_ =	shalt  }
0x4f: {  	_ =	shalt  }
0x50: {  	_ =	shalt  }
0x51: {  	_ =	shalt  }
0x52: {  	_ =	shalt  }
0x53: {  	_ =	shalt  }
0x54: {  	_ =	shalt  }
0x55: {  	_ =	shalt  }
0x56: {  	_ =	shalt  }
0x57: {  	_ =	shalt  }
0x58: {  	_ =	shalt  }
0x59: {  	_ =	shalt  }
0x5a: {  	_ =	shalt  }
0x5b: {  	_ =	shalt  }
0x5c: {  	_ =	shalt  }
0x5d: {  	_ =	shalt  }
0x5e: {  	_ =	shalt  }
0x5f: {  	_ =	shalt  }
0x60: {  	_ =	shalt  }
0x61: {  	_ =	shalt  }
0x62: {  	_ =	shalt  }
0x63: {  	_ =	shalt  }
0x64: {  	_ =	shalt  }
0x65: {  	_ =	shalt  }
0x66: {  	_ =	shalt  }
0x67: {  	_ =	shalt  }
0x68: {  	_ =	shalt  }
0x69: {  	_ =	shalt  }
0x6a: {  	_ =	shalt  }
0x6b: {  	_ =	shalt  }
0x6c: {  	_ =	shalt  }
0x6d: {  	_ =	shalt  }
0x6e: {  	_ =	shalt  }
0x6f: {  	_ =	shalt  }
0x70: {  	_ =	shalt  }
0x71: {  	_ =	shalt  }
0x72: {  	_ =	shalt  }
0x73: {  	_ =	shalt  }
0x74: {  	_ =	shalt  }
0x75: {  	_ =	shalt  }
0x76: {  	_ =	shalt  }
0x77: {  	_ =	shalt  }
0x78: {  	_ =	shalt  }
0x79: {  	_ =	shalt  }
0x7a: {  	_ =	shalt  }
0x7b: {  	_ =	shalt  }
0x7c: {  	_ =	shalt  }
0x7d: {  	_ =	shalt  }
0x7e: {  	_ =	shalt  }
0x7f: {  	_ =	shalt  }
0x80: {  	_ =	shalt  }
0x81: {  	_ =	shalt  }
0x82: {  	_ =	shalt  }
0x83: {  	_ =	shalt  }
0x84: {  	_ =	shalt  }
0x85: {  	_ =	shalt  }
0x86: {  	_ =	shalt  }
0x87: {  	_ =	shalt  }
.Lfunc_end0:
.L_simem_size_0:
called_computation_lowered:
.L_overlay_start_0:
0x88: {  	s2 =	sld [smem:$0x3FD9]  }
0x89: {  	s3 =	sld [smem:$0x3FFE];
	_ =	sdelay $0x1  }
0x8a: {  	s1 =	srdreg.scid  }
0x8b: {  	s0 =	sand.u32 $0x1, s1  }
0x8c: {  	s14 =	sshll.u32 s0, $0xA;
	s2 =	sadd.s32 s3, s2  }
0x8d: {  	s2 =	sadd.s32 s2, s14  }
0x8e: {  	[smem:$0x3FC4] =	sst s2  }
0x8f: {  	_ = 	snop  }
0x90: {  	s2 =	sld [smem:$0x3FD0];
	_ =	sdelay $0x1  }
0x91: {  	s15 =	sld [smem:$0x3FC9]  }
0x92: {  	s5 =	simm.s32 $0xA;
	s6 =	simm.s32 $0x10;
	s4 =	sld [smem:$0x3FC8]  }
0x93: {  	[smem:s6], [sflag:s5] =	dma.local [hbm:s2], $0x1  }
0x94: {  	_ =	swait.eq [sflag:s5], $0x1  }
0x95: {  	[sflag:s5] =	ssyncset.done $0x0  }
0x96: {  	[sflag:s5] =	ssyncadd.s32 $0xFFFFFFFF  }
0x97: {  	s16 =	sld [smem:$0x10];
	(tm) =	ssettm $0x1  }
0x98: {  	s17 =	sld [smem:$0x3FFB];
	_ =	sdelay $0x3  }
0x99: {  	_ =	strace s17  }
0x9a: {  	s5 =	sld [smem:$0x3FFC];
	_ =	sdelay $0x3  }
0x9b: {  	_ =	strace s5  }
0x9c: {  	s5 =	sld [smem:$0x3FFD];
	_ =	sdelay $0x3  }
0x9d: {  	_ =	strace s5  }
0x9e: {  	_ =	strace $0x8FFFFFFF  }
0x9f: {  	s18 =	sld [smem:$0x3FDB];
	_ =	sdelay $0x1  }
0xa0: {  	s19 =	simm.s32 $_scs_section_size  }
0xa1: {  	s7 =	simm.s32 $_size__tile_overlayer_lowered;
	s8 =	simm.s32 $_tile_overlayer_lowered  }
0xa2: {  	s22 =	simm.s32 $0x1BFF;
	s21 =	sshll.u32 s8, $0x1;
	s5 =	sadd.s32 s19, s18  }
0xa3: {  	s9 =	simm.s32 $0x0;
	s20 =	sshll.u32 s7, $0x1;
	s7 =	sadd.s32 s21, s5  }
0xa4: {  	[timem:s9], [sflag:s22] =	dma.local [hbm:s7], s20  }
0xa5: {  	_ =	swait.ge [sflag:s22], s20  }
0xa6: {  	s6 =	ssub.s32 $0x0, s20;
	[sflag:s22] =	ssyncset.done $0x0  }
0xa7: {  	[sflag:s22] =	ssyncadd.s32 s6;
	_ =	sdelay $0x1  }
0xa8: {  	s23 =	simm.s32 $0x1B8B  }
0xa9: {  	_ =	swait.ge [sflag:s23], $0x1  }
0xaa: {  	[sflag:s23] =	ssyncset.done $0x0  }
0xab: {  	s25 =	simm.s32 $0x1B8E;
	s24 =	sld [smem:$0x3FFE];
	[sflag:s23] =	ssyncadd.s32 $0xFFFFFFFF  }
0xac: {  	s26 =	simm.s32 $execute0_lowered;
	[smem:$0x3FD2] =	sst s25  }
0xad: {  	s7 =	sshll.u32 s26, $0x1;
	_ =	strace $0x80000046;
	[dreg:$0x1] =	wrdreg $0xFFFFFFFF  }
0xae: {  	s28 =	simm.s32 $_size_execute0_lowered;
	s5 =	sadd.s32 s5, s7;
	[dreg:$0x0] =	wrdreg $0x0  }
0xaf: {  	s7 =	sshll.u32 s28, $0x1;
	[dreg:$0x2] =	wrdreg s5  }
0xb0: {  	[dreg:$0x3] =	wrdreg s7  }
0xb1: {  	[dreg:$0x4] =	wrdreg $0xC0  }
0xb2: {  	_ =	task [dreg:s9], $0x5FFFF  }
0xb3: {  	[dreg:$0x1] =	wrdreg $0xFFFFFFFF  }
0xb4: {  	[dreg:$0x0] =	wrdreg $0x60  }
0xb5: {  	[dreg:$0x2] =	wrdreg s15  }
0xb6: {  	[dreg:$0x3] =	wrdreg s4  }
0xb7: {  	[dreg:$0x4] =	wrdreg s24  }
0xb8: {  	[dreg:$0x5] =	wrdreg s16  }
0xb9: {  	[dreg:$0x6] =	wrdreg $0x9  }
0xba: {  	_ =	task.clear_ibuf [dreg:s9], $0x7FFFF;
	_ =	strace $0x90000046  }
0xbb: {  	s29 =	simm.s32 $0x9;
	_ =	strace $0x80000048  }
0xbc: {  	_ =	swait.ge [sflag:s29], $0x1  }
0xbd: {  	[sflag:s29] =	ssyncadd.s32 $0xFFFFFFFF  }
0xbe: {  	_ =	strace $0x90000048  }
0xbf: {  	_ =	sfence  }
0xc0: {  	s30 =	sld [smem:$0x0];
	_ =	sdelay $0x2  }
0xc1: {  	s31 =	sshll.u32 s1, $0xD;
	s1 =	sshrl.u32 s1, $0x2  }
0xc2: {  	s3 =	sand.u32 $0x4000, s31;
	s1 =	sadd.s32 s1, s30  }
0xc3: {  	s0 =	sor.u32 s3, s0;
	s1 =	sshll.u32 s1, $0x11  }
0xc4: {  	s0 =	sor.u32 s1, s0  }
0xc5: {  	s0 =	sadd.s32 $0x8F2B, s0  }
0xc6: {  	[sflag:s0] =	ssyncadd.remote.s32 $0x1  }
0xc7: {  	_ =	sfence.sel $0xFFFF  }
0xc8: {  	[dreg:$0x0] =	wrdreg $0xFFFFFFFF;
	(pc) =	sbr.abs _section_cstart, $3  }
0xc9: {  	[dreg:$0x1] =	wrdreg $0xFFFFFFFF  }
0xca: {  	_ =	task.clear_ibuf [dreg:s9], $0x2FFFF;
	_ =	strace $0x9FFFFFFF  }
0xcb: {  	(tm) =	ssettm $0x7FFFFFFF  }
tec
execute0_lowered:
.L_overlay_start_1:
0x0: {  	(tag) =	ssettag $0x1  }
0x1: {  	s0 =	rddreg [dreg:$0x0]  }
0x2: {  	s2 =	rddreg [dreg:$0x1]  }
0x3: {  	s5 =	rddreg [dreg:$0x2]  }
0x4: {  	s6 =	rddreg [dreg:$0x3];
	s7 =	srdreg.scid  }
0x5: {  	s3 =	simm.s32 $0x0;
	s1 =	stileid.u32;
	s7 =	sand.u32 $0x1, s7  }
0x6: {  	s1 =	sshll.u32 s1, $0xA;
	s9 =	ssub.s32 $0x2, s7;
	s7 =	sshll.u32 s7, $0x9  }
0x7: {  	[smem:$0x7FF] =	sst s3;
	s7 =	sor.u32 s7, s1  }
0x8: {  	s4 =	sadd.s32 $0x800, s5;
	s15 =	sadd.s32 $0xF42C00, s5;
	s1 =	sshrl.u32 s7, $0x3  }
0x9: {  	s8 =	sadd.s32 $0x1E85000, s5;
	_ =	strace $0x80000047;
	s0 =	sadd.s32 s0, s1  }
0xa: {  	s7 =	sshll.u32 s7, $0x4;
	s24 =	sadd.s32 s2, s1;
	[dreg:$0x15] =	wrdreg s0  }
0xb: {  	s5 =	sadd.s32 $0x1EC5000, s5;
	s26 =	sadd.s32 s8, s7;
	[dreg:$0x16] =	wrdreg s24  }
0xc: {  	s11 =	sshrl.u32 s9, $0x1;
	s28 =	sadd.s32 s5, s7;
	[dreg:$0x17] =	wrdreg s26  }
0xd: {  	s9 =	ssub.s32 s9, s11;
	s30 =	sadd.s32 s6, s1;
	[dreg:$0x18] =	wrdreg s28  }
0xe: {  	s25 =	sor.u32 $0x1000, s7;
	s31 =	smax.u32 s9, $0x1;
	[dreg:$0x1b] =	wrdreg s30  }
0xf: {  	s16 =	simm.s32 $0x400;
	s29 =	sadd.s32 s8, s25;
	[dreg:$0x1c] =	wrdreg s31  }
0x10: {  	v0 =	vlaneseq.u32;
	s17 =	simm.s32 $0x8400;
	s0 =	sadd.s32 s5, s25;
	[dreg:$0x19] =	wrdreg s29  }
0x11: {  	v0 =	vmul.u32 $0x80, v0;
	s2 =	simm.s32 $0x5;
	s1 =	simm.s32 $0x0;
	[dreg:$0x1a] =	wrdreg s0  }
.LBB2_1:
0x12: {  	[dreg:$0x1d] =	wrdreg s1  }
0x13: {  	s0 =	rddreg [dreg:$0x15]  }
0x14: {  	[tilespmem:s3], [sflag:$0x5] =	stream.linear.gather [hbm4b:s0+s3], $0x200, $0x38;
	[tilespmem:$0x10600] =	vst v63  }
0x15: {  	_ =	swait.ge [sflag:s2], $0x200  }
0x16: {  	[sflag:s2] =	ssyncset.done $0x0  }
0x17: {  	s11 =	simm.s32 $0x200;
	s12 =	rddreg [dreg:$0x16];
	[sflag:s2] =	ssyncadd.s32 $0xFFFFFE00  }
0x18: {  	[tilespmem:s11], [sflag:$0x5] =	stream.linear.gather [hbm4b:s12+s3], $0x200, $0x38;
	[tilespmem:$0x10600] =	vst v63  }
0x19: {  	_ =	swait.ge [sflag:s2], $0x200  }
0x1a: {  	[sflag:s2] =	ssyncset.done $0x0  }
0x1b: {  	[sflag:s2] =	ssyncadd.s32 $0xFFFFFE00  }
0x1c: {  	v1 =	vld [tilespmem:s3+$0x0]  }
0x1d: {  	v3 =	vld [tilespmem:s11+$0x0];
	_ =	sdelay $0x3  }
0x1e: {  	v2 =	vshll.u32 v1, $0x4  }
0x1f: {  	v1 =	vshll.u32 v3, $0x4;
	(v2sf) =	vpush v2, $0x0  }
0x20: {  	(v2sf) =	vpush v1, $0x0  }
0x21: {  	(v2sf) =	vpush v2, $0x1;
	_ =	sdelay $0x2  }
0x22: {  	(v2sf) =	vpush v1, $0x1  }
0x23: {  	(v2sf) =	vpush v2, $0x2;
	_ =	sdelay $0x1  }
0x24: {  	(v2sf) =	vpush v1, $0x2;
	_ =	sdelay $0x1  }
0x25: {  	(v2sf) =	vpush v2, $0x3;
	_ =	sdelay $0x2  }
0x26: {  	s10 =	simm.s32 $0x2000;
	s5 =	simm.s32 $0x8900;
	s7 =	simm.s32 $0x400  }
0x27: {  	s13 =	simm.s32 $0x8400;
	s19 =	simm.s32 $0x480;
	s22 =	simm.s32 $0x8480  }
0x28: {  	s24 =	simm.s32 $0x500;
	s28 =	simm.s32 $0x8500;
	s6 =	spop (v2sf)  }
0x29: {  	s31 =	simm.s32 $0x580;
	(v2sf) =	vpush v1, $0x3;
	s6 =	sand.u32 $0x1FFFFFF0, s6;
	s8 =	spop (v2sf)  }
0x2a: {  	s0 =	simm.s32 $0x8A00;
	s6 =	sadd.s32 s4, s6;
	s18 =	spop (v2sf)  }
0x2b: {  	(v2sf) =	vpush v2, $0x4;
	[tilespmem:s7], [sflag:$0x1] =	stream.linear.gather [hbm4b:s6+s3], $0x80, $0x38;
	[tilespmem:$0x10600] =	vst v63  }
0x2c: {  	s2 =	simm.s32 $0xA00;
	(v2sf) =	vpush v1, $0x4;
	s14 =	sand.u32 $0x1FFFFFF0, s8;
	s8 =	sand.u32 $0x1FFFFFF0, s18  }
0x2d: {  	s7 =	sadd.s32 s15, s14;
	s9 =	spop (v2sf);
	s20 =	sadd.s32 s4, s8  }
0x2e: {  	(v2sf) =	vpush v2, $0x5;
	s21 =	sand.u32 $0x1FFFFFF0, s9;
	s23 =	spop (v2sf);
	s9 =	simm.s32 $0x8580  }
0x2f: {  	[tilespmem:s13], [sflag:$0x2] =	stream.linear.gather [hbm4b:s7+s3], $0x80, $0x38;
	[tilespmem:$0x10600] =	vst v63  }
0x30: {  	s8 =	sadd.s32 s15, s21;
	s7 =	sand.u32 $0x1FFFFFF0, s23;
	s25 =	spop (v2sf)  }
0x31: {  	(v2sf) =	vpush v1, $0x5;
	[tilespmem:s19], [sflag:$0x1] =	stream.linear.gather [hbm4b:s20+s3], $0x80, $0x38;
	[tilespmem:$0x10600] =	vst v63  }
0x32: {  	s13 =	simm.s32 $0x600;
	s21 =	simm.s32 $0x680;
	s26 =	spop (v2sf)  }
0x33: {  	(v2sf) =	vpush v2, $0x6;
	[tilespmem:s22], [sflag:$0x2] =	stream.linear.gather [hbm4b:s8+s3], $0x80, $0x38;
	[tilespmem:$0x10600] =	vst v63  }
0x34: {  	s7 =	sadd.s32 s4, s7;
	s30 =	sand.u32 $0x1FFFFFF0, s26;
	s8 =	sand.u32 $0x1FFFFFF0, s25  }
0x35: {  	(v2sf) =	vpush v1, $0x6;
	[tilespmem:s24], [sflag:$0x1] =	stream.linear.gather [hbm4b:s7+s3], $0x80, $0x38;
	[tilespmem:$0x10600] =	vst v63  }
0x36: {  	s19 =	simm.s32 $0x8600;
	s29 =	sadd.s32 s15, s8;
	s8 =	sadd.s32 s4, s30  }
0x37: {  	[tilespmem:s28], [sflag:$0x2] =	stream.linear.gather [hbm4b:s29+s3], $0x80, $0x38;
	[tilespmem:$0x10600] =	vst v63  }
0x38: {  	s30 =	simm.s32 $0x8700;
	s24 =	simm.s32 $0x8680;
	s1 =	spop (v2sf)  }
0x39: {  	(v2sf) =	vpush v2, $0x7;
	[tilespmem:s31], [sflag:$0x1] =	stream.linear.gather [hbm4b:s8+s3], $0x80, $0x38;
	[tilespmem:$0x10600] =	vst v63  }
0x3a: {  	s28 =	simm.s32 $0x700;
	s7 =	sand.u32 $0x1FFFFFF0, s1;
	s11 =	spop (v2sf)  }
0x3b: {  	(v2sf) =	vpush v1, $0x7;
	s7 =	sadd.s32 s15, s7;
	s8 =	sand.u32 $0x1FFFFFF0, s11;
	s12 =	spop (v2sf)  }
0x3c: {  	(v2sf) =	vpush v2, $0x8;
	[tilespmem:s9], [sflag:$0x2] =	stream.linear.gather [hbm4b:s7+s3], $0x80, $0x38;
	[tilespmem:$0x10600] =	vst v63  }
0x3d: {  	s14 =	sadd.s32 s4, s8;
	s18 =	sand.u32 $0x1FFFFFF0, s12;
	s20 =	spop (v2sf)  }
0x3e: {  	(v2sf) =	vpush v1, $0x8;
	s12 =	simm.s32 $0x8780;
	s8 =	sadd.s32 s15, s18;
	s7 =	sand.u32 $0x1FFFFFF0, s20  }
0x3f: {  	[tilespmem:s13], [sflag:$0x1] =	stream.linear.gather [hbm4b:s14+s3], $0x80, $0x38;
	[tilespmem:$0x10600] =	vst v63  }
0x40: {  	(v2sf) =	vpush v2, $0x9;
	s22 =	spop (v2sf);
	s20 =	simm.s32 $0x8800;
	s7 =	sadd.s32 s4, s7  }
0x41: {  	[tilespmem:s19], [sflag:$0x2] =	stream.linear.gather [hbm4b:s8+s3], $0x80, $0x38;
	[tilespmem:$0x10600] =	vst v63  }
0x42: {  	s23 =	spop (v2sf);
	(v2sf) =	vpush v1, $0x9;
	s14 =	simm.s32 $0x800;
	s8 =	sand.u32 $0x1FFFFFF0, s22  }
0x43: {  	[tilespmem:s21], [sflag:$0x1] =	stream.linear.gather [hbm4b:s7+s3], $0x80, $0x38;
	[tilespmem:$0x10600] =	vst v63  }
0x44: {  	s26 =	sand.u32 $0x1FFFFFF0, s23;
	s29 =	spop (v2sf);
	(v2sf) =	vpush v2, $0xA;
	s25 =	sadd.s32 s15, s8  }
0x45: {  	[tilespmem:s24], [sflag:$0x2] =	stream.linear.gather [hbm4b:s25+s3], $0x80, $0x38;
	[tilespmem:$0x10600] =	vst v63  }
0x46: {  	s23 =	simm.s32 $0x880;
	(v2sf) =	vpush v1, $0xA;
	s8 =	sadd.s32 s4, s26;
	s7 =	sand.u32 $0x1FFFFFF0, s29  }
0x47: {  	[tilespmem:s28], [sflag:$0x1] =	stream.linear.gather [hbm4b:s8+s3], $0x80, $0x38;
	[tilespmem:$0x10600] =	vst v63  }
0x48: {  	s7 =	sadd.s32 s15, s7;
	s25 =	simm.s32 $0x8880;
	s31 =	spop (v2sf)  }
0x49: {  	[tilespmem:s30], [sflag:$0x2] =	stream.linear.gather [hbm4b:s7+s3], $0x80, $0x38;
	[tilespmem:$0x10600] =	vst v63  }
0x4a: {  	s7 =	simm.s32 $0x780;
	(v2sf) =	vpush v2, $0xB;
	s8 =	sand.u32 $0x1FFFFFF0, s31;
	s1 =	spop (v2sf)  }
0x4b: {  	s8 =	sadd.s32 s4, s8;
	s11 =	sand.u32 $0x1FFFFFF0, s1;
	s13 =	spop (v2sf)  }
0x4c: {  	(v2sf) =	vpush v1, $0xB;
	[tilespmem:s7], [sflag:$0x1] =	stream.linear.gather [hbm4b:s8+s3], $0x80, $0x38;
	[tilespmem:$0x10600] =	vst v63  }
0x4d: {  	s8 =	sadd.s32 s15, s11;
	(v2sf) =	vpush v2, $0xC;
	s7 =	sand.u32 $0x1FFFFFF0, s13;
	s18 =	spop (v2sf)  }
0x4e: {  	[tilespmem:s12], [sflag:$0x2] =	stream.linear.gather [hbm4b:s8+s3], $0x80, $0x38;
	[tilespmem:$0x10600] =	vst v63  }
0x4f: {  	s7 =	sadd.s32 s4, s7;
	s19 =	spop (v2sf);
	(v2sf) =	vpush v1, $0xC;
	s8 =	sand.u32 $0x1FFFFFF0, s18  }
0x50: {  	(v2sf) =	vpush v2, $0xD;
	[tilespmem:s14], [sflag:$0x1] =	stream.linear.gather [hbm4b:s7+s3], $0x80, $0x38;
	[tilespmem:$0x10600] =	vst v63  }
0x51: {  	s22 =	sand.u32 $0x1FFFFFF0, s19;
	s24 =	spop (v2sf);
	s21 =	sadd.s32 s15, s8  }
0x52: {  	[tilespmem:s20], [sflag:$0x2] =	stream.linear.gather [hbm4b:s21+s3], $0x80, $0x38;
	[tilespmem:$0x10600] =	vst v63  }
0x53: {  	s8 =	sadd.s32 s4, s22;
	(v2sf) =	vpush v1, $0xD;
	s26 =	spop (v2sf);
	s7 =	sand.u32 $0x1FFFFFF0, s24  }
0x54: {  	[tilespmem:s23], [sflag:$0x1] =	stream.linear.gather [hbm4b:s8+s3], $0x80, $0x38;
	[tilespmem:$0x10600] =	vst v63  }
0x55: {  	s28 =	spop (v2sf);
	s7 =	sadd.s32 s15, s7;
	s8 =	sand.u32 $0x1FFFFFF0, s26  }
0x56: {  	[tilespmem:s25], [sflag:$0x2] =	stream.linear.gather [hbm4b:s7+s3], $0x80, $0x38;
	[tilespmem:$0x10600] =	vst v63  }
0x57: {  	s29 =	simm.s32 $0x900;
	(v2sf) =	vpush v2, $0xE;
	s31 =	sand.u32 $0x1FFFFFF0, s28;
	s30 =	sadd.s32 s4, s8  }
0x58: {  	[tilespmem:s29], [sflag:$0x1] =	stream.linear.gather [hbm4b:s30+s3], $0x80, $0x38;
	[tilespmem:$0x10600] =	vst v63  }
0x59: {  	s1 =	simm.s32 $0x980;
	s8 =	sadd.s32 s15, s31;
	s9 =	spop (v2sf)  }
0x5a: {  	[tilespmem:s5], [sflag:$0x2] =	stream.linear.gather [hbm4b:s8+s3], $0x80, $0x38;
	[tilespmem:$0x10600] =	vst v63  }
0x5b: {  	s11 =	simm.s32 $0x8980;
	s7 =	sand.u32 $0x1FFFFFF0, s9;
	s12 =	spop (v2sf)  }
0x5c: {  	s26 =	simm.s32 $0xA80;
	s7 =	sadd.s32 s4, s7;
	s13 =	spop (v2sf)  }
0x5d: {  	[tilespmem:s1], [sflag:$0x1] =	stream.linear.gather [hbm4b:s7+s3], $0x80, $0x38;
	[tilespmem:$0x10600] =	vst v63  }
0x5e: {  	s30 =	simm.s32 $0x8A80;
	s8 =	sand.u32 $0x1FFFFFF0, s12;
	s19 =	spop (v2sf)  }
0x5f: {  	s14 =	sadd.s32 s15, s8;
	s18 =	sand.u32 $0x1FFFFFF0, s13;
	s22 =	spop (v2sf)  }
0x60: {  	[tilespmem:s11], [sflag:$0x2] =	stream.linear.gather [hbm4b:s14+s3], $0x80, $0x38;
	[tilespmem:$0x10600] =	vst v63  }
0x61: {  	s20 =	sadd.s32 s4, s18;
	s21 =	sand.u32 $0x1FFFFFF0, s19;
	s24 =	sand.u32 $0x1FFFFFF0, s22  }
0x62: {  	s23 =	sadd.s32 s15, s21;
	s25 =	spop (v2sf);
	s28 =	sadd.s32 s4, s24  }
0x63: {  	[tilespmem:s2], [sflag:$0x1] =	stream.linear.gather [hbm4b:s20+s3], $0x80, $0x38;
	[tilespmem:$0x10600] =	vst v63  }
0x64: {  	s29 =	sand.u32 $0x1FFFFFF0, s25;
	s24 =	simm.s32 $0x10;
	s25 =	simm.s32 $0x210  }
0x65: {  	[tilespmem:s0], [sflag:$0x2] =	stream.linear.gather [hbm4b:s23+s3], $0x80, $0x38;
	[tilespmem:$0x10600] =	vst v63  }
0x66: {  	s5 =	spop (v2sf);
	s31 =	sadd.s32 s15, s29;
	s2 =	simm.s32 $0xB00  }
0x67: {  	(v2sf) =	vpush v1, $0xE;
	[tilespmem:s26], [sflag:$0x1] =	stream.linear.gather [hbm4b:s28+s3], $0x80, $0x38;
	[tilespmem:$0x10600] =	vst v63  }
0x68: {  	(v2sf) =	vpush v2, $0xF;
	v2 =	vld [tilespmem:s24+$0x0];
	s23 =	simm.s32 $0x0;
	s0 =	simm.s32 $0x8B00;
	s26 =	simm.s32 $0x4000  }
0x69: {  	(v2sf) =	vpush v1, $0xF;
	v3 =	vld [tilespmem:s25+$0x0];
	[tilespmem:s30], [sflag:$0x2] =	stream.linear.gather [hbm4b:s31+s3], $0x80, $0x38  }
.LBB2_2:
0x6a: {  	_ =	sdelay $0x8  }
0x6b: {  	s5 =	sand.u32 $0x1FFFFFF0, s5;
	s9 =	sadd.s32 $0xB80, s23  }
0x6c: {  	s13 =	sadd.s32 $0x8B80, s23;
	s23 =	sshra.s32 s10, $0x2;
	s5 =	sadd.s32 s4, s5  }
0x6d: {  	[tilespmem:s2], [sflag:$0x1] =	stream.linear.gather [hbm4b:s5+s3], $0x80, $0x38;
	[tilespmem:$0x10600] =	vst v63  }
0x6e: {  	p0 =	sne.s32 s26, $0x1E000;
	s18 =	sadd.s32 $0xA00, s23;
	v2 =	vshll.u32 v2, $0x4;
	s6 =	spop (v2sf)  }
0x6f: {  	s19 =	sadd.s32 $0x8A00, s23;
	[dreg:$0x7] =	wrdreg s18;
	v1 =	vshll.u32 v3, $0x4;
	s7 =	spop (v2sf);
	(v2sf) =	vpush v2, $0x0  }
0x70: {  	s20 =	sadd.s32 $0x8900, s23;
	[dreg:$0x5] =	wrdreg s19;
	s8 =	spop (v2sf);
	(v2sf) =	vpush v1, $0x0  }
0x71: {  	s24 =	sadd.s32 $0x10, s24;
	s21 =	sadd.s32 $0x980, s23;
	[dreg:$0xd] =	wrdreg s20;
	(v2sf) =	vpush v2, $0x1  }
0x72: {  	s25 =	sadd.s32 $0x10, s25;
	s22 =	sadd.s32 $0x8980, s23;
	[dreg:$0xb] =	wrdreg s21  }
0x73: {  	s28 =	sadd.s32 $0x880, s23;
	s29 =	sadd.s32 $0x8880, s23;
	[dreg:$0x9] =	wrdreg s22;
	(v2sf) =	vpush v1, $0x1  }
0x74: {  	s30 =	sadd.s32 $0x900, s23;
	s10 =	sadd.s32 $0x680, s23;
	[dreg:$0x13] =	wrdreg s28  }
0x75: {  	s1 =	sadd.s32 $0x8400, s23;
	s31 =	sadd.s32 $0x400, s23;
	[dreg:$0x11] =	wrdreg s29;
	(v2sf) =	vpush v2, $0x2  }
0x76: {  	s2 =	smov.u32 s26;
	[dreg:$0xf] =	wrdreg s30;
	s5 =	sadd.s32 $0x8700, s23  }
0x77: {  	s19 =	sadd.s32 $0x8580, s23;
	s18 =	sadd.s32 $0x600, s23;
	s6 =	sand.u32 $0x1FFFFFF0, s6;
	(v2sf) =	vpush v1, $0x2  }
0x78: {  	s21 =	sadd.s32 $0x8480, s23;
	s6 =	sadd.s32 s15, s6;
	s7 =	sand.u32 $0x1FFFFFF0, s7  }
0x79: {  	[tilespmem:s0], [sflag:$0x2] =	stream.linear.gather [hbm4b:s6+s3], $0x80, $0x38;
	(v2sf) =	vpush v2, $0x3;
	[tilespmem:$0x10600] =	vst v63  }
0x7a: {  	s22 =	sadd.s32 $0x500, s23;
	s11 =	sadd.s32 s4, s7;
	s12 =	sand.u32 $0x1FFFFFF0, s8;
	(v2sf) =	vpush v1, $0x3  }
0x7b: {  	[tilespmem:s9], [sflag:$0x1] =	stream.linear.gather [hbm4b:s11+s3], $0x80, $0x38;
	[tilespmem:$0x10600] =	vst v63  }
0x7c: {  	s29 =	sadd.s32 $0x480, s23;
	s8 =	sadd.s32 $0x8780, s23;
	s14 =	sadd.s32 s15, s12;
	(v2sf) =	vpush v2, $0x4  }
0x7d: {  	[tilespmem:s13], [sflag:$0x2] =	stream.linear.gather [hbm4b:s14+s3], $0x80, $0x38;
	[tilespmem:$0x10600] =	vst v63  }
0x7e: {  	s7 =	sadd.s32 $0x800, s23;
	s6 =	sadd.s32 $0x8800, s23;
	s30 =	spop (v2sf)  }
0x7f: {  	s0 =	sadd.s32 $0x8500, s23;
	s30 =	sand.u32 $0x1FFFFFF0, s30;
	s28 =	spop (v2sf)  }
0x80: {  	(v2sf) =	vpush v1, $0x4;
	s30 =	sadd.s32 s4, s30;
	s28 =	sand.u32 $0x1FFFFFF0, s28;
	s20 =	spop (v2sf)  }
0x81: {  	[tilespmem:s31], [sflag:$0x1] =	stream.linear.gather [hbm4b:s30+s3], $0x80, $0x38;
	[tilespmem:$0x10600] =	vst v63  }
0x82: {  	(v2sf) =	vpush v2, $0x5;
	s28 =	sadd.s32 s15, s28;
	s20 =	sand.u32 $0x1FFFFFF0, s20;
	s31 =	spop (v2sf)  }
0x83: {  	[tilespmem:s1], [sflag:$0x2] =	stream.linear.gather [hbm4b:s28+s3], $0x80, $0x38;
	[tilespmem:$0x10600] =	vst v63  }
0x84: {  	(v2sf) =	vpush v1, $0x5;
	s20 =	sadd.s32 s4, s20;
	s30 =	sand.u32 $0x1FFFFFF0, s31;
	s31 =	spop (v2sf)  }
0x85: {  	(v2sf) =	vpush v2, $0x6;
	[tilespmem:s29], [sflag:$0x1] =	stream.linear.gather [hbm4b:s20+s3], $0x80, $0x38;
	[tilespmem:$0x10600] =	vst v63  }
0x86: {  	s29 =	sadd.s32 s15, s30;
	s30 =	sand.u32 $0x1FFFFFF0, s31;
	s31 =	spop (v2sf)  }
0x87: {  	(v2sf) =	vpush v1, $0x6;
	[tilespmem:s21], [sflag:$0x2] =	stream.linear.gather [hbm4b:s29+s3], $0x80, $0x38;
	[tilespmem:$0x10600] =	vst v63  }
0x88: {  	s29 =	sadd.s32 s4, s30;
	s30 =	sand.u32 $0x1FFFFFF0, s31;
	s31 =	spop (v2sf)  }
0x89: {  	s12 =	sadd.s32 $0x8680, s23;
	s11 =	sadd.s32 $0x700, s23;
	(v2sf) =	vpush v2, $0x7;
	s28 =	spop (v2sf)  }
0x8a: {  	[tilespmem:s22], [sflag:$0x1] =	stream.linear.gather [hbm4b:s29+s3], $0x80, $0x38;
	[tilespmem:$0x10600] =	vst v63  }
0x8b: {  	s20 =	sadd.s32 s15, s30;
	(v2sf) =	vpush v1, $0x7;
	s22 =	sand.u32 $0x1FFFFFF0, s31;
	s31 =	spop (v2sf)  }
0x8c: {  	(v2sf) =	vpush v2, $0x8;
	[tilespmem:s0], [sflag:$0x2] =	stream.linear.gather [hbm4b:s20+s3], $0x80, $0x38;
	[tilespmem:$0x10600] =	vst v63  }
0x8d: {  	s13 =	sadd.s32 $0x580, s23;
	s30 =	sand.u32 $0x1FFFFFF0, s28;
	s29 =	sadd.s32 s4, s22  }
0x8e: {  	[tilespmem:s13], [sflag:$0x1] =	stream.linear.gather [hbm4b:s29+s3], $0x80, $0x38;
	[tilespmem:$0x10600] =	vst v63  }
0x8f: {  	s21 =	sadd.s32 s15, s30;
	s22 =	sand.u32 $0x1FFFFFF0, s31;
	s28 =	spop (v2sf)  }
0x90: {  	[tilespmem:s19], [sflag:$0x2] =	stream.linear.gather [hbm4b:s21+s3], $0x80, $0x38;
	[tilespmem:$0x10600] =	vst v63  }
0x91: {  	s29 =	sadd.s32 s4, s22;
	s30 =	sand.u32 $0x1FFFFFF0, s28;
	s31 =	spop (v2sf)  }
0x92: {  	(v2sf) =	vpush v1, $0x8;
	[tilespmem:s18], [sflag:$0x1] =	stream.linear.gather [hbm4b:s29+s3], $0x80, $0x38;
	[tilespmem:$0x10600] =	vst v63  }
0x93: {  	s14 =	sadd.s32 $0x8600, s23;
	(v2sf) =	vpush v2, $0x9;
	s1 =	sadd.s32 s15, s30;
	s18 =	spop (v2sf)  }
0x94: {  	s13 =	sand.u32 $0x1FFFFFF0, s31;
	s20 =	sand.u32 $0x1FFFFFF0, s18;
	s21 =	spop (v2sf)  }
0x95: {  	(v2sf) =	vpush v1, $0x9;
	[tilespmem:s14], [sflag:$0x2] =	stream.linear.gather [hbm4b:s1+s3], $0x80, $0x38;
	[tilespmem:$0x10600] =	vst v63  }
0x96: {  	s19 =	sadd.s32 s4, s13;
	s22 =	sadd.s32 s15, s20;
	s29 =	spop (v2sf)  }
0x97: {  	(v2sf) =	vpush v2, $0xA;
	[tilespmem:s10], [sflag:$0x1] =	stream.linear.gather [hbm4b:s19+s3], $0x80, $0x38;
	[tilespmem:$0x10600] =	vst v63  }
0x98: {  	s28 =	sand.u32 $0x1FFFFFF0, s21;
	s10 =	smov.u32 s2;
	s2 =	spop (v2sf)  }
0x99: {  	[tilespmem:s12], [sflag:$0x2] =	stream.linear.gather [hbm4b:s22+s3], $0x80, $0x38;
	[tilespmem:$0x10600] =	vst v63  }
0x9a: {  	s9 =	sadd.s32 $0x780, s23;
	(v2sf) =	vpush v1, $0xA;
	s30 =	sadd.s32 s4, s28;
	s14 =	spop (v2sf)  }
0x9b: {  	s31 =	sand.u32 $0x1FFFFFF0, s29;
	s13 =	sand.u32 $0x1FFFFFF0, s2;
	s20 =	spop (v2sf)  }
0x9c: {  	(v2sf) =	vpush v2, $0xB;
	[tilespmem:s11], [sflag:$0x1] =	stream.linear.gather [hbm4b:s30+s3], $0x80, $0x38;
	[tilespmem:$0x10600] =	vst v63  }
0x9d: {  	s18 =	sadd.s32 s4, s13;
	s11 =	sadd.s32 s15, s31;
	s22 =	sand.u32 $0x1FFFFFF0, s20  }
0x9e: {  	(v2sf) =	vpush v1, $0xB;
	[tilespmem:s5], [sflag:$0x2] =	stream.linear.gather [hbm4b:s11+s3], $0x80, $0x38;
	[tilespmem:$0x10600] =	vst v63  }
0x9f: {  	s19 =	sand.u32 $0x1FFFFFF0, s14;
	s29 =	sadd.s32 s4, s22;
	s22 =	rddreg [dreg:$0xf]  }
0xa0: {  	[tilespmem:s9], [sflag:$0x1] =	stream.linear.gather [hbm4b:s18+s3], $0x80, $0x38;
	[tilespmem:$0x10600] =	vst v63  }
0xa1: {  	s21 =	sadd.s32 s15, s19;
	s11 =	rddreg [dreg:$0x13];
	s28 =	spop (v2sf)  }
0xa2: {  	(v2sf) =	vpush v2, $0xC;
	s18 =	rddreg [dreg:$0x11];
	s30 =	sand.u32 $0x1FFFFFF0, s28;
	s31 =	spop (v2sf)  }
0xa3: {  	[tilespmem:s8], [sflag:$0x2] =	stream.linear.gather [hbm4b:s21+s3], $0x80, $0x38;
	[tilespmem:$0x10600] =	vst v63  }
0xa4: {  	(v2sf) =	vpush v1, $0xC;
	s1 =	sadd.s32 s15, s30;
	s2 =	sand.u32 $0x1FFFFFF0, s31;
	s5 =	spop (v2sf)  }
0xa5: {  	[tilespmem:s7], [sflag:$0x1] =	stream.linear.gather [hbm4b:s29+s3], $0x80, $0x38;
	[tilespmem:$0x10600] =	vst v63  }
0xa6: {  	(v2sf) =	vpush v2, $0xD;
	s31 =	rddreg [dreg:$0xd];
	s8 =	sand.u32 $0x1FFFFFF0, s5;
	s9 =	spop (v2sf)  }
0xa7: {  	s7 =	sadd.s32 s4, s2;
	s12 =	sadd.s32 s15, s8;
	s13 =	sand.u32 $0x1FFFFFF0, s9  }
0xa8: {  	(v2sf) =	vpush v1, $0xD;
	[tilespmem:s6], [sflag:$0x2] =	stream.linear.gather [hbm4b:s1+s3], $0x80, $0x38;
	[tilespmem:$0x10600] =	vst v63  }
0xa9: {  	s8 =	rddreg [dreg:$0xb];
	s14 =	spop (v2sf);
	s19 =	sadd.s32 s4, s13  }
0xaa: {  	[tilespmem:s11], [sflag:$0x1] =	stream.linear.gather [hbm4b:s7+s3], $0x80, $0x38;
	[tilespmem:$0x10600] =	vst v63  }
0xab: {  	s13 =	rddreg [dreg:$0x9];
	s20 =	sand.u32 $0x1FFFFFF0, s14;
	s21 =	spop (v2sf)  }
0xac: {  	[tilespmem:s18], [sflag:$0x2] =	stream.linear.gather [hbm4b:s12+s3], $0x80, $0x38;
	[tilespmem:$0x10600] =	vst v63  }
0xad: {  	s28 =	sadd.s32 s15, s20;
	s29 =	sand.u32 $0x1FFFFFF0, s21;
	s30 =	spop (v2sf)  }
0xae: {  	(v2sf) =	vpush v2, $0xE;
	[tilespmem:s22], [sflag:$0x1] =	stream.linear.gather [hbm4b:s19+s3], $0x80, $0x38;
	[tilespmem:$0x10600] =	vst v63  }
0xaf: {  	s20 =	rddreg [dreg:$0x7];
	s5 =	sadd.s32 s4, s29;
	s6 =	sand.u32 $0x1FFFFFF0, s30  }
0xb0: {  	[tilespmem:s31], [sflag:$0x2] =	stream.linear.gather [hbm4b:s28+s3], $0x80, $0x38;
	[tilespmem:$0x10600] =	vst v63  }
0xb1: {  	s7 =	spop (v2sf);
	s29 =	rddreg [dreg:$0x5];
	s30 =	sadd.s32 $0xA80, s23  }
0xb2: {  	[tilespmem:s8], [sflag:$0x1] =	stream.linear.gather [hbm4b:s5+s3], $0x80, $0x38;
	[tilespmem:$0x10600] =	vst v63  }
0xb3: {  	s9 =	sadd.s32 s15, s6;
	s11 =	sand.u32 $0x1FFFFFF0, s7;
	s12 =	spop (v2sf)  }
0xb4: {  	[tilespmem:s13], [sflag:$0x2] =	stream.linear.gather [hbm4b:s9+s3], $0x80, $0x38;
	[tilespmem:$0x10600] =	vst v63  }
0xb5: {  	s14 =	sadd.s32 s4, s11;
	s18 =	sand.u32 $0x1FFFFFF0, s12;
	s19 =	spop (v2sf)  }
0xb6: {  	[tilespmem:s20], [sflag:$0x1] =	stream.linear.gather [hbm4b:s14+s3], $0x80, $0x38;
	[tilespmem:$0x10600] =	vst v63  }
0xb7: {  	s21 =	sadd.s32 s15, s18;
	s22 =	sand.u32 $0x1FFFFFF0, s19;
	s28 =	spop (v2sf)  }
0xb8: {  	[tilespmem:s29], [sflag:$0x2] =	stream.linear.gather [hbm4b:s21+s3], $0x80, $0x38;
	[tilespmem:$0x10600] =	vst v63  }
.Ltmp0:
0xb9: {  	s1 =	sadd.s32 s4, s22;
	s2 =	sand.u32 $0x1FFFFFF0, s28;
	(pc) =	sbr.rel @p0 .LBB2_2-.Ltmp0, $4  }
0xba: {  	(v2sf) =	vpush v1, $0xE;
	[tilespmem:s30], [sflag:$0x1] =	stream.linear.gather [hbm4b:s1+s3], $0x80, $0x38;
	[tilespmem:$0x10600] =	vst v63  }
0xbb: {  	s26 =	sadd.s32 $0x2000, s26;
	(v2sf) =	vpush v2, $0xF;
	s31 =	sadd.s32 $0x8A80, s23;
	s2 =	sadd.s32 s15, s2;
	v2 =	vld [tilespmem:s24+$0x0]  }
0xbc: {  	v3 =	vld [tilespmem:s25+$0x0];
	[tilespmem:s31], [sflag:$0x2] =	stream.linear.gather [hbm4b:s2+s3], $0x80, $0x38  }
0xbd: {  	s0 =	sadd.s32 $0x8B00, s23;
	(v2sf) =	vpush v1, $0xF;
	s5 =	spop (v2sf);
	s2 =	sadd.s32 $0xB00, s23  }
0xbe: {  	_ =	sdelay $0x5  }
0xbf: {  	v1 =	vshll.u32 v2, $0x4  }
0xc0: {  	(v2sf) =	vpush v1, $0x0  }
0xc1: {  	s1 =	sand.u32 $0x1FFFFFF0, s5  }
0xc2: {  	s1 =	sadd.s32 s4, s1  }
0xc3: {  	[tilespmem:s2], [sflag:$0x1] =	stream.linear.gather [hbm4b:s1+s3], $0x80, $0x38;
	v2 =	vshll.u32 v3, $0x4;
	[tilespmem:$0x10600] =	vst v63  }
0xc4: {  	s2 =	spop (v2sf);
	(v2sf) =	vpush v2, $0x0;
	_ =	sdelay $0x1  }
0xc5: {  	s5 =	spop (v2sf);
	(v2sf) =	vpush v1, $0x1;
	_ =	sdelay $0x2  }
0xc6: {  	s7 =	spop (v2sf);
	(v2sf) =	vpush v2, $0x1;
	_ =	sdelay $0x5  }
0xc7: {  	s9 =	spop (v2sf);
	(v2sf) =	vpush v1, $0x2;
	_ =	sdelay $0x3  }
0xc8: {  	s12 =	spop (v2sf);
	(v2sf) =	vpush v2, $0x2;
	_ =	sdelay $0x1  }
0xc9: {  	s14 =	spop (v2sf);
	(v2sf) =	vpush v1, $0x3;
	_ =	sdelay $0x2  }
0xca: {  	s19 =	spop (v2sf);
	(v2sf) =	vpush v2, $0x3;
	_ =	sdelay $0x2  }
0xcb: {  	s1 =	sand.u32 $0x1FFFFFF0, s2  }
0xcc: {  	s1 =	sadd.s32 s15, s1  }
0xcd: {  	[tilespmem:s0], [sflag:$0x2] =	stream.linear.gather [hbm4b:s1+s3], $0x80, $0x38;
	[tilespmem:$0x10600] =	vst v63  }
0xce: {  	s0 =	sand.u32 $0x1FFFFFF0, s5;
	s21 =	spop (v2sf);
	(v2sf) =	vpush v1, $0x4  }
0xcf: {  	s6 =	sadd.s32 $0xB80, s23;
	s0 =	sadd.s32 s4, s0  }
0xd0: {  	[tilespmem:s6], [sflag:$0x1] =	stream.linear.gather [hbm4b:s0+s3], $0x80, $0x38;
	[tilespmem:$0x10600] =	vst v63  }
0xd1: {  	s0 =	sand.u32 $0x1FFFFFF0, s7  }
0xd2: {  	s8 =	sadd.s32 $0x8B80, s23;
	s0 =	sadd.s32 s15, s0;
	s23 =	spop (v2sf);
	(v2sf) =	vpush v2, $0x4  }
0xd3: {  	[tilespmem:s8], [sflag:$0x2] =	stream.linear.gather [hbm4b:s0+s3], $0x80, $0x38;
	[tilespmem:$0x10600] =	vst v63  }
0xd4: {  	s0 =	sshra.s32 s10, $0x2;
	s1 =	sand.u32 $0x1FFFFFF0, s9;
	s25 =	spop (v2sf);
	(v2sf) =	vpush v1, $0x5  }
0xd5: {  	s11 =	sadd.s32 $0x400, s0;
	s1 =	sadd.s32 s4, s1  }
0xd6: {  	[tilespmem:s11], [sflag:$0x1] =	stream.linear.gather [hbm4b:s1+s3], $0x80, $0x38;
	[tilespmem:$0x10600] =	vst v63  }
0xd7: {  	s1 =	sand.u32 $0x1FFFFFF0, s12;
	s28 =	spop (v2sf);
	(v2sf) =	vpush v2, $0x5  }
0xd8: {  	s13 =	sadd.s32 $0x8400, s0;
	s1 =	sadd.s32 s15, s1  }
0xd9: {  	[tilespmem:s13], [sflag:$0x2] =	stream.linear.gather [hbm4b:s1+s3], $0x80, $0x38;
	[tilespmem:$0x10600] =	vst v63  }
0xda: {  	s1 =	sand.u32 $0x1FFFFFF0, s14  }
0xdb: {  	s18 =	sadd.s32 $0x480, s0;
	s1 =	sadd.s32 s4, s1  }
0xdc: {  	[tilespmem:s18], [sflag:$0x1] =	stream.linear.gather [hbm4b:s1+s3], $0x80, $0x38;
	[tilespmem:$0x10600] =	vst v63  }
0xdd: {  	s1 =	sand.u32 $0x1FFFFFF0, s19;
	s30 =	spop (v2sf);
	(v2sf) =	vpush v1, $0x6  }
0xde: {  	s20 =	sadd.s32 $0x8480, s0;
	s1 =	sadd.s32 s15, s1  }
0xdf: {  	[tilespmem:s20], [sflag:$0x2] =	stream.linear.gather [hbm4b:s1+s3], $0x80, $0x38;
	[tilespmem:$0x10600] =	vst v63  }
0xe0: {  	s1 =	sand.u32 $0x1FFFFFF0, s21  }
0xe1: {  	s22 =	sadd.s32 $0x500, s0;
	s1 =	sadd.s32 s4, s1;
	s2 =	spop (v2sf);
	(v2sf) =	vpush v2, $0x6  }
0xe2: {  	[tilespmem:s22], [sflag:$0x1] =	stream.linear.gather [hbm4b:s1+s3], $0x80, $0x38;
	[tilespmem:$0x10600] =	vst v63  }
0xe3: {  	s1 =	sand.u32 $0x1FFFFFF0, s23;
	s6 =	spop (v2sf);
	(v2sf) =	vpush v1, $0x7  }
0xe4: {  	s24 =	sadd.s32 $0x8500, s0;
	s1 =	sadd.s32 s15, s1  }
0xe5: {  	[tilespmem:s24], [sflag:$0x2] =	stream.linear.gather [hbm4b:s1+s3], $0x80, $0x38;
	[tilespmem:$0x10600] =	vst v63  }
0xe6: {  	s1 =	sand.u32 $0x1FFFFFF0, s25;
	s8 =	spop (v2sf);
	(v2sf) =	vpush v2, $0x7  }
0xe7: {  	s26 =	sadd.s32 $0x580, s0;
	s1 =	sadd.s32 s4, s1  }
0xe8: {  	[tilespmem:s26], [sflag:$0x1] =	stream.linear.gather [hbm4b:s1+s3], $0x80, $0x38;
	[tilespmem:$0x10600] =	vst v63  }
0xe9: {  	s1 =	sand.u32 $0x1FFFFFF0, s28  }
0xea: {  	s29 =	sadd.s32 $0x8580, s0;
	s1 =	sadd.s32 s15, s1  }
0xeb: {  	[tilespmem:s29], [sflag:$0x2] =	stream.linear.gather [hbm4b:s1+s3], $0x80, $0x38;
	[tilespmem:$0x10600] =	vst v63  }
0xec: {  	s1 =	sand.u32 $0x1FFFFFF0, s30;
	s10 =	spop (v2sf);
	(v2sf) =	vpush v1, $0x8  }
0xed: {  	s31 =	sadd.s32 $0x600, s0;
	s1 =	sadd.s32 s4, s1  }
0xee: {  	[tilespmem:s31], [sflag:$0x1] =	stream.linear.gather [hbm4b:s1+s3], $0x80, $0x38;
	[tilespmem:$0x10600] =	vst v63  }
0xef: {  	s1 =	sand.u32 $0x1FFFFFF0, s2  }
0xf0: {  	s5 =	sadd.s32 $0x8600, s0;
	s1 =	sadd.s32 s15, s1;
	s12 =	spop (v2sf);
	(v2sf) =	vpush v2, $0x8  }
0xf1: {  	[tilespmem:s5], [sflag:$0x2] =	stream.linear.gather [hbm4b:s1+s3], $0x80, $0x38;
	[tilespmem:$0x10600] =	vst v63  }
0xf2: {  	s1 =	sand.u32 $0x1FFFFFF0, s6;
	s14 =	spop (v2sf);
	(v2sf) =	vpush v1, $0x9  }
0xf3: {  	s7 =	sadd.s32 $0x680, s0;
	s1 =	sadd.s32 s4, s1  }
0xf4: {  	[tilespmem:s7], [sflag:$0x1] =	stream.linear.gather [hbm4b:s1+s3], $0x80, $0x38;
	[tilespmem:$0x10600] =	vst v63  }
0xf5: {  	s1 =	sand.u32 $0x1FFFFFF0, s8;
	s19 =	spop (v2sf);
	(v2sf) =	vpush v2, $0x9  }
0xf6: {  	s9 =	sadd.s32 $0x8680, s0;
	s1 =	sadd.s32 s15, s1  }
0xf7: {  	[tilespmem:s9], [sflag:$0x2] =	stream.linear.gather [hbm4b:s1+s3], $0x80, $0x38;
	[tilespmem:$0x10600] =	vst v63  }
0xf8: {  	s1 =	sand.u32 $0x1FFFFFF0, s10  }
0xf9: {  	s11 =	sadd.s32 $0x700, s0;
	s1 =	sadd.s32 s4, s1  }
0xfa: {  	[tilespmem:s11], [sflag:$0x1] =	stream.linear.gather [hbm4b:s1+s3], $0x80, $0x38;
	[tilespmem:$0x10600] =	vst v63  }
0xfb: {  	s1 =	sand.u32 $0x1FFFFFF0, s12;
	s21 =	spop (v2sf);
	(v2sf) =	vpush v1, $0xA  }
0xfc: {  	s13 =	sadd.s32 $0x8700, s0;
	s1 =	sadd.s32 s15, s1  }
0xfd: {  	[tilespmem:s13], [sflag:$0x2] =	stream.linear.gather [hbm4b:s1+s3], $0x80, $0x38;
	[tilespmem:$0x10600] =	vst v63  }
0xfe: {  	s1 =	sand.u32 $0x1FFFFFF0, s14  }
0xff: {  	s18 =	sadd.s32 $0x780, s0;
	s1 =	sadd.s32 s4, s1;
	s23 =	spop (v2sf);
	(v2sf) =	vpush v2, $0xA  }
0x100: {  	[tilespmem:s18], [sflag:$0x1] =	stream.linear.gather [hbm4b:s1+s3], $0x80, $0x38;
	[tilespmem:$0x10600] =	vst v63  }
0x101: {  	s1 =	sand.u32 $0x1FFFFFF0, s19;
	s25 =	spop (v2sf);
	(v2sf) =	vpush v1, $0xB  }
0x102: {  	s20 =	sadd.s32 $0x8780, s0;
	s1 =	sadd.s32 s15, s1  }
0x103: {  	[tilespmem:s20], [sflag:$0x2] =	stream.linear.gather [hbm4b:s1+s3], $0x80, $0x38;
	[tilespmem:$0x10600] =	vst v63  }
0x104: {  	s1 =	sand.u32 $0x1FFFFFF0, s21;
	s28 =	spop (v2sf);
	(v2sf) =	vpush v2, $0xB  }
0x105: {  	s22 =	sadd.s32 $0x800, s0;
	s1 =	sadd.s32 s4, s1  }
0x106: {  	[tilespmem:s22], [sflag:$0x1] =	stream.linear.gather [hbm4b:s1+s3], $0x80, $0x38;
	[tilespmem:$0x10600] =	vst v63  }
0x107: {  	s1 =	sand.u32 $0x1FFFFFF0, s23  }
0x108: {  	s24 =	sadd.s32 $0x8800, s0;
	s1 =	sadd.s32 s15, s1  }
0x109: {  	[tilespmem:s24], [sflag:$0x2] =	stream.linear.gather [hbm4b:s1+s3], $0x80, $0x38;
	[tilespmem:$0x10600] =	vst v63  }
0x10a: {  	s1 =	sand.u32 $0x1FFFFFF0, s25;
	s30 =	spop (v2sf);
	(v2sf) =	vpush v1, $0xC  }
0x10b: {  	s26 =	sadd.s32 $0x880, s0;
	s1 =	sadd.s32 s4, s1  }
0x10c: {  	[tilespmem:s26], [sflag:$0x1] =	stream.linear.gather [hbm4b:s1+s3], $0x80, $0x38;
	[tilespmem:$0x10600] =	vst v63  }
0x10d: {  	s1 =	sand.u32 $0x1FFFFFF0, s28  }
0x10e: {  	s29 =	sadd.s32 $0x8880, s0;
	s1 =	sadd.s32 s15, s1;
	s5 =	spop (v2sf);
	(v2sf) =	vpush v2, $0xC  }
0x10f: {  	[tilespmem:s29], [sflag:$0x2] =	stream.linear.gather [hbm4b:s1+s3], $0x80, $0x38;
	[tilespmem:$0x10600] =	vst v63  }
0x110: {  	s1 =	sand.u32 $0x1FFFFFF0, s30;
	s7 =	spop (v2sf);
	(v2sf) =	vpush v1, $0xD  }
0x111: {  	s31 =	sadd.s32 $0x900, s0;
	s1 =	sadd.s32 s4, s1  }
0x112: {  	[tilespmem:s31], [sflag:$0x1] =	stream.linear.gather [hbm4b:s1+s3], $0x80, $0x38;
	[tilespmem:$0x10600] =	vst v63  }
0x113: {  	s1 =	sand.u32 $0x1FFFFFF0, s5;
	s9 =	spop (v2sf);
	(v2sf) =	vpush v2, $0xD  }
0x114: {  	s6 =	sadd.s32 $0x8900, s0;
	s1 =	sadd.s32 s15, s1  }
0x115: {  	[tilespmem:s6], [sflag:$0x2] =	stream.linear.gather [hbm4b:s1+s3], $0x80, $0x38;
	[tilespmem:$0x10600] =	vst v63  }
0x116: {  	s1 =	sand.u32 $0x1FFFFFF0, s7  }
0x117: {  	s8 =	sadd.s32 $0x980, s0;
	s1 =	sadd.s32 s4, s1  }
0x118: {  	[tilespmem:s8], [sflag:$0x1] =	stream.linear.gather [hbm4b:s1+s3], $0x80, $0x38;
	[tilespmem:$0x10600] =	vst v63  }
0x119: {  	s1 =	sand.u32 $0x1FFFFFF0, s9;
	s11 =	spop (v2sf);
	(v2sf) =	vpush v1, $0xE  }
0x11a: {  	s10 =	sadd.s32 $0x8980, s0;
	s1 =	sadd.s32 s15, s1  }
0x11b: {  	[tilespmem:s10], [sflag:$0x2] =	stream.linear.gather [hbm4b:s1+s3], $0x80, $0x38;
	[tilespmem:$0x10600] =	vst v63  }
0x11c: {  	s1 =	sand.u32 $0x1FFFFFF0, s11  }
0x11d: {  	s12 =	sadd.s32 $0xA00, s0;
	s1 =	sadd.s32 s4, s1;
	s13 =	spop (v2sf);
	(v2sf) =	vpush v2, $0xE  }
0x11e: {  	[tilespmem:s12], [sflag:$0x1] =	stream.linear.gather [hbm4b:s1+s3], $0x80, $0x38;
	[tilespmem:$0x10600] =	vst v63  }
0x11f: {  	s1 =	sand.u32 $0x1FFFFFF0, s13;
	s18 =	spop (v2sf);
	(v2sf) =	vpush v1, $0xF  }
0x120: {  	s14 =	sadd.s32 $0x8A00, s0;
	s1 =	sadd.s32 s15, s1  }
0x121: {  	[tilespmem:s14], [sflag:$0x2] =	stream.linear.gather [hbm4b:s1+s3], $0x80, $0x38;
	[tilespmem:$0x10600] =	vst v63  }
0x122: {  	s1 =	sand.u32 $0x1FFFFFF0, s18;
	s20 =	spop (v2sf);
	(v2sf) =	vpush v2, $0xF  }
0x123: {  	s19 =	sadd.s32 $0xA80, s0;
	s1 =	sadd.s32 s4, s1  }
0x124: {  	[tilespmem:s19], [sflag:$0x1] =	stream.linear.gather [hbm4b:s1+s3], $0x80, $0x38;
	[tilespmem:$0x10600] =	vst v63  }
0x125: {  	s1 =	sand.u32 $0x1FFFFFF0, s20  }
0x126: {  	s21 =	sadd.s32 $0x8A80, s0;
	s1 =	sadd.s32 s15, s1  }
0x127: {  	[tilespmem:s21], [sflag:$0x2] =	stream.linear.gather [hbm4b:s1+s3], $0x80, $0x38;
	[tilespmem:$0x10600] =	vst v63  }
0x128: {  	s22 =	spop (v2sf)  }
0x129: {  	s1 =	sand.u32 $0x1FFFFFF0, s22  }
0x12a: {  	s23 =	sadd.s32 $0xB00, s0;
	s1 =	sadd.s32 s4, s1  }
0x12b: {  	[tilespmem:s23], [sflag:$0x1] =	stream.linear.gather [hbm4b:s1+s3], $0x80, $0x38;
	[tilespmem:$0x10600] =	vst v63  }
0x12c: {  	s24 =	spop (v2sf)  }
0x12d: {  	s1 =	sand.u32 $0x1FFFFFF0, s24  }
0x12e: {  	s25 =	sadd.s32 $0x8B00, s0;
	s26 =	spop (v2sf);
	s1 =	sadd.s32 s15, s1  }
0x12f: {  	[tilespmem:s25], [sflag:$0x2] =	stream.linear.gather [hbm4b:s1+s3], $0x80, $0x38;
	[tilespmem:$0x10600] =	vst v63  }
0x130: {  	s1 =	sand.u32 $0x1FFFFFF0, s26  }
0x131: {  	s28 =	sadd.s32 $0xB80, s0;
	s29 =	spop (v2sf);
	s1 =	sadd.s32 s4, s1  }
0x132: {  	[tilespmem:s28], [sflag:$0x1] =	stream.linear.gather [hbm4b:s1+s3], $0x80, $0x38;
	[tilespmem:$0x10600] =	vst v63  }
0x133: {  	s1 =	sand.u32 $0x1FFFFFF0, s29  }
0x134: {  	s0 =	sadd.s32 $0x8B80, s0;
	s30 =	simm.s32 $0x1;
	s1 =	sadd.s32 s15, s1  }
0x135: {  	[tilespmem:s0], [sflag:$0x2] =	stream.linear.gather [hbm4b:s1+s3], $0x80, $0x38;
	[tilespmem:$0x10600] =	vst v63  }
0x136: {  	_ =	swait.ge [sflag:s30], $0x8000  }
0x137: {  	[sflag:s30] =	ssyncset.done $0x0  }
0x138: {  	s31 =	simm.s32 $0x2;
	[sflag:s30] =	ssyncadd.s32 $0xFFFF8000  }
0x139: {  	_ =	swait.ge [sflag:s31], $0x8000  }
0x13a: {  	[sflag:s31] =	ssyncset.done $0x0  }
0x13b: {  	s2 =	simm.s32 $0x0;
	s0 =	simm.s32 $0x0;
	[sflag:s31] =	ssyncadd.s32 $0xFFFF8000  }
.LBB2_4:
0x13c: {  	s5 =	sshll.u32 s2, $0x4;
	v1 =	vmov s0  }
0x13d: {  	s1 =	simm.s32 $0x1;
	v2 =	vmov s5;
	v1 =	vand.u32 $0x7C, v1  }
0x13e: {  	v3 =	vmov s1;
	v2 =	vshll.u32 v2, $0x7;
	v4 =	vbroadcast v1, $0x0  }
0x13f: {  	s23 =	simm.s32 $0x2;
	v1 =	vor.u32 v0, v2;
	v2 =	vand.u32 $0x7D, v3  }
0x140: {  	v3 =	vmov s23;
	v2 =	vbroadcast v2, $0x0;
	v4 =	vor.u32 v1, v4  }
0x141: {  	s24 =	simm.s32 $0x3;
	v3 =	vand.u32 $0x7E, v3  }
0x142: {  	v5 =	vmov s24;
	v3 =	vbroadcast v3, $0x0;
	v6 =	vor.u32 v1, v2  }
0x143: {  	s25 =	simm.s32 $0x4;
	v2 =	vand.u32 $0x7F, v5  }
0x144: {  	v5 =	vmov s25;
	v2 =	vbroadcast v2, $0x0;
	v7 =	vor.u32 v1, v3  }
0x145: {  	s26 =	simm.s32 $0x5;
	v3 =	vand.u32 $0x7C, v5;
	v8 =	vld.idx.msk [tilespmem:v4+s16+$0x0], $0xffff  }
0x146: {  	v3 =	vbroadcast v3, $0x0;
	v11 =	vld.idx.msk [tilespmem:v4+s17+$0x0], $0xffff;
	v13 =	vor.u32 v1, v2;
	v4 =	vmov s26  }
0x147: {  	s28 =	simm.s32 $0x6;
	v4 =	vand.u32 $0x7D, v4;
	v2 =	vld.idx.msk [tilespmem:v6+s16+$0x0], $0xffff  }
0x148: {  	s29 =	simm.s32 $0x7;
	s6 =	simm.s32 $0x8;
	v9 =	vmov s28;
	v5 =	vor.u32 v1, v3;
	v6 =	vld.idx.msk [tilespmem:v6+s17+$0x0], $0xffff;
	v4 =	vbroadcast v4, $0x0  }
0x149: {  	v10 =	vmov s29;
	v14 =	vmov s6;
	v9 =	vand.u32 $0x7E, v9;
	v3 =	vld.idx.msk [tilespmem:v7+s16+$0x0], $0xffff  }
0x14a: {  	s30 =	simm.s32 $0x9;
	v16 =	vand.u32 $0x7F, v10;
	v15 =	vbroadcast v9, $0x0;
	v10 =	vld.idx.msk [tilespmem:v7+s17+$0x0], $0xffff;
	v9 =	vor.u32 v1, v4  }
0x14b: {  	v12 =	vimm.f32 $0.0e+00;
	v19 =	vmov s30;
	v18 =	vand.u32 $0x7C, v14;
	v4 =	vld.idx.msk [tilespmem:v13+s16+$0x0], $0xffff  }
0x14c: {  	s31 =	simm.s32 $0xA;
	v14 =	vbroadcast v16, $0x0;
	v7 =	vor.u32 v1, v15;
	v17 =	vmul.f32 v11, v8;
	v11 =	vld.idx.msk [tilespmem:v13+s17+$0x0], $0xffff  }
0x14d: {  	s7 =	simm.s32 $0xC;
	v16 =	vand.u32 $0x7D, v19;
	v15 =	vmov s31;
	v13 =	vbroadcast v18, $0x0;
	v8 =	vld.idx.msk [tilespmem:v5+s16+$0x0], $0xffff  }
.LBB2_5:
0x14e: {  	p0 =	sne.s32 s7, $0x3C;
	s1 =	sadd.s32 $0x3, s6;
	v18 =	vld.idx.msk [tilespmem:v5+s17+$0x0], $0xffff;
	v19 =	vor.u32 v1, v14;
	v12 =	vadd.f32 v17, v12;
	v14 =	vmul.f32 v6, v2;
	s6 =	smov.u32 s7  }
0x14f: {  	v16 =	vbroadcast v16, $0x0;
	v15 =	vand.u32 $0x7E, v15;
	v17 =	vmov s1;
	v2 =	vld.idx.msk [tilespmem:v9+s16+$0x0], $0xffff  }
0x150: {  	v5 =	vor.u32 v1, v13;
	v13 =	vmul.f32 v10, v3;
	v6 =	vld.idx.msk [tilespmem:v9+s17+$0x0], $0xffff;
	v12 =	vadd.f32 v14, v12  }
.Ltmp1:
0x151: {  	v15 =	vbroadcast v15, $0x0;
	v14 =	vmov s7;
	v17 =	vand.u32 $0x7F, v17;
	v3 =	vld.idx.msk [tilespmem:v7+s16+$0x0], $0xffff;
	(pc) =	sbr.rel @p0 .LBB2_5-.Ltmp1, $4  }
0x152: {  	s1 =	sadd.s32 $0x1, s7;
	v9 =	vor.u32 v1, v16;
	v10 =	vld.idx.msk [tilespmem:v7+s17+$0x0], $0xffff;
	v12 =	vadd.f32 v13, v12;
	v13 =	vmul.f32 v11, v4  }
0x153: {  	v20 =	vmov s1;
	v16 =	vand.u32 $0x7C, v14;
	v14 =	vbroadcast v17, $0x0;
	v4 =	vld.idx.msk [tilespmem:v19+s16+$0x0], $0xffff  }
0x154: {  	s1 =	sadd.s32 $0x2, s7;
	v7 =	vor.u32 v1, v15;
	v17 =	vmul.f32 v18, v8;
	v11 =	vld.idx.msk [tilespmem:v19+s17+$0x0], $0xffff;
	v12 =	vadd.f32 v13, v12  }
0x155: {  	s7 =	sadd.s32 $0x4, s7;
	v15 =	vmov s1;
	v13 =	vbroadcast v16, $0x0;
	v16 =	vand.u32 $0x7D, v20;
	v8 =	vld.idx.msk [tilespmem:v5+s16+$0x0], $0xffff  }
0x156: {  	_ =	sdelay $0x2  }
0x157: {  	v12 =	vadd.f32 v17, v12;
	v2 =	vmul.f32 v6, v2  }
0x158: {  	v5 =	vld.idx.msk [tilespmem:v5+s17+$0x0], $0xffff;
	v44 =	vor.u32 v1, v14  }
0x159: {  	v45 =	vld.idx.msk [tilespmem:v9+s16+$0x0], $0xffff;
	v3 =	vmul.f32 v10, v3;
	v2 =	vadd.f32 v2, v12  }
0x15a: {  	v46 =	vbroadcast v16, $0x0;
	v48 =	vld.idx.msk [tilespmem:v9+s17+$0x0], $0xffff;
	v47 =	vor.u32 v1, v13  }
0x15b: {  	s1 =	sadd.s32 $0x3, s6;
	v49 =	vand.u32 $0x7E, v15;
	v50 =	vld.idx.msk [tilespmem:v7+s16+$0x0], $0xffff;
	v2 =	vadd.f32 v3, v2;
	v3 =	vmul.f32 v11, v4  }
0x15c: {  	v53 =	vld.idx.msk [tilespmem:v7+s17+$0x0], $0xffff;
	v51 =	vmov s1;
	v52 =	vbroadcast v49, $0x0;
	v10 =	vor.u32 v1, v46  }
0x15d: {  	v4 =	vand.u32 $0x7F, v51;
	v54 =	vld.idx.msk [tilespmem:v44+s16+$0x0], $0xffff;
	v5 =	vmul.f32 v5, v8;
	v2 =	vadd.f32 v3, v2  }
0x15e: {  	v55 =	vor.u32 v1, v52;
	v6 =	vld.idx.msk [tilespmem:v44+s17+$0x0], $0xffff;
	v3 =	vbroadcast v4, $0x0  }
0x15f: {  	v57 =	vmul.f32 v48, v45;
	v56 =	vld.idx.msk [tilespmem:v47+s16+$0x0], $0xffff;
	v2 =	vadd.f32 v5, v2  }
0x160: {  	v58 =	vld.idx.msk [tilespmem:v47+s17+$0x0], $0xffff;
	v1 =	vor.u32 v1, v3  }
0x161: {  	v59 =	vmul.f32 v53, v50;
	v60 =	vld.idx.msk [tilespmem:v10+s17+$0x0], $0xffff;
	v2 =	vadd.f32 v57, v2  }
0x162: {  	v3 =	vld.idx.msk [tilespmem:v10+s16+$0x0], $0xffff  }
0x163: {  	v61 =	vld.idx.msk [tilespmem:v55+s16+$0x0], $0xffff;
	v62 =	vmul.f32 v6, v54;
	v2 =	vadd.f32 v59, v2  }
0x164: {  	v4 =	vld.idx.msk [tilespmem:v55+s17+$0x0], $0xffff  }
0x165: {  	v8 =	vmul.f32 v58, v56;
	v63 =	vld.idx.msk [tilespmem:v1+s16+$0x0], $0xffff;
	v2 =	vadd.f32 v62, v2  }
0x166: {  	v1 =	vld.idx.msk [tilespmem:v1+s17+$0x0], $0xffff  }
0x167: {  	v3 =	vmul.f32 v60, v3;
	v2 =	vadd.f32 v8, v2;
	_ =	sdelay $0x1  }
0x168: {  	s2 =	sadd.s32 $0x1, s2;
	v2 =	vadd.f32 v3, v2;
	v3 =	vmul.f32 v4, v61  }
0x169: {  	p0 =	sne.s32 s2, $0x10  }
.Ltmp2:
0x16a: {  	v1 =	vmul.f32 v1, v63;
	v2 =	vadd.f32 v3, v2;
	(pc) =	sbr.rel @p0 .LBB2_4-.Ltmp2, $3  }
0x16b: {  	_ = 	snop  }
0x16c: {  	v1 =	vadd.f32 v1, v2;
	_ =	sdelay $0x1  }
0x16d: {  	[tilespmem:s5+$0x10400] =	vst v1  }
0x16e: {  	s0 =	simm.s32 $0x0;
	s1 =	rddreg [dreg:$0x17]  }
0x16f: {  	[hbm4b:s1+s0] =	stream.linear.scatter [tilespmem:s16], [sflag:$0x3], $0x8000, $0x38;
	[tilespmem:$0x10600] =	vst v63  }
0x170: {  	s31 =	rddreg [dreg:$0x18];
	s2 =	simm.s32 $0x3  }
0x171: {  	[hbm4b:s31+s0] =	stream.linear.scatter [tilespmem:s17], [sflag:$0x4], $0x8000, $0x38;
	[tilespmem:$0x10600] =	vst v63  }
0x172: {  	_ =	swait.ge [sflag:s2], $0x8000  }
0x173: {  	[sflag:s2] =	ssyncset.done $0x0  }
0x174: {  	s5 =	simm.s32 $0x4;
	[sflag:s2] =	ssyncadd.s32 $0xFFFF8000  }
0x175: {  	_ =	swait.ge [sflag:s5], $0x8000  }
0x176: {  	[sflag:s5] =	ssyncset.done $0x0  }
0x177: {  	s6 =	simm.s32 $0x100;
	[sflag:s5] =	ssyncadd.s32 $0xFFFF8000  }
0x178: {  	s7 =	simm.s32 $0x300;
	v1 =	vld [tilespmem:s6+$0x0]  }
0x179: {  	v3 =	vld [tilespmem:s7+$0x0];
	_ =	sdelay $0x3  }
0x17a: {  	v2 =	vshll.u32 v1, $0x4  }
0x17b: {  	v1 =	vshll.u32 v3, $0x4;
	(v2sf) =	vpush v2, $0x0  }
0x17c: {  	(v2sf) =	vpush v1, $0x0  }
0x17d: {  	(v2sf) =	vpush v2, $0x1;
	_ =	sdelay $0x1  }
0x17e: {  	(v2sf) =	vpush v1, $0x1  }
0x17f: {  	(v2sf) =	vpush v2, $0x2;
	_ =	sdelay $0x1  }
0x180: {  	(v2sf) =	vpush v1, $0x2;
	_ =	sdelay $0x1  }
0x181: {  	(v2sf) =	vpush v2, $0x3;
	_ =	sdelay $0x2  }
0x182: {  	s9 =	simm.s32 $0x2000;
	s10 =	simm.s32 $0x8400;
	s13 =	simm.s32 $0x480  }
0x183: {  	s19 =	simm.s32 $0x8480;
	s21 =	simm.s32 $0x500;
	s24 =	simm.s32 $0x8500  }
0x184: {  	s29 =	simm.s32 $0x580;
	s28 =	simm.s32 $0x110;
	s0 =	simm.s32 $0x8A00  }
0x185: {  	s31 =	simm.s32 $0x8580;
	s2 =	simm.s32 $0xA00;
	s8 =	spop (v2sf);
	(v2sf) =	vpush v1, $0x3  }
0x186: {  	s6 =	simm.s32 $0x400;
	s1 =	sand.u32 $0x1FFFFFF0, s8;
	s7 =	spop (v2sf)  }
0x187: {  	(v2sf) =	vpush v2, $0x4;
	s1 =	sadd.s32 s4, s1;
	s11 =	sand.u32 $0x1FFFFFF0, s7;
	s12 =	spop (v2sf)  }
0x188: {  	(v2sf) =	vpush v1, $0x4;
	[tilespmem:s6], [sflag:$0x1] =	stream.linear.gather [hbm4b:s1+s3], $0x80, $0x38;
	[tilespmem:$0x10600] =	vst v63  }
0x189: {  	s5 =	simm.s32 $0x8900;
	s6 =	sadd.s32 s15, s11;
	s8 =	spop (v2sf)  }
0x18a: {  	s7 =	sand.u32 $0x1FFFFFF0, s12;
	s11 =	simm.s32 $0x600;
	s20 =	spop (v2sf)  }
0x18b: {  	(v2sf) =	vpush v2, $0x5;
	[tilespmem:s10], [sflag:$0x2] =	stream.linear.gather [hbm4b:s6+s3], $0x80, $0x38;
	[tilespmem:$0x10600] =	vst v63  }
0x18c: {  	s14 =	sadd.s32 s4, s7;
	s18 =	sand.u32 $0x1FFFFFF0, s8;
	s22 =	spop (v2sf)  }
0x18d: {  	(v2sf) =	vpush v1, $0x5;
	[tilespmem:s13], [sflag:$0x1] =	stream.linear.gather [hbm4b:s14+s3], $0x80, $0x38;
	[tilespmem:$0x10600] =	vst v63  }
0x18e: {  	s7 =	sadd.s32 s15, s18;
	s6 =	sand.u32 $0x1FFFFFF0, s20;
	s23 =	spop (v2sf)  }
0x18f: {  	(v2sf) =	vpush v2, $0x6;
	[tilespmem:s19], [sflag:$0x2] =	stream.linear.gather [hbm4b:s7+s3], $0x80, $0x38;
	[tilespmem:$0x10600] =	vst v63  }
0x190: {  	s6 =	sadd.s32 s4, s6;
	s26 =	sand.u32 $0x1FFFFFF0, s23;
	s7 =	sand.u32 $0x1FFFFFF0, s22  }
0x191: {  	(v2sf) =	vpush v1, $0x6;
	[tilespmem:s21], [sflag:$0x1] =	stream.linear.gather [hbm4b:s6+s3], $0x80, $0x38;
	[tilespmem:$0x10600] =	vst v63  }
0x192: {  	s14 =	simm.s32 $0x8600;
	s19 =	simm.s32 $0x680;
	s25 =	sadd.s32 s15, s7  }
0x193: {  	[tilespmem:s24], [sflag:$0x2] =	stream.linear.gather [hbm4b:s25+s3], $0x80, $0x38;
	[tilespmem:$0x10600] =	vst v63  }
0x194: {  	s22 =	simm.s32 $0x8680;
	s7 =	sadd.s32 s4, s26;
	s30 =	spop (v2sf)  }
0x195: {  	(v2sf) =	vpush v2, $0x7;
	[tilespmem:s29], [sflag:$0x1] =	stream.linear.gather [hbm4b:s7+s3], $0x80, $0x38;
	[tilespmem:$0x10600] =	vst v63  }
0x196: {  	s25 =	simm.s32 $0x700;
	s6 =	sand.u32 $0x1FFFFFF0, s30;
	s8 =	spop (v2sf)  }
0x197: {  	s6 =	sadd.s32 s15, s6;
	s7 =	sand.u32 $0x1FFFFFF0, s8;
	s10 =	spop (v2sf)  }
0x198: {  	(v2sf) =	vpush v1, $0x7;
	[tilespmem:s31], [sflag:$0x2] =	stream.linear.gather [hbm4b:s6+s3], $0x80, $0x38;
	[tilespmem:$0x10600] =	vst v63  }
0x199: {  	s29 =	simm.s32 $0x8700;
	(v2sf) =	vpush v2, $0x8;
	s12 =	sadd.s32 s4, s7;
	s13 =	sand.u32 $0x1FFFFFF0, s10  }
0x19a: {  	s18 =	spop (v2sf);
	s10 =	simm.s32 $0x8780;
	s7 =	sadd.s32 s15, s13  }
0x19b: {  	(v2sf) =	vpush v1, $0x8;
	[tilespmem:s11], [sflag:$0x1] =	stream.linear.gather [hbm4b:s12+s3], $0x80, $0x38;
	[tilespmem:$0x10600] =	vst v63  }
0x19c: {  	s6 =	sand.u32 $0x1FFFFFF0, s18;
	s20 =	spop (v2sf);
	s18 =	simm.s32 $0x8800  }
0x19d: {  	(v2sf) =	vpush v2, $0x9;
	[tilespmem:s14], [sflag:$0x2] =	stream.linear.gather [hbm4b:s7+s3], $0x80, $0x38;
	[tilespmem:$0x10600] =	vst v63  }
0x19e: {  	s6 =	sadd.s32 s4, s6;
	s21 =	spop (v2sf);
	s7 =	sand.u32 $0x1FFFFFF0, s20  }
0x19f: {  	(v2sf) =	vpush v1, $0x9;
	[tilespmem:s19], [sflag:$0x1] =	stream.linear.gather [hbm4b:s6+s3], $0x80, $0x38;
	[tilespmem:$0x10600] =	vst v63  }
0x1a0: {  	s24 =	sand.u32 $0x1FFFFFF0, s21;
	s26 =	spop (v2sf);
	s23 =	sadd.s32 s15, s7  }
0x1a1: {  	(v2sf) =	vpush v2, $0xA;
	[tilespmem:s22], [sflag:$0x2] =	stream.linear.gather [hbm4b:s23+s3], $0x80, $0x38;
	[tilespmem:$0x10600] =	vst v63  }
0x1a2: {  	s12 =	simm.s32 $0x800;
	s7 =	sadd.s32 s4, s24;
	s6 =	sand.u32 $0x1FFFFFF0, s26  }
0x1a3: {  	(v2sf) =	vpush v1, $0xA;
	[tilespmem:s25], [sflag:$0x1] =	stream.linear.gather [hbm4b:s7+s3], $0x80, $0x38;
	[tilespmem:$0x10600] =	vst v63  }
0x1a4: {  	s21 =	simm.s32 $0x880;
	s6 =	sadd.s32 s15, s6;
	s30 =	spop (v2sf)  }
0x1a5: {  	[tilespmem:s29], [sflag:$0x2] =	stream.linear.gather [hbm4b:s6+s3], $0x80, $0x38;
	[tilespmem:$0x10600] =	vst v63  }
0x1a6: {  	s26 =	simm.s32 $0x900;
	s23 =	simm.s32 $0x8880;
	s7 =	sand.u32 $0x1FFFFFF0, s30  }
0x1a7: {  	s6 =	simm.s32 $0x780;
	(v2sf) =	vpush v2, $0xB;
	s31 =	spop (v2sf);
	s7 =	sadd.s32 s4, s7  }
0x1a8: {  	s8 =	sand.u32 $0x1FFFFFF0, s31;
	s11 =	spop (v2sf);
	s31 =	simm.s32 $0x980  }
0x1a9: {  	(v2sf) =	vpush v1, $0xB;
	[tilespmem:s6], [sflag:$0x1] =	stream.linear.gather [hbm4b:s7+s3], $0x80, $0x38;
	[tilespmem:$0x10600] =	vst v63  }
0x1aa: {  	s7 =	sadd.s32 s15, s8;
	(v2sf) =	vpush v2, $0xC;
	s6 =	sand.u32 $0x1FFFFFF0, s11;
	s13 =	spop (v2sf)  }
0x1ab: {  	[tilespmem:s10], [sflag:$0x2] =	stream.linear.gather [hbm4b:s7+s3], $0x80, $0x38;
	[tilespmem:$0x10600] =	vst v63  }
0x1ac: {  	s6 =	sadd.s32 s4, s6;
	s14 =	spop (v2sf);
	(v2sf) =	vpush v1, $0xC;
	s7 =	sand.u32 $0x1FFFFFF0, s13  }
0x1ad: {  	(v2sf) =	vpush v2, $0xD;
	[tilespmem:s12], [sflag:$0x1] =	stream.linear.gather [hbm4b:s6+s3], $0x80, $0x38;
	[tilespmem:$0x10600] =	vst v63  }
0x1ae: {  	s20 =	sand.u32 $0x1FFFFFF0, s14;
	s22 =	spop (v2sf);
	s19 =	sadd.s32 s15, s7  }
0x1af: {  	(v2sf) =	vpush v1, $0xD;
	[tilespmem:s18], [sflag:$0x2] =	stream.linear.gather [hbm4b:s19+s3], $0x80, $0x38;
	[tilespmem:$0x10600] =	vst v63  }
0x1b0: {  	s7 =	sadd.s32 s4, s20;
	s24 =	spop (v2sf);
	s6 =	sand.u32 $0x1FFFFFF0, s22  }
0x1b1: {  	[tilespmem:s21], [sflag:$0x1] =	stream.linear.gather [hbm4b:s7+s3], $0x80, $0x38;
	[tilespmem:$0x10600] =	vst v63  }
0x1b2: {  	s25 =	spop (v2sf);
	s6 =	sadd.s32 s15, s6;
	s7 =	sand.u32 $0x1FFFFFF0, s24  }
0x1b3: {  	(v2sf) =	vpush v2, $0xE;
	[tilespmem:s23], [sflag:$0x2] =	stream.linear.gather [hbm4b:s6+s3], $0x80, $0x38;
	[tilespmem:$0x10600] =	vst v63  }
0x1b4: {  	s10 =	simm.s32 $0x8980;
	s30 =	sand.u32 $0x1FFFFFF0, s25;
	s29 =	sadd.s32 s4, s7  }
0x1b5: {  	[tilespmem:s26], [sflag:$0x1] =	stream.linear.gather [hbm4b:s29+s3], $0x80, $0x38;
	[tilespmem:$0x10600] =	vst v63  }
0x1b6: {  	s25 =	simm.s32 $0xA80;
	s7 =	sadd.s32 s15, s30;
	s8 =	spop (v2sf)  }
0x1b7: {  	[tilespmem:s5], [sflag:$0x2] =	stream.linear.gather [hbm4b:s7+s3], $0x80, $0x38;
	[tilespmem:$0x10600] =	vst v63  }
0x1b8: {  	s30 =	simm.s32 $0x8A80;
	s6 =	sand.u32 $0x1FFFFFF0, s8;
	s11 =	spop (v2sf)  }
0x1b9: {  	s6 =	sadd.s32 s4, s6;
	s7 =	sand.u32 $0x1FFFFFF0, s11;
	s12 =	spop (v2sf)  }
0x1ba: {  	[tilespmem:s31], [sflag:$0x1] =	stream.linear.gather [hbm4b:s6+s3], $0x80, $0x38;
	[tilespmem:$0x10600] =	vst v63  }
0x1bb: {  	s13 =	sadd.s32 s15, s7;
	s14 =	sand.u32 $0x1FFFFFF0, s12;
	s18 =	spop (v2sf)  }
0x1bc: {  	s19 =	sadd.s32 s4, s14;
	s20 =	sand.u32 $0x1FFFFFF0, s18;
	s21 =	spop (v2sf)  }
0x1bd: {  	[tilespmem:s10], [sflag:$0x2] =	stream.linear.gather [hbm4b:s13+s3], $0x80, $0x38;
	[tilespmem:$0x10600] =	vst v63  }
0x1be: {  	s22 =	sadd.s32 s15, s20;
	s23 =	sand.u32 $0x1FFFFFF0, s21;
	s24 =	spop (v2sf)  }
0x1bf: {  	[tilespmem:s2], [sflag:$0x1] =	stream.linear.gather [hbm4b:s19+s3], $0x80, $0x38;
	[tilespmem:$0x10600] =	vst v63  }
0x1c0: {  	s26 =	sadd.s32 s4, s23;
	s29 =	sand.u32 $0x1FFFFFF0, s24;
	s23 =	simm.s32 $0x0  }
0x1c1: {  	[tilespmem:s0], [sflag:$0x2] =	stream.linear.gather [hbm4b:s22+s3], $0x80, $0x38;
	[tilespmem:$0x10600] =	vst v63  }
0x1c2: {  	s5 =	spop (v2sf);
	s31 =	sadd.s32 s15, s29;
	s2 =	simm.s32 $0xB00  }
0x1c3: {  	(v2sf) =	vpush v1, $0xE;
	[tilespmem:s25], [sflag:$0x1] =	stream.linear.gather [hbm4b:s26+s3], $0x80, $0x38;
	[tilespmem:$0x10600] =	vst v63  }
0x1c4: {  	(v2sf) =	vpush v2, $0xF;
	v2 =	vld [tilespmem:s28+$0x0];
	s0 =	simm.s32 $0x8B00;
	s25 =	simm.s32 $0x310;
	s26 =	simm.s32 $0x4000  }
0x1c5: {  	(v2sf) =	vpush v1, $0xF;
	v3 =	vld [tilespmem:s25+$0x0];
	[tilespmem:s30], [sflag:$0x2] =	stream.linear.gather [hbm4b:s31+s3], $0x80, $0x38  }
.LBB2_8:
0x1c6: {  	_ =	sdelay $0x4  }
0x1c7: {  	s1 =	sand.u32 $0x1FFFFFF0, s5  }
0x1c8: {  	s8 =	sadd.s32 $0xB80, s23;
	s12 =	sadd.s32 $0x8B80, s23;
	s23 =	sshra.s32 s9, $0x2  }
0x1c9: {  	s1 =	sadd.s32 s4, s1;
	s14 =	sadd.s32 $0xA00, s23  }
0x1ca: {  	[tilespmem:s2], [sflag:$0x1] =	stream.linear.gather [hbm4b:s1+s3], $0x80, $0x38;
	[tilespmem:$0x10600] =	vst v63  }
0x1cb: {  	s18 =	sadd.s32 $0x8A00, s23;
	[dreg:$0x8] =	wrdreg s14  }
0x1cc: {  	p0 =	sne.s32 s26, $0x1E000;
	s19 =	sadd.s32 $0x8900, s23;
	[dreg:$0x6] =	wrdreg s18  }
0x1cd: {  	s28 =	sadd.s32 $0x10, s28;
	s20 =	sadd.s32 $0x980, s23;
	[dreg:$0xe] =	wrdreg s19  }
0x1ce: {  	s21 =	sadd.s32 $0x8980, s23;
	[dreg:$0xc] =	wrdreg s20;
	v2 =	vshll.u32 v2, $0x4;
	s31 =	spop (v2sf)  }
0x1cf: {  	s22 =	sadd.s32 $0x880, s23;
	[dreg:$0xa] =	wrdreg s21;
	v1 =	vshll.u32 v3, $0x4;
	s6 =	spop (v2sf);
	(v2sf) =	vpush v2, $0x0  }
0x1d0: {  	s24 =	sadd.s32 $0x8880, s23;
	[dreg:$0x14] =	wrdreg s22;
	s7 =	spop (v2sf);
	(v2sf) =	vpush v1, $0x0  }
0x1d1: {  	s25 =	sadd.s32 $0x10, s25;
	s29 =	sadd.s32 $0x900, s23;
	[dreg:$0x12] =	wrdreg s24;
	(v2sf) =	vpush v2, $0x1  }
0x1d2: {  	s9 =	sadd.s32 $0x780, s23;
	[dreg:$0x10] =	wrdreg s29;
	s21 =	sadd.s32 $0x8800, s23  }
0x1d3: {  	s20 =	sadd.s32 $0x8700, s23;
	s1 =	sadd.s32 $0x8600, s23;
	s19 =	sadd.s32 $0x8580, s23;
	(v2sf) =	vpush v1, $0x1  }
0x1d4: {  	s18 =	sadd.s32 $0x600, s23;
	s22 =	sadd.s32 $0x500, s23;
	s14 =	sadd.s32 $0x480, s23  }
0x1d5: {  	s29 =	smov.u32 s15;
	s2 =	simm.s32 $0x0;
	s5 =	sand.u32 $0x1FFFFFF0, s31;
	(v2sf) =	vpush v2, $0x2  }
0x1d6: {  	s31 =	sadd.s32 $0x8480, s23;
	s5 =	sadd.s32 s15, s5;
	s6 =	sand.u32 $0x1FFFFFF0, s6  }
0x1d7: {  	[tilespmem:s0], [sflag:$0x2] =	stream.linear.gather [hbm4b:s5+s3], $0x80, $0x38;
	(v2sf) =	vpush v1, $0x2;
	[tilespmem:$0x10600] =	vst v63  }
0x1d8: {  	s10 =	sadd.s32 s4, s6;
	s11 =	sand.u32 $0x1FFFFFF0, s7;
	s6 =	smov.u32 s26  }
0x1d9: {  	s7 =	sadd.s32 $0x800, s23;
	s5 =	sadd.s32 $0x680, s23;
	s0 =	sadd.s32 $0x8500, s23;
	(v2sf) =	vpush v2, $0x3  }
0x1da: {  	[tilespmem:s8], [sflag:$0x1] =	stream.linear.gather [hbm4b:s10+s3], $0x80, $0x38;
	[tilespmem:$0x10600] =	vst v63  }
0x1db: {  	s26 =	sadd.s32 $0x2000, s26;
	s13 =	sadd.s32 s15, s11;
	s11 =	sadd.s32 $0x700, s23;
	(v2sf) =	vpush v1, $0x3  }
0x1dc: {  	[tilespmem:s12], [sflag:$0x2] =	stream.linear.gather [hbm4b:s13+s3], $0x80, $0x38;
	[tilespmem:$0x10600] =	vst v63  }
0x1dd: {  	s8 =	sadd.s32 $0x8780, s23;
	s10 =	sadd.s32 $0x8400, s23;
	s12 =	sadd.s32 $0x8680, s23;
	(v2sf) =	vpush v2, $0x4  }
0x1de: {  	s13 =	sadd.s32 $0x580, s23;
	s3 =	sadd.s32 $0x400, s23;
	s30 =	spop (v2sf)  }
0x1df: {  	s15 =	sand.u32 $0x1FFFFFF0, s30;
	s30 =	smov.u32 s4;
	s24 =	spop (v2sf);
	(v2sf) =	vpush v1, $0x4  }
0x1e0: {  	s15 =	sadd.s32 s30, s15;
	s4 =	sand.u32 $0x1FFFFFF0, s24;
	s24 =	spop (v2sf)  }
0x1e1: {  	(v2sf) =	vpush v2, $0x5;
	[tilespmem:s3], [sflag:$0x1] =	stream.linear.gather [hbm4b:s15+s2], $0x80, $0x38;
	[tilespmem:$0x10600] =	vst v63  }
0x1e2: {  	s4 =	sadd.s32 s29, s4;
	s15 =	sand.u32 $0x1FFFFFF0, s24;
	s24 =	spop (v2sf);
	(v2sf) =	vpush v1, $0x5  }
0x1e3: {  	[tilespmem:s10], [sflag:$0x2] =	stream.linear.gather [hbm4b:s4+s2], $0x80, $0x38;
	[tilespmem:$0x10600] =	vst v63  }
0x1e4: {  	s4 =	sadd.s32 s30, s15;
	s10 =	sand.u32 $0x1FFFFFF0, s24;
	s24 =	spop (v2sf);
	(v2sf) =	vpush v2, $0x6  }
0x1e5: {  	[tilespmem:s14], [sflag:$0x1] =	stream.linear.gather [hbm4b:s4+s2], $0x80, $0x38;
	[tilespmem:$0x10600] =	vst v63  }
0x1e6: {  	s4 =	sadd.s32 s29, s10;
	s14 =	sand.u32 $0x1FFFFFF0, s24;
	s24 =	spop (v2sf);
	(v2sf) =	vpush v1, $0x6  }
0x1e7: {  	[tilespmem:s31], [sflag:$0x2] =	stream.linear.gather [hbm4b:s4+s2], $0x80, $0x38;
	[tilespmem:$0x10600] =	vst v63  }
0x1e8: {  	s10 =	sand.u32 $0x1FFFFFF0, s24;
	s4 =	sadd.s32 s30, s14;
	s14 =	spop (v2sf);
	(v2sf) =	vpush v2, $0x7  }
0x1e9: {  	[tilespmem:s22], [sflag:$0x1] =	stream.linear.gather [hbm4b:s4+s2], $0x80, $0x38;
	[tilespmem:$0x10600] =	vst v63  }
0x1ea: {  	s24 =	sand.u32 $0x1FFFFFF0, s14;
	s31 =	spop (v2sf);
	(v2sf) =	vpush v1, $0x7;
	s22 =	sadd.s32 s29, s10  }
0x1eb: {  	[tilespmem:s0], [sflag:$0x2] =	stream.linear.gather [hbm4b:s22+s2], $0x80, $0x38;
	[tilespmem:$0x10600] =	vst v63  }
0x1ec: {  	s4 =	sadd.s32 s30, s24;
	s10 =	sand.u32 $0x1FFFFFF0, s31;
	s14 =	spop (v2sf);
	(v2sf) =	vpush v2, $0x8  }
0x1ed: {  	[tilespmem:s13], [sflag:$0x1] =	stream.linear.gather [hbm4b:s4+s2], $0x80, $0x38;
	[tilespmem:$0x10600] =	vst v63  }
0x1ee: {  	s15 =	smov.u32 s29;
	s22 =	sadd.s32 s29, s10;
	s31 =	spop (v2sf)  }
0x1ef: {  	[tilespmem:s19], [sflag:$0x2] =	stream.linear.gather [hbm4b:s22+s2], $0x80, $0x38;
	[tilespmem:$0x10600] =	vst v63  }
0x1f0: {  	s24 =	sand.u32 $0x1FFFFFF0, s14;
	(v2sf) =	vpush v1, $0x8;
	s10 =	sand.u32 $0x1FFFFFF0, s31;
	s13 =	spop (v2sf)  }
0x1f1: {  	s3 =	sadd.s32 s30, s24;
	(v2sf) =	vpush v2, $0x9;
	s14 =	sadd.s32 s29, s10;
	s19 =	spop (v2sf)  }
0x1f2: {  	[tilespmem:s18], [sflag:$0x1] =	stream.linear.gather [hbm4b:s3+s2], $0x80, $0x38;
	[tilespmem:$0x10600] =	vst v63  }
0x1f3: {  	(v2sf) =	vpush v1, $0x9;
	s18 =	sand.u32 $0x1FFFFFF0, s13;
	s24 =	sand.u32 $0x1FFFFFF0, s19;
	s31 =	spop (v2sf)  }
0x1f4: {  	[tilespmem:s1], [sflag:$0x2] =	stream.linear.gather [hbm4b:s14+s2], $0x80, $0x38;
	[tilespmem:$0x10600] =	vst v63  }
0x1f5: {  	s3 =	simm.s32 $0x0;
	s22 =	sadd.s32 s30, s18;
	s13 =	spop (v2sf)  }
0x1f6: {  	(v2sf) =	vpush v2, $0xA;
	[tilespmem:s5], [sflag:$0x1] =	stream.linear.gather [hbm4b:s22+s2], $0x80, $0x38;
	[tilespmem:$0x10600] =	vst v63  }
0x1f7: {  	s10 =	sand.u32 $0x1FFFFFF0, s31;
	s5 =	sadd.s32 s29, s24;
	s19 =	spop (v2sf)  }
0x1f8: {  	(v2sf) =	vpush v1, $0xA;
	[tilespmem:s12], [sflag:$0x2] =	stream.linear.gather [hbm4b:s5+s3], $0x80, $0x38;
	[tilespmem:$0x10600] =	vst v63  }
0x1f9: {  	s14 =	sadd.s32 s30, s10;
	s18 =	sand.u32 $0x1FFFFFF0, s13;
	s31 =	spop (v2sf)  }
0x1fa: {  	(v2sf) =	vpush v2, $0xB;
	[tilespmem:s11], [sflag:$0x1] =	stream.linear.gather [hbm4b:s14+s3], $0x80, $0x38;
	[tilespmem:$0x10600] =	vst v63  }
0x1fb: {  	s22 =	sadd.s32 s29, s18;
	s24 =	sand.u32 $0x1FFFFFF0, s19;
	(v2sf) =	vpush v1, $0xB;
	s5 =	spop (v2sf)  }
0x1fc: {  	[tilespmem:s20], [sflag:$0x2] =	stream.linear.gather [hbm4b:s22+s3], $0x80, $0x38;
	[tilespmem:$0x10600] =	vst v63  }
0x1fd: {  	s1 =	sadd.s32 s30, s24;
	s2 =	sand.u32 $0x1FFFFFF0, s31;
	s10 =	sand.u32 $0x1FFFFFF0, s5  }
0x1fe: {  	[tilespmem:s9], [sflag:$0x1] =	stream.linear.gather [hbm4b:s1+s3], $0x80, $0x38;
	[tilespmem:$0x10600] =	vst v63  }
0x1ff: {  	(v2sf) =	vpush v2, $0xC;
	s31 =	rddreg [dreg:$0x14];
	s12 =	sadd.s32 s30, s10;
	s11 =	spop (v2sf)  }
0x200: {  	s9 =	smov.u32 s6;
	s6 =	sadd.s32 s29, s2;
	s14 =	spop (v2sf)  }
0x201: {  	[tilespmem:s8], [sflag:$0x2] =	stream.linear.gather [hbm4b:s6+s3], $0x80, $0x38;
	[tilespmem:$0x10600] =	vst v63  }
0x202: {  	s10 =	rddreg [dreg:$0x12];
	s13 =	sand.u32 $0x1FFFFFF0, s11;
	s20 =	spop (v2sf)  }
0x203: {  	(v2sf) =	vpush v1, $0xC;
	s18 =	sadd.s32 s29, s13;
	s19 =	sand.u32 $0x1FFFFFF0, s14;
	s22 =	sand.u32 $0x1FFFFFF0, s20  }
0x204: {  	[tilespmem:s7], [sflag:$0x1] =	stream.linear.gather [hbm4b:s12+s3], $0x80, $0x38;
	[tilespmem:$0x10600] =	vst v63  }
0x205: {  	(v2sf) =	vpush v2, $0xD;
	s14 =	rddreg [dreg:$0x10];
	s24 =	spop (v2sf);
	s6 =	sadd.s32 s29, s22  }
0x206: {  	[tilespmem:s21], [sflag:$0x2] =	stream.linear.gather [hbm4b:s18+s3], $0x80, $0x38;
	[tilespmem:$0x10600] =	vst v63  }
0x207: {  	(v2sf) =	vpush v1, $0xD;
	s7 =	sand.u32 $0x1FFFFFF0, s24;
	s21 =	sadd.s32 s30, s19;
	s8 =	spop (v2sf)  }
0x208: {  	[tilespmem:s31], [sflag:$0x1] =	stream.linear.gather [hbm4b:s21+s3], $0x80, $0x38;
	[tilespmem:$0x10600] =	vst v63  }
0x209: {  	s11 =	sadd.s32 s30, s7;
	s12 =	sand.u32 $0x1FFFFFF0, s8;
	s13 =	spop (v2sf)  }
0x20a: {  	s18 =	sadd.s32 s29, s12;
	s19 =	sand.u32 $0x1FFFFFF0, s13;
	s20 =	spop (v2sf)  }
0x20b: {  	[tilespmem:s10], [sflag:$0x2] =	stream.linear.gather [hbm4b:s6+s3], $0x80, $0x38;
	[tilespmem:$0x10600] =	vst v63  }
0x20c: {  	s21 =	rddreg [dreg:$0xe];
	s22 =	sadd.s32 s30, s19;
	s24 =	sand.u32 $0x1FFFFFF0, s20  }
0x20d: {  	(v2sf) =	vpush v2, $0xE;
	[tilespmem:s14], [sflag:$0x1] =	stream.linear.gather [hbm4b:s11+s3], $0x80, $0x38;
	[tilespmem:$0x10600] =	vst v63  }
0x20e: {  	s31 =	spop (v2sf);
	s6 =	rddreg [dreg:$0xc];
	s7 =	sadd.s32 s29, s24  }
0x20f: {  	[tilespmem:s21], [sflag:$0x2] =	stream.linear.gather [hbm4b:s18+s3], $0x80, $0x38;
	[tilespmem:$0x10600] =	vst v63  }
0x210: {  	s8 =	sand.u32 $0x1FFFFFF0, s31;
	s24 =	sadd.s32 $0xA80, s23;
	s11 =	rddreg [dreg:$0xa]  }
0x211: {  	[tilespmem:s6], [sflag:$0x1] =	stream.linear.gather [hbm4b:s22+s3], $0x80, $0x38;
	[tilespmem:$0x10600] =	vst v63  }
0x212: {  	s12 =	sadd.s32 s30, s8;
	s18 =	rddreg [dreg:$0x8];
	s10 =	spop (v2sf)  }
0x213: {  	[tilespmem:s11], [sflag:$0x2] =	stream.linear.gather [hbm4b:s7+s3], $0x80, $0x38;
	[tilespmem:$0x10600] =	vst v63  }
0x214: {  	s13 =	sand.u32 $0x1FFFFFF0, s10;
	s14 =	spop (v2sf);
	s22 =	rddreg [dreg:$0x6]  }
0x215: {  	[tilespmem:s18], [sflag:$0x1] =	stream.linear.gather [hbm4b:s12+s3], $0x80, $0x38;
	[tilespmem:$0x10600] =	vst v63  }
0x216: {  	s19 =	sadd.s32 s29, s13;
	s20 =	sand.u32 $0x1FFFFFF0, s14;
	s21 =	spop (v2sf)  }
0x217: {  	[tilespmem:s22], [sflag:$0x2] =	stream.linear.gather [hbm4b:s19+s3], $0x80, $0x38;
	[tilespmem:$0x10600] =	vst v63  }
.Ltmp3:
0x218: {  	s1 =	sadd.s32 s30, s20;
	s2 =	sand.u32 $0x1FFFFFF0, s21;
	(pc) =	sbr.rel @p0 .LBB2_8-.Ltmp3, $4  }
0x219: {  	(v2sf) =	vpush v1, $0xE;
	[tilespmem:s24], [sflag:$0x1] =	stream.linear.gather [hbm4b:s1+s3], $0x80, $0x38;
	[tilespmem:$0x10600] =	vst v63  }
0x21a: {  	s0 =	sadd.s32 $0x8B00, s23;
	(v2sf) =	vpush v2, $0xF;
	s31 =	sadd.s32 $0x8A80, s23;
	s2 =	sadd.s32 s29, s2;
	v2 =	vld [tilespmem:s28+$0x0]  }
0x21b: {  	v3 =	vld [tilespmem:s25+$0x0];
	[tilespmem:s31], [sflag:$0x2] =	stream.linear.gather [hbm4b:s2+s3], $0x80, $0x38  }
0x21c: {  	s4 =	smov.u32 s30;
	(v2sf) =	vpush v1, $0xF;
	s5 =	spop (v2sf);
	s2 =	sadd.s32 $0xB00, s23  }
0x21d: {  	_ =	sdelay $0x5  }
0x21e: {  	v1 =	vshll.u32 v2, $0x4  }
0x21f: {  	(v2sf) =	vpush v1, $0x0  }
0x220: {  	s1 =	sand.u32 $0x1FFFFFF0, s5  }
0x221: {  	s1 =	sadd.s32 s4, s1  }
0x222: {  	[tilespmem:s2], [sflag:$0x1] =	stream.linear.gather [hbm4b:s1+s3], $0x80, $0x38;
	v2 =	vshll.u32 v3, $0x4;
	[tilespmem:$0x10600] =	vst v63  }
0x223: {  	s2 =	spop (v2sf);
	(v2sf) =	vpush v2, $0x0;
	_ =	sdelay $0x1  }
0x224: {  	s5 =	spop (v2sf);
	(v2sf) =	vpush v1, $0x1;
	_ =	sdelay $0x2  }
0x225: {  	s7 =	spop (v2sf);
	(v2sf) =	vpush v2, $0x1;
	_ =	sdelay $0x5  }
0x226: {  	s10 =	spop (v2sf);
	(v2sf) =	vpush v1, $0x2;
	_ =	sdelay $0x3  }
0x227: {  	s12 =	spop (v2sf);
	(v2sf) =	vpush v2, $0x2;
	_ =	sdelay $0x1  }
0x228: {  	s14 =	spop (v2sf);
	(v2sf) =	vpush v1, $0x3;
	_ =	sdelay $0x2  }
0x229: {  	s19 =	spop (v2sf);
	(v2sf) =	vpush v2, $0x3;
	_ =	sdelay $0x2  }
0x22a: {  	s1 =	sand.u32 $0x1FFFFFF0, s2  }
0x22b: {  	s1 =	sadd.s32 s15, s1  }
0x22c: {  	[tilespmem:s0], [sflag:$0x2] =	stream.linear.gather [hbm4b:s1+s3], $0x80, $0x38;
	[tilespmem:$0x10600] =	vst v63  }
0x22d: {  	s0 =	sand.u32 $0x1FFFFFF0, s5;
	s21 =	spop (v2sf);
	(v2sf) =	vpush v1, $0x4  }
0x22e: {  	s6 =	sadd.s32 $0xB80, s23;
	s0 =	sadd.s32 s4, s0  }
0x22f: {  	[tilespmem:s6], [sflag:$0x1] =	stream.linear.gather [hbm4b:s0+s3], $0x80, $0x38;
	[tilespmem:$0x10600] =	vst v63  }
0x230: {  	s0 =	sand.u32 $0x1FFFFFF0, s7  }
0x231: {  	s8 =	sadd.s32 $0x8B80, s23;
	s0 =	sadd.s32 s15, s0;
	s23 =	spop (v2sf);
	(v2sf) =	vpush v2, $0x4  }
0x232: {  	[tilespmem:s8], [sflag:$0x2] =	stream.linear.gather [hbm4b:s0+s3], $0x80, $0x38;
	[tilespmem:$0x10600] =	vst v63  }
0x233: {  	s0 =	sshra.s32 s9, $0x2;
	s1 =	sand.u32 $0x1FFFFFF0, s10;
	s25 =	spop (v2sf);
	(v2sf) =	vpush v1, $0x5  }
0x234: {  	s11 =	sadd.s32 $0x400, s0;
	s1 =	sadd.s32 s4, s1  }
0x235: {  	[tilespmem:s11], [sflag:$0x1] =	stream.linear.gather [hbm4b:s1+s3], $0x80, $0x38;
	[tilespmem:$0x10600] =	vst v63  }
0x236: {  	s1 =	sand.u32 $0x1FFFFFF0, s12;
	s28 =	spop (v2sf);
	(v2sf) =	vpush v2, $0x5  }
0x237: {  	s13 =	sadd.s32 $0x8400, s0;
	s1 =	sadd.s32 s15, s1  }
0x238: {  	[tilespmem:s13], [sflag:$0x2] =	stream.linear.gather [hbm4b:s1+s3], $0x80, $0x38;
	[tilespmem:$0x10600] =	vst v63  }
0x239: {  	s1 =	sand.u32 $0x1FFFFFF0, s14  }
0x23a: {  	s18 =	sadd.s32 $0x480, s0;
	s1 =	sadd.s32 s4, s1  }
0x23b: {  	[tilespmem:s18], [sflag:$0x1] =	stream.linear.gather [hbm4b:s1+s3], $0x80, $0x38;
	[tilespmem:$0x10600] =	vst v63  }
0x23c: {  	s1 =	sand.u32 $0x1FFFFFF0, s19;
	s30 =	spop (v2sf);
	(v2sf) =	vpush v1, $0x6  }
0x23d: {  	s20 =	sadd.s32 $0x8480, s0;
	s1 =	sadd.s32 s15, s1  }
0x23e: {  	[tilespmem:s20], [sflag:$0x2] =	stream.linear.gather [hbm4b:s1+s3], $0x80, $0x38;
	[tilespmem:$0x10600] =	vst v63  }
0x23f: {  	s1 =	sand.u32 $0x1FFFFFF0, s21  }
0x240: {  	s22 =	sadd.s32 $0x500, s0;
	s1 =	sadd.s32 s4, s1;
	s2 =	spop (v2sf);
	(v2sf) =	vpush v2, $0x6  }
0x241: {  	[tilespmem:s22], [sflag:$0x1] =	stream.linear.gather [hbm4b:s1+s3], $0x80, $0x38;
	[tilespmem:$0x10600] =	vst v63  }
0x242: {  	s1 =	sand.u32 $0x1FFFFFF0, s23;
	s6 =	spop (v2sf);
	(v2sf) =	vpush v1, $0x7  }
0x243: {  	s24 =	sadd.s32 $0x8500, s0;
	s1 =	sadd.s32 s15, s1  }
0x244: {  	[tilespmem:s24], [sflag:$0x2] =	stream.linear.gather [hbm4b:s1+s3], $0x80, $0x38;
	[tilespmem:$0x10600] =	vst v63  }
0x245: {  	s1 =	sand.u32 $0x1FFFFFF0, s25;
	s8 =	spop (v2sf);
	(v2sf) =	vpush v2, $0x7  }
0x246: {  	s26 =	sadd.s32 $0x580, s0;
	s1 =	sadd.s32 s4, s1  }
0x247: {  	[tilespmem:s26], [sflag:$0x1] =	stream.linear.gather [hbm4b:s1+s3], $0x80, $0x38;
	[tilespmem:$0x10600] =	vst v63  }
0x248: {  	s1 =	sand.u32 $0x1FFFFFF0, s28  }
0x249: {  	s29 =	sadd.s32 $0x8580, s0;
	s1 =	sadd.s32 s15, s1  }
0x24a: {  	[tilespmem:s29], [sflag:$0x2] =	stream.linear.gather [hbm4b:s1+s3], $0x80, $0x38;
	[tilespmem:$0x10600] =	vst v63  }
0x24b: {  	s1 =	sand.u32 $0x1FFFFFF0, s30;
	s10 =	spop (v2sf);
	(v2sf) =	vpush v1, $0x8  }
0x24c: {  	s31 =	sadd.s32 $0x600, s0;
	s1 =	sadd.s32 s4, s1  }
0x24d: {  	[tilespmem:s31], [sflag:$0x1] =	stream.linear.gather [hbm4b:s1+s3], $0x80, $0x38;
	[tilespmem:$0x10600] =	vst v63  }
0x24e: {  	s1 =	sand.u32 $0x1FFFFFF0, s2  }
0x24f: {  	s5 =	sadd.s32 $0x8600, s0;
	s1 =	sadd.s32 s15, s1;
	s12 =	spop (v2sf);
	(v2sf) =	vpush v2, $0x8  }
0x250: {  	[tilespmem:s5], [sflag:$0x2] =	stream.linear.gather [hbm4b:s1+s3], $0x80, $0x38;
	[tilespmem:$0x10600] =	vst v63  }
0x251: {  	s1 =	sand.u32 $0x1FFFFFF0, s6;
	s14 =	spop (v2sf);
	(v2sf) =	vpush v1, $0x9  }
0x252: {  	s7 =	sadd.s32 $0x680, s0;
	s1 =	sadd.s32 s4, s1  }
0x253: {  	[tilespmem:s7], [sflag:$0x1] =	stream.linear.gather [hbm4b:s1+s3], $0x80, $0x38;
	[tilespmem:$0x10600] =	vst v63  }
0x254: {  	s1 =	sand.u32 $0x1FFFFFF0, s8;
	s19 =	spop (v2sf);
	(v2sf) =	vpush v2, $0x9  }
0x255: {  	s9 =	sadd.s32 $0x8680, s0;
	s1 =	sadd.s32 s15, s1  }
0x256: {  	[tilespmem:s9], [sflag:$0x2] =	stream.linear.gather [hbm4b:s1+s3], $0x80, $0x38;
	[tilespmem:$0x10600] =	vst v63  }
0x257: {  	s1 =	sand.u32 $0x1FFFFFF0, s10  }
0x258: {  	s11 =	sadd.s32 $0x700, s0;
	s1 =	sadd.s32 s4, s1  }
0x259: {  	[tilespmem:s11], [sflag:$0x1] =	stream.linear.gather [hbm4b:s1+s3], $0x80, $0x38;
	[tilespmem:$0x10600] =	vst v63  }
0x25a: {  	s1 =	sand.u32 $0x1FFFFFF0, s12;
	s21 =	spop (v2sf);
	(v2sf) =	vpush v1, $0xA  }
0x25b: {  	s13 =	sadd.s32 $0x8700, s0;
	s1 =	sadd.s32 s15, s1  }
0x25c: {  	[tilespmem:s13], [sflag:$0x2] =	stream.linear.gather [hbm4b:s1+s3], $0x80, $0x38;
	[tilespmem:$0x10600] =	vst v63  }
0x25d: {  	s1 =	sand.u32 $0x1FFFFFF0, s14  }
0x25e: {  	s18 =	sadd.s32 $0x780, s0;
	s1 =	sadd.s32 s4, s1;
	s23 =	spop (v2sf);
	(v2sf) =	vpush v2, $0xA  }
0x25f: {  	[tilespmem:s18], [sflag:$0x1] =	stream.linear.gather [hbm4b:s1+s3], $0x80, $0x38;
	[tilespmem:$0x10600] =	vst v63  }
0x260: {  	s1 =	sand.u32 $0x1FFFFFF0, s19;
	s25 =	spop (v2sf);
	(v2sf) =	vpush v1, $0xB  }
0x261: {  	s20 =	sadd.s32 $0x8780, s0;
	s1 =	sadd.s32 s15, s1  }
0x262: {  	[tilespmem:s20], [sflag:$0x2] =	stream.linear.gather [hbm4b:s1+s3], $0x80, $0x38;
	[tilespmem:$0x10600] =	vst v63  }
0x263: {  	s1 =	sand.u32 $0x1FFFFFF0, s21;
	s28 =	spop (v2sf);
	(v2sf) =	vpush v2, $0xB  }
0x264: {  	s22 =	sadd.s32 $0x800, s0;
	s1 =	sadd.s32 s4, s1  }
0x265: {  	[tilespmem:s22], [sflag:$0x1] =	stream.linear.gather [hbm4b:s1+s3], $0x80, $0x38;
	[tilespmem:$0x10600] =	vst v63  }
0x266: {  	s1 =	sand.u32 $0x1FFFFFF0, s23  }
0x267: {  	s24 =	sadd.s32 $0x8800, s0;
	s1 =	sadd.s32 s15, s1  }
0x268: {  	[tilespmem:s24], [sflag:$0x2] =	stream.linear.gather [hbm4b:s1+s3], $0x80, $0x38;
	[tilespmem:$0x10600] =	vst v63  }
0x269: {  	s1 =	sand.u32 $0x1FFFFFF0, s25;
	s30 =	spop (v2sf);
	(v2sf) =	vpush v1, $0xC  }
0x26a: {  	s26 =	sadd.s32 $0x880, s0;
	s1 =	sadd.s32 s4, s1  }
0x26b: {  	[tilespmem:s26], [sflag:$0x1] =	stream.linear.gather [hbm4b:s1+s3], $0x80, $0x38;
	[tilespmem:$0x10600] =	vst v63  }
0x26c: {  	s1 =	sand.u32 $0x1FFFFFF0, s28  }
0x26d: {  	s29 =	sadd.s32 $0x8880, s0;
	s1 =	sadd.s32 s15, s1;
	s5 =	spop (v2sf);
	(v2sf) =	vpush v2, $0xC  }
0x26e: {  	[tilespmem:s29], [sflag:$0x2] =	stream.linear.gather [hbm4b:s1+s3], $0x80, $0x38;
	[tilespmem:$0x10600] =	vst v63  }
0x26f: {  	s1 =	sand.u32 $0x1FFFFFF0, s30;
	s7 =	spop (v2sf);
	(v2sf) =	vpush v1, $0xD  }
0x270: {  	s31 =	sadd.s32 $0x900, s0;
	s1 =	sadd.s32 s4, s1  }
0x271: {  	[tilespmem:s31], [sflag:$0x1] =	stream.linear.gather [hbm4b:s1+s3], $0x80, $0x38;
	[tilespmem:$0x10600] =	vst v63  }
0x272: {  	s1 =	sand.u32 $0x1FFFFFF0, s5;
	s9 =	spop (v2sf);
	(v2sf) =	vpush v2, $0xD  }
0x273: {  	s6 =	sadd.s32 $0x8900, s0;
	s1 =	sadd.s32 s15, s1  }
0x274: {  	[tilespmem:s6], [sflag:$0x2] =	stream.linear.gather [hbm4b:s1+s3], $0x80, $0x38;
	[tilespmem:$0x10600] =	vst v63  }
0x275: {  	s1 =	sand.u32 $0x1FFFFFF0, s7  }
0x276: {  	s8 =	sadd.s32 $0x980, s0;
	s1 =	sadd.s32 s4, s1  }
0x277: {  	[tilespmem:s8], [sflag:$0x1] =	stream.linear.gather [hbm4b:s1+s3], $0x80, $0x38;
	[tilespmem:$0x10600] =	vst v63  }
0x278: {  	s1 =	sand.u32 $0x1FFFFFF0, s9;
	s11 =	spop (v2sf);
	(v2sf) =	vpush v1, $0xE  }
0x279: {  	s10 =	sadd.s32 $0x8980, s0;
	s1 =	sadd.s32 s15, s1  }
0x27a: {  	[tilespmem:s10], [sflag:$0x2] =	stream.linear.gather [hbm4b:s1+s3], $0x80, $0x38;
	[tilespmem:$0x10600] =	vst v63  }
0x27b: {  	s1 =	sand.u32 $0x1FFFFFF0, s11  }
0x27c: {  	s12 =	sadd.s32 $0xA00, s0;
	s1 =	sadd.s32 s4, s1;
	s13 =	spop (v2sf);
	(v2sf) =	vpush v2, $0xE  }
0x27d: {  	[tilespmem:s12], [sflag:$0x1] =	stream.linear.gather [hbm4b:s1+s3], $0x80, $0x38;
	[tilespmem:$0x10600] =	vst v63  }
0x27e: {  	s1 =	sand.u32 $0x1FFFFFF0, s13;
	s18 =	spop (v2sf);
	(v2sf) =	vpush v1, $0xF  }
0x27f: {  	s14 =	sadd.s32 $0x8A00, s0;
	s1 =	sadd.s32 s15, s1  }
0x280: {  	[tilespmem:s14], [sflag:$0x2] =	stream.linear.gather [hbm4b:s1+s3], $0x80, $0x38;
	[tilespmem:$0x10600] =	vst v63  }
0x281: {  	s1 =	sand.u32 $0x1FFFFFF0, s18;
	s20 =	spop (v2sf);
	(v2sf) =	vpush v2, $0xF  }
0x282: {  	s19 =	sadd.s32 $0xA80, s0;
	s1 =	sadd.s32 s4, s1  }
0x283: {  	[tilespmem:s19], [sflag:$0x1] =	stream.linear.gather [hbm4b:s1+s3], $0x80, $0x38;
	[tilespmem:$0x10600] =	vst v63  }
0x284: {  	s1 =	sand.u32 $0x1FFFFFF0, s20  }
0x285: {  	s21 =	sadd.s32 $0x8A80, s0;
	s1 =	sadd.s32 s15, s1  }
0x286: {  	[tilespmem:s21], [sflag:$0x2] =	stream.linear.gather [hbm4b:s1+s3], $0x80, $0x38;
	[tilespmem:$0x10600] =	vst v63  }
0x287: {  	s22 =	spop (v2sf)  }
0x288: {  	s1 =	sand.u32 $0x1FFFFFF0, s22  }
0x289: {  	s23 =	sadd.s32 $0xB00, s0;
	s1 =	sadd.s32 s4, s1  }
0x28a: {  	[tilespmem:s23], [sflag:$0x1] =	stream.linear.gather [hbm4b:s1+s3], $0x80, $0x38;
	[tilespmem:$0x10600] =	vst v63  }
0x28b: {  	s24 =	spop (v2sf)  }
0x28c: {  	s1 =	sand.u32 $0x1FFFFFF0, s24  }
0x28d: {  	s25 =	sadd.s32 $0x8B00, s0;
	s26 =	spop (v2sf);
	s1 =	sadd.s32 s15, s1  }
0x28e: {  	[tilespmem:s25], [sflag:$0x2] =	stream.linear.gather [hbm4b:s1+s3], $0x80, $0x38;
	[tilespmem:$0x10600] =	vst v63  }
0x28f: {  	s1 =	sand.u32 $0x1FFFFFF0, s26  }
0x290: {  	s28 =	sadd.s32 $0xB80, s0;
	s29 =	spop (v2sf);
	s1 =	sadd.s32 s4, s1  }
0x291: {  	[tilespmem:s28], [sflag:$0x1] =	stream.linear.gather [hbm4b:s1+s3], $0x80, $0x38;
	[tilespmem:$0x10600] =	vst v63  }
0x292: {  	s1 =	sand.u32 $0x1FFFFFF0, s29  }
0x293: {  	s0 =	sadd.s32 $0x8B80, s0;
	s30 =	simm.s32 $0x1;
	s1 =	sadd.s32 s15, s1  }
0x294: {  	[tilespmem:s0], [sflag:$0x2] =	stream.linear.gather [hbm4b:s1+s3], $0x80, $0x38;
	[tilespmem:$0x10600] =	vst v63  }
0x295: {  	_ =	swait.ge [sflag:s30], $0x8000  }
0x296: {  	[sflag:s30] =	ssyncset.done $0x0  }
0x297: {  	s31 =	simm.s32 $0x2;
	[sflag:s30] =	ssyncadd.s32 $0xFFFF8000  }
0x298: {  	_ =	swait.ge [sflag:s31], $0x8000  }
0x299: {  	[sflag:s31] =	ssyncset.done $0x0  }
0x29a: {  	s2 =	simm.s32 $0x0;
	s0 =	simm.s32 $0x0;
	[sflag:s31] =	ssyncadd.s32 $0xFFFF8000  }
.LBB2_10:
0x29b: {  	s5 =	sshll.u32 s2, $0x4;
	v1 =	vmov s0  }
0x29c: {  	s1 =	simm.s32 $0x1;
	v2 =	vmov s5;
	v1 =	vand.u32 $0x7C, v1  }
0x29d: {  	v3 =	vmov s1;
	v2 =	vshll.u32 v2, $0x7;
	v4 =	vbroadcast v1, $0x0  }
0x29e: {  	s23 =	simm.s32 $0x2;
	v1 =	vor.u32 v0, v2;
	v2 =	vand.u32 $0x7D, v3  }
0x29f: {  	v3 =	vmov s23;
	v2 =	vbroadcast v2, $0x0;
	v4 =	vor.u32 v1, v4  }
0x2a0: {  	s24 =	simm.s32 $0x3;
	v3 =	vand.u32 $0x7E, v3  }
0x2a1: {  	v5 =	vmov s24;
	v3 =	vbroadcast v3, $0x0;
	v6 =	vor.u32 v1, v2  }
0x2a2: {  	s25 =	simm.s32 $0x4;
	v2 =	vand.u32 $0x7F, v5  }
0x2a3: {  	v5 =	vmov s25;
	v2 =	vbroadcast v2, $0x0;
	v7 =	vor.u32 v1, v3  }
0x2a4: {  	s26 =	simm.s32 $0x5;
	v3 =	vand.u32 $0x7C, v5;
	v8 =	vld.idx.msk [tilespmem:v4+s16+$0x0], $0xffff  }
0x2a5: {  	v3 =	vbroadcast v3, $0x0;
	v11 =	vld.idx.msk [tilespmem:v4+s17+$0x0], $0xffff;
	v13 =	vor.u32 v1, v2;
	v4 =	vmov s26  }
0x2a6: {  	s28 =	simm.s32 $0x6;
	v4 =	vand.u32 $0x7D, v4;
	v2 =	vld.idx.msk [tilespmem:v6+s16+$0x0], $0xffff  }
0x2a7: {  	s29 =	simm.s32 $0x7;
	s6 =	simm.s32 $0x8;
	v9 =	vmov s28;
	v5 =	vor.u32 v1, v3;
	v6 =	vld.idx.msk [tilespmem:v6+s17+$0x0], $0xffff;
	v4 =	vbroadcast v4, $0x0  }
0x2a8: {  	v10 =	vmov s29;
	v14 =	vmov s6;
	v9 =	vand.u32 $0x7E, v9;
	v3 =	vld.idx.msk [tilespmem:v7+s16+$0x0], $0xffff  }
0x2a9: {  	s30 =	simm.s32 $0x9;
	v16 =	vand.u32 $0x7F, v10;
	v15 =	vbroadcast v9, $0x0;
	v10 =	vld.idx.msk [tilespmem:v7+s17+$0x0], $0xffff;
	v9 =	vor.u32 v1, v4  }
0x2aa: {  	v12 =	vimm.f32 $0.0e+00;
	v19 =	vmov s30;
	v18 =	vand.u32 $0x7C, v14;
	v4 =	vld.idx.msk [tilespmem:v13+s16+$0x0], $0xffff  }
0x2ab: {  	s31 =	simm.s32 $0xA;
	v14 =	vbroadcast v16, $0x0;
	v7 =	vor.u32 v1, v15;
	v17 =	vmul.f32 v11, v8;
	v11 =	vld.idx.msk [tilespmem:v13+s17+$0x0], $0xffff  }
0x2ac: {  	s7 =	simm.s32 $0xC;
	v16 =	vand.u32 $0x7D, v19;
	v15 =	vmov s31;
	v13 =	vbroadcast v18, $0x0;
	v8 =	vld.idx.msk [tilespmem:v5+s16+$0x0], $0xffff  }
.LBB2_11:
0x2ad: {  	p0 =	sne.s32 s7, $0x3C;
	s1 =	sadd.s32 $0x3, s6;
	v18 =	vld.idx.msk [tilespmem:v5+s17+$0x0], $0xffff;
	v19 =	vor.u32 v1, v14;
	v12 =	vadd.f32 v17, v12;
	v14 =	vmul.f32 v6, v2;
	s6 =	smov.u32 s7  }
0x2ae: {  	v16 =	vbroadcast v16, $0x0;
	v15 =	vand.u32 $0x7E, v15;
	v17 =	vmov s1;
	v2 =	vld.idx.msk [tilespmem:v9+s16+$0x0], $0xffff  }
0x2af: {  	v5 =	vor.u32 v1, v13;
	v13 =	vmul.f32 v10, v3;
	v6 =	vld.idx.msk [tilespmem:v9+s17+$0x0], $0xffff;
	v12 =	vadd.f32 v14, v12  }
.Ltmp4:
0x2b0: {  	v15 =	vbroadcast v15, $0x0;
	v14 =	vmov s7;
	v17 =	vand.u32 $0x7F, v17;
	v3 =	vld.idx.msk [tilespmem:v7+s16+$0x0], $0xffff;
	(pc) =	sbr.rel @p0 .LBB2_11-.Ltmp4, $4  }
0x2b1: {  	s1 =	sadd.s32 $0x1, s7;
	v9 =	vor.u32 v1, v16;
	v10 =	vld.idx.msk [tilespmem:v7+s17+$0x0], $0xffff;
	v12 =	vadd.f32 v13, v12;
	v13 =	vmul.f32 v11, v4  }
0x2b2: {  	v20 =	vmov s1;
	v16 =	vand.u32 $0x7C, v14;
	v14 =	vbroadcast v17, $0x0;
	v4 =	vld.idx.msk [tilespmem:v19+s16+$0x0], $0xffff  }
0x2b3: {  	s1 =	sadd.s32 $0x2, s7;
	v7 =	vor.u32 v1, v15;
	v17 =	vmul.f32 v18, v8;
	v11 =	vld.idx.msk [tilespmem:v19+s17+$0x0], $0xffff;
	v12 =	vadd.f32 v13, v12  }
0x2b4: {  	s7 =	sadd.s32 $0x4, s7;
	v15 =	vmov s1;
	v13 =	vbroadcast v16, $0x0;
	v16 =	vand.u32 $0x7D, v20;
	v8 =	vld.idx.msk [tilespmem:v5+s16+$0x0], $0xffff  }
0x2b5: {  	_ =	sdelay $0x2  }
0x2b6: {  	v12 =	vadd.f32 v17, v12;
	v2 =	vmul.f32 v6, v2  }
0x2b7: {  	v5 =	vld.idx.msk [tilespmem:v5+s17+$0x0], $0xffff;
	v44 =	vor.u32 v1, v14  }
0x2b8: {  	v45 =	vld.idx.msk [tilespmem:v9+s16+$0x0], $0xffff;
	v3 =	vmul.f32 v10, v3;
	v2 =	vadd.f32 v2, v12  }
0x2b9: {  	v46 =	vbroadcast v16, $0x0;
	v48 =	vld.idx.msk [tilespmem:v9+s17+$0x0], $0xffff;
	v47 =	vor.u32 v1, v13  }
0x2ba: {  	s1 =	sadd.s32 $0x3, s6;
	v49 =	vand.u32 $0x7E, v15;
	v50 =	vld.idx.msk [tilespmem:v7+s16+$0x0], $0xffff;
	v2 =	vadd.f32 v3, v2;
	v3 =	vmul.f32 v11, v4  }
0x2bb: {  	v53 =	vld.idx.msk [tilespmem:v7+s17+$0x0], $0xffff;
	v51 =	vmov s1;
	v52 =	vbroadcast v49, $0x0;
	v10 =	vor.u32 v1, v46  }
0x2bc: {  	v4 =	vand.u32 $0x7F, v51;
	v54 =	vld.idx.msk [tilespmem:v44+s16+$0x0], $0xffff;
	v5 =	vmul.f32 v5, v8;
	v2 =	vadd.f32 v3, v2  }
0x2bd: {  	v55 =	vor.u32 v1, v52;
	v6 =	vld.idx.msk [tilespmem:v44+s17+$0x0], $0xffff;
	v3 =	vbroadcast v4, $0x0  }
0x2be: {  	v57 =	vmul.f32 v48, v45;
	v56 =	vld.idx.msk [tilespmem:v47+s16+$0x0], $0xffff;
	v2 =	vadd.f32 v5, v2  }
0x2bf: {  	v58 =	vld.idx.msk [tilespmem:v47+s17+$0x0], $0xffff;
	v1 =	vor.u32 v1, v3  }
0x2c0: {  	v59 =	vmul.f32 v53, v50;
	v60 =	vld.idx.msk [tilespmem:v10+s17+$0x0], $0xffff;
	v2 =	vadd.f32 v57, v2  }
0x2c1: {  	v3 =	vld.idx.msk [tilespmem:v10+s16+$0x0], $0xffff  }
0x2c2: {  	v61 =	vld.idx.msk [tilespmem:v55+s16+$0x0], $0xffff;
	v62 =	vmul.f32 v6, v54;
	v2 =	vadd.f32 v59, v2  }
0x2c3: {  	v4 =	vld.idx.msk [tilespmem:v55+s17+$0x0], $0xffff  }
0x2c4: {  	v8 =	vmul.f32 v58, v56;
	v63 =	vld.idx.msk [tilespmem:v1+s16+$0x0], $0xffff;
	v2 =	vadd.f32 v62, v2  }
0x2c5: {  	v1 =	vld.idx.msk [tilespmem:v1+s17+$0x0], $0xffff  }
0x2c6: {  	v3 =	vmul.f32 v60, v3;
	v2 =	vadd.f32 v8, v2;
	_ =	sdelay $0x1  }
0x2c7: {  	s2 =	sadd.s32 $0x1, s2;
	v2 =	vadd.f32 v3, v2;
	v3 =	vmul.f32 v4, v61  }
0x2c8: {  	p0 =	sne.s32 s2, $0x10  }
.Ltmp5:
0x2c9: {  	v1 =	vmul.f32 v1, v63;
	v2 =	vadd.f32 v3, v2;
	(pc) =	sbr.rel @p0 .LBB2_10-.Ltmp5, $4  }
0x2ca: {  	_ = 	snop  }
0x2cb: {  	v1 =	vadd.f32 v1, v2  }
0x2cc: {  	s31 =	sand.u32 $0xF0, s5  }
0x2cd: {  	[tilespmem:s31+$0x10500] =	vst v1  }
0x2ce: {  	s0 =	rddreg [dreg:$0x19]  }
0x2cf: {  	[hbm4b:s0+s3] =	stream.linear.scatter [tilespmem:s16], [sflag:$0x3], $0x8000, $0x38;
	[tilespmem:$0x10600] =	vst v63  }
0x2d0: {  	s25 =	rddreg [dreg:$0x1a];
	s26 =	simm.s32 $0x3  }
0x2d1: {  	[hbm4b:s25+s3] =	stream.linear.scatter [tilespmem:s17], [sflag:$0x4], $0x8000, $0x38;
	[tilespmem:$0x10600] =	vst v63  }
0x2d2: {  	_ =	swait.ge [sflag:s26], $0x8000  }
0x2d3: {  	[sflag:s26] =	ssyncset.done $0x0  }
0x2d4: {  	s28 =	simm.s32 $0x4;
	[sflag:s26] =	ssyncadd.s32 $0xFFFF8000  }
0x2d5: {  	_ =	swait.ge [sflag:s28], $0x8000  }
0x2d6: {  	s1 =	simm.s32 $0x10400;
	[sflag:s28] =	ssyncset.done $0x0  }
0x2d7: {  	s2 =	simm.s32 $0x5;
	s29 =	rddreg [dreg:$0x1b];
	[sflag:s28] =	ssyncadd.s32 $0xFFFF8000  }
0x2d8: {  	[hbm4b:s29+s3] =	stream.linear.scatter [tilespmem:s1], [sflag:$0x5], $0x200, $0x38;
	[tilespmem:$0x10600] =	vst v63  }
0x2d9: {  	_ =	swait.ge [sflag:s2], $0x200  }
0x2da: {  	s30 =	rddreg [dreg:$0x1d]  }
0x2db: {  	s31 =	rddreg [dreg:$0x1c];
	s1 =	sadd.s32 $0x1, s30  }
0x2dc: {  	p0 =	sne.s32 s1, s31  }
.Ltmp6:
0x2dd: {  	_ = 	snop;
	(pc) =	sbr.rel @p0 .LBB2_1-.Ltmp6, $3  }
0x2de: {  	_ =	sdelay $0x1  }
0x2df: {  	[sflag:s2] =	ssyncset.done $0x0  }
0x2e0: {  	[sflag:s2] =	ssyncadd.s32 $0xFFFFFE00  }
0x2e1: {  	_ =	sfence.sel $0x180000  }
0x2e2: {  	[bflag:$0x0] =	sbarrier.arrive $0xFFFF  }
0x2e3: {  	_ =	strace $0x90000047  }
0x2e4: {  	s0 =	stileid.u32;
	[bflag:$0x2] =	sbarrier.arrive $0xFFFF  }
0x2e5: {  	p0 =	sne.s32 s0, $0x0;
	s0 =	rddreg [dreg:$0x4]  }
0x2e6: {  	s0 =	sadd.s32 @!p0 $0x100000, s0  }
0x2e7: {  	[sflag:s0] =	ssyncadd.tile.s32 @!p0 $0x1;
	_ =	shalt  }
.Lfunc_end2:
_tile_overlayer_lowered:
.L_overlay_start_2:
0x2e8: {  	(tag) =	ssettag $0x2  }
0x2e9: {  	s0 =	rddreg [dreg:$0x0];
	s2 =	stileid.u32  }
0x2ea: {  	s1 =	rddreg [dreg:$0x1];
	p0 =	sne.s32 s2, $0x0  }
0x2eb: {  	s3 =	rddreg [dreg:$0x2];
	[bflag:$0x3] =	sbarrier.arrive $0xFFFF;
	s2 =	simm.s32 @!p0 $0x1C05  }
0x2ec: {  	[timem:s3], [sflag:s2] =	dma.local @!p0 [hbm:s0], s1  }
0x2ed: {  	s0 =	simm.s32 @!p0 $0x5  }
0x2ee: {  	_ =	swait.ge @!p0 [sflag:s0], s1  }
0x2ef: {  	s1 =	ssub.s32 @!p0 $0x0, s1;
	[sflag:s0] =	ssyncset.done @!p0 $0x0  }
0x2f0: {  	[sflag:s0] =	ssyncadd.s32 @!p0 s1  }
0x2f1: {  	[bflag:$0x3] =	sbarrier.arrive $0xFFFF  }
0x2f2: {  	_ =	shalt  }

</sc_bundles>
